<compile_context>
chip_gen: v7x
topology: tpu7x:2x2x1
jax: 0.10.2.dev20260603
libtpu: 0.0.44.dev20260713+nightly
codegen_flags: <defaults>
</compile_context>

<pallas_src>
import functools
import jax
import jax.numpy as jnp
from jax import lax
from jax.experimental import pallas as pl
from jax.experimental.pallas import tpu as pltpu, tpu_sc as plsc

N = 10000
E = 320000
D = 128
ACT = 2 * D

NC = 2
NS = 16
NW = NC * NS
HD = D // 2
EPT = E // NS
CH = 125
NCH = EPT // CH
EPW = E // NW
NPAD = 10240
RPT = NPAD // NS

CHA = 128
NCHA = EPW // CHA
AUXMAIN = NCHA * CHA
AUXTAIL = EPW - AUXMAIN

_mesh = plsc.VectorSubcoreMesh(
    core_axis_name="c", subcore_axis_name="s", num_cores=NC, num_subcores=NS)
_sc_params = pltpu.CompilerParams(use_tc_tiling_on_sc=False)


@functools.partial(
    pl.kernel,
    out_type=jax.ShapeDtypeStruct((NC, NPAD, HD), jnp.float32),
    mesh=_mesh,
    compiler_params=_sc_params,
    scratch_types=[
        pltpu.VMEM((NCH, CH), jnp.int32),
        pltpu.VMEM((NCH, CH), jnp.int32),
        [pltpu.VMEM((CH, HD), jnp.float32) for _ in range(4)],
        pltpu.VMEM_SHARED((NPAD, HD), jnp.float32),
        [pltpu.SemaphoreType.DMA for _ in range(4)],
        [pltpu.SemaphoreType.DMA for _ in range(4)],
    ],
)
def _sc_segsum(hsplit_hbm, srcm_hbm, dstm_hbm, zrows_hbm, out_hbm,
               srcv, dstv, rows, acc, semg, sems):
    cid = lax.axis_index("c")
    sid = lax.axis_index("s")
    h_hbm = hsplit_hbm.at[cid]

    pltpu.sync_copy(zrows_hbm, acc.at[pl.ds(sid * RPT, RPT)])
    pltpu.sync_copy(srcm_hbm.at[sid], srcv)
    pltpu.sync_copy(dstm_hbm.at[sid], dstv)
    plsc.subcore_barrier()

    for b in range(4):
        pltpu.async_copy(h_hbm.at[srcv.at[b]], rows[b], semg[b])

    def quad_body(k, carry):
        j0 = 4 * k
        for b in range(4):
            j = j0 + b
            pltpu.make_async_copy(h_hbm.at[srcv.at[j]], rows[b], semg[b]).wait()
            pltpu.async_copy(rows[b], acc.at[dstv.at[j]], sems[b], add=True)
        for b in range(4):
            j = j0 + b

            @pl.when(j + 4 < NCH)
            def _():
                pltpu.make_async_copy(rows[b], acc.at[dstv.at[j]],
                                      sems[b]).wait()
                pltpu.async_copy(h_hbm.at[srcv.at[j + 4]], rows[b], semg[b])
        return carry

    lax.fori_loop(0, NCH // 4, quad_body, 0)

    for b in range(4):
        pltpu.make_async_copy(rows[b], acc.at[dstv.at[NCH - 4 + b]],
                              sems[b]).wait()

    plsc.subcore_barrier()
    pltpu.sync_copy(acc.at[pl.ds(sid * RPT, RPT)],
                    out_hbm.at[cid, pl.ds(sid * RPT, RPT)])


@functools.partial(
    pl.kernel,
    out_type=jax.ShapeDtypeStruct((NC, NPAD, 16), jnp.float32),
    mesh=_mesh,
    compiler_params=_sc_params,
    scratch_types=[
        pltpu.VMEM((NCHA, CHA), jnp.int32),
        pltpu.VMEM((AUXTAIL,), jnp.int32),
        [pltpu.VMEM((CHA, 16), jnp.float32) for _ in range(3)],
        pltpu.VMEM_SHARED((NPAD, 16), jnp.float32),
        [pltpu.SemaphoreType.DMA for _ in range(3)],
        [pltpu.SemaphoreType.DMA for _ in range(3)],
    ],
)
def _sc_aux(erows_hbm, dstm_hbm, dstt_hbm, z16_hbm, out_hbm,
            dstv, dtv, arows, acc, semg, sems):
    cid = lax.axis_index("c")
    sid = lax.axis_index("s")
    wid = cid * NS + sid

    pltpu.sync_copy(z16_hbm, acc.at[pl.ds(sid * RPT, RPT)])
    pltpu.sync_copy(dstm_hbm.at[wid], dstv)
    pltpu.sync_copy(dstt_hbm.at[wid], dtv)
    plsc.subcore_barrier()

    for b in range(3):
        pltpu.async_copy(erows_hbm.at[wid, pl.ds(b * CHA, CHA)],
                         arows[b], semg[b])

    def tri_body(k, carry):
        j0 = 3 * k
        for b in range(3):
            j = j0 + b
            pltpu.make_async_copy(erows_hbm.at[wid, pl.ds(j * CHA, CHA)],
                                  arows[b], semg[b]).wait()
            pltpu.async_copy(arows[b], acc.at[dstv.at[j]], sems[b], add=True)
        for b in range(3):
            j = j0 + b

            @pl.when(j + 3 < NCHA)
            def _():
                pltpu.make_async_copy(arows[b], acc.at[dstv.at[j]],
                                      sems[b]).wait()
                pltpu.async_copy(
                    erows_hbm.at[wid, pl.ds((j + 3) * CHA, CHA)],
                    arows[b], semg[b])
        return carry

    lax.fori_loop(0, NCHA // 3, tri_body, 0)
    for b in range(3):
        pltpu.make_async_copy(arows[b], acc.at[dstv.at[NCHA - 3 + b]],
                              sems[b]).wait()

    pltpu.sync_copy(erows_hbm.at[wid, pl.ds(AUXMAIN, AUXTAIL)],
                    arows[0].at[pl.ds(0, AUXTAIL)])
    pltpu.sync_copy(arows[0].at[pl.ds(0, AUXTAIL)], acc.at[dtv[...]], add=True)

    plsc.subcore_barrier()
    pltpu.sync_copy(acc.at[pl.ds(sid * RPT, RPT)],
                    out_hbm.at[cid, pl.ds(sid * RPT, RPT)])


BN = 1000

def _tc_round_body(h_ref, s_ref, a_ref,
                   A2_ref, B2_ref, cvec_ref, bm_ref,
                   WihT_ref, WhhT_ref, bih_ref, bhh_ref, out_ref, hs_ref):
    h = h_ref[...]
    aux = a_ref[0] + a_ref[1]
    she = aux[:, 0:1]
    deg = aux[:, 1:2]
    f32 = jnp.float32
    hp = jax.lax.Precision.HIGHEST
    hb = h.astype(jnp.bfloat16)
    a = (deg * (jnp.dot(hb, A2_ref[...], preferred_element_type=f32) + bm_ref[...])
         + jnp.dot(s_ref[0], B2_ref[:HD], preferred_element_type=f32, precision=hp)
         + jnp.dot(s_ref[1], B2_ref[HD:], preferred_element_type=f32, precision=hp)
         + she * cvec_ref[...])
    gi = jnp.dot(a.astype(jnp.bfloat16), WihT_ref[...], preferred_element_type=f32) + bih_ref[...]
    gh = jnp.dot(hb, WhhT_ref[...], preferred_element_type=f32) + bhh_ref[...]
    r = jax.nn.sigmoid(gi[:, :D] + gh[:, :D])
    z = jax.nn.sigmoid(gi[:, D:2 * D] + gh[:, D:2 * D])
    n = jnp.tanh(gi[:, 2 * D:] + r * gh[:, 2 * D:])
    hn = (1.0 - z) * n + z * h
    out_ref[...] = hn
    hr = hn.astype(jnp.bfloat16).astype(f32)
    hs_ref[0] = hr[:, :HD]
    hs_ref[1] = hr[:, HD:]


def _tc_round(h, S, aux, A2, B2, cvec, bm2, WihT, WhhT, bih2, bhh2):
    row_spec = lambda width: pl.BlockSpec((BN, width), lambda i: (i, 0))
    pair_spec = lambda width: pl.BlockSpec((NC, BN, width), lambda i: (0, i, 0))
    full = lambda shape: pl.BlockSpec(shape, lambda i: (0, 0))
    return pl.pallas_call(
        _tc_round_body,
        grid=(N // BN,),
        in_specs=[
            row_spec(D), pair_spec(HD), pair_spec(16),
            full((D, ACT)), full((D, ACT)), full((1, ACT)), full((1, ACT)),
            full((ACT, 3 * D)), full((D, 3 * D)), full((1, 3 * D)), full((1, 3 * D)),
        ],
        out_specs=[row_spec(D), pair_spec(D // 2)],
        out_shape=[jax.ShapeDtypeStruct((N, D), jnp.float32),
                   jax.ShapeDtypeStruct((NC, N, HD), jnp.float32)],
    )(h, S, aux, A2, B2, cvec, bm2, WihT, WhhT, bih2, bhh2)


def kernel(hv, edge_index, he,
           Wm0, bm0, Wih0, Whh0, bih0, bhh0,
           Wm1, bm1, Wih1, Whh1, bih1, bhh1):
    src = edge_index[0]
    dst = edge_index[1]
    srcm = src.reshape(NS, NCH, CH)
    dstm = dst.reshape(NS, NCH, CH)
    dst_w = dst.reshape(NW, EPW)
    dsta = dst_w[:, :AUXMAIN].reshape(NW, NCHA, CHA)
    dstt = dst_w[:, AUXMAIN:]
    he_r = he.astype(jnp.bfloat16).astype(jnp.float32)
    erows = jnp.concatenate(
        [he_r, jnp.ones((E, 1), jnp.float32), jnp.zeros((E, 14), jnp.float32)],
        axis=1).reshape(NW, EPW, 16)
    zrows = jnp.zeros((RPT, HD), jnp.float32)
    z16 = jnp.zeros((RPT, 16), jnp.float32)

    aux = _sc_aux(erows, dsta, dstt, z16)

    h = hv
    h_r0 = hv.astype(jnp.bfloat16).astype(jnp.float32)
    h_split = jnp.stack([h_r0[:, :HD], h_r0[:, HD:]])
    for (Wm, bm, Wih, Whh, bih, bhh) in (
            (Wm0, bm0, Wih0, Whh0, bih0, bhh0),
            (Wm1, bm1, Wih1, Whh1, bih1, bhh1)):
        bf16, f32 = jnp.bfloat16, jnp.float32
        WmT = Wm.T
        A2 = WmT[:D].astype(bf16)
        B2 = WmT[D:2 * D].astype(bf16).astype(f32)
        cvec = WmT[2 * D:2 * D + 1].astype(bf16).astype(f32)
        S = _sc_segsum(h_split, srcm, dstm, zrows)
        h, h_split = _tc_round(h, S, aux,
                               A2, B2, cvec, bm.reshape(1, ACT),
                               Wih.T.astype(bf16), Whh.T.astype(bf16),
                               bih.reshape(1, 3 * D), bhh.reshape(1, 3 * D))
    return h

# --- scband reference (transcript-rebuilt; emitter-appended) ---
"""Pipeline reference for scband-graph-prop-29910152249899 (READ-ONLY COPY).

The authoritative reference and input builder live on the scoring server;
editing this copy changes nothing except your own understanding.
"""

import jax, jax.numpy as jnp
import numpy as np

N = 10000
E = 320000
D = 128
ROUNDS = 2
ACT = 2 * D  # node_activation_hidden_size


def gru_cell(x, h, Wih, Whh, bih, bhh):
    # Faithful torch.nn.GRUCell math
    gi = x @ Wih.T + bih
    gh = h @ Whh.T + bhh
    i_r, i_z, i_n = jnp.split(gi, 3, axis=1)
    h_r, h_z, h_n = jnp.split(gh, 3, axis=1)
    r = jax.nn.sigmoid(i_r + h_r)
    z = jax.nn.sigmoid(i_z + h_z)
    n = jnp.tanh(i_n + r * h_n)
    return (1.0 - z) * n + z * h


def setup_inputs(seed: int = 0) -> dict:
    key = jax.random.key(seed)
    ks = jax.random.split(key, 16)
    inp = {}
    inp['hv'] = jax.random.normal(ks[0], (N, D), dtype=jnp.float32)
    inp['edge_index'] = jax.random.randint(ks[1], (2, E), 0, N, dtype=jnp.int32)
    inp['he'] = jax.random.normal(ks[2], (E, 1), dtype=jnp.float32)
    # Learned parameters for each of the 2 propagation rounds
    for t in range(ROUNDS):
        base = 3 + t * 6
        inp[f'Wm{t}'] = jax.random.normal(ks[base + 0], (ACT, 2 * D + 1), dtype=jnp.float32) * 0.05
        inp[f'bm{t}'] = jnp.zeros((ACT,), dtype=jnp.float32)
        inp[f'Wih{t}'] = jax.random.normal(ks[base + 2], (3 * D, ACT), dtype=jnp.float32) * 0.05
        inp[f'Whh{t}'] = jax.random.normal(ks[base + 3], (3 * D, D), dtype=jnp.float32) * 0.05
        inp[f'bih{t}'] = jnp.zeros((3 * D,), dtype=jnp.float32)
        inp[f'bhh{t}'] = jnp.zeros((3 * D,), dtype=jnp.float32)
    return inp


def reference(hv, edge_index, he,
              Wm0, bm0, Wih0, Whh0, bih0, bhh0,
              Wm1, bm1, Wih1, Whh1, bih1, bhh1):
    src = edge_index[0]
    dst = edge_index[1]
    params = [
        (Wm0, bm0, Wih0, Whh0, bih0, bhh0),
        (Wm1, bm1, Wih1, Whh1, bih1, bhh1),
    ]
    h = hv
    for (Wm, bm, Wih, Whh, bih, bhh) in params:
        # dgmg_msg: m = concat([h_src, he]) per edge
        m = jnp.concatenate([jnp.take(h, src, axis=0), he], axis=1)  # [E, D+1]
        # dgmg_reduce: concat([h_dst, m]) -> Linear -> sum over incoming edges
        msg_in = jnp.concatenate([jnp.take(h, dst, axis=0), m], axis=1)  # [E, 2D+1]
        act = msg_in @ Wm.T + bm  # [E, 2D]
        a = jax.ops.segment_sum(act, dst, num_segments=N)  # [N, 2D]
        # node update: GRUCell(a, h)
        h = gru_cell(a, h, Wih, Whh, bih, bhh)
    return h

if __name__ == "__main__":
    import jax
    _d = setup_inputs()
    print(jax.jit(kernel)(*tuple(_d.values())))

</pallas_src>

<mosaic_0001>
#map = affine_map<(d0, d1) -> (0, 0, 0)>
#map1 = affine_map<(d0, d1) -> (0, 0)>
module attributes {stable_mosaic.version = 14 : i64} {
  func.func @_sc_segsum(%arg0: i32, %arg1: i32, %arg2: memref<2x10000x64xf32, #tpu.memory_space<hbm>>, %arg3: memref<16x160x125xi32, #tpu.memory_space<hbm>>, %arg4: memref<16x160x125xi32, #tpu.memory_space<hbm>>, %arg5: memref<640x64xf32, #tpu.memory_space<hbm>>, %arg6: memref<2x10240x64xf32, #tpu.memory_space<hbm>>, %arg7: memref<160x125xi32, #tpu.memory_space<vmem>>, %arg8: memref<160x125xi32, #tpu.memory_space<vmem>>, %arg9: memref<125x64xf32, #tpu.memory_space<vmem>>, %arg10: memref<125x64xf32, #tpu.memory_space<vmem>>, %arg11: memref<125x64xf32, #tpu.memory_space<vmem>>, %arg12: memref<125x64xf32, #tpu.memory_space<vmem>>, %arg13: memref<10240x64xf32, #tpu.memory_space<vmem_shared>>, %arg14: memref<!tpu.dma_semaphore, #tpu.memory_space<semaphore_mem>>, %arg15: memref<!tpu.dma_semaphore, #tpu.memory_space<semaphore_mem>>, %arg16: memref<!tpu.dma_semaphore, #tpu.memory_space<semaphore_mem>>, %arg17: memref<!tpu.dma_semaphore, #tpu.memory_space<semaphore_mem>>, %arg18: memref<!tpu.dma_semaphore, #tpu.memory_space<semaphore_mem>>, %arg19: memref<!tpu.dma_semaphore, #tpu.memory_space<semaphore_mem>>, %arg20: memref<!tpu.dma_semaphore, #tpu.memory_space<semaphore_mem>>, %arg21: memref<!tpu.dma_semaphore, #tpu.memory_space<semaphore_mem>>) attributes {dimension_semantics = [#tpu.dimension_semantics<core_parallel>, #tpu.dimension_semantics<subcore_parallel>], iteration_bounds = array<i64: 2, 16>, scalar_prefetch = 0 : i64, scratch_operands = 15 : i64, tpu.core_type = #tpu.core_type<sc_vector_subcore>, window_params = [{transform_indices = #map}, {transform_indices = #map}, {transform_indices = #map}, {transform_indices = #map1}, {transform_indices = #map}]} {
    %mul3A = arith.constant 640 : i32
    %mul3A_0 = arith.muli %arg1, %mul3A : i32
    "tpu.region"() ({
      %run_scoped3A = tpu.sem_alloc : memref<!tpu.dma_semaphore, #tpu.memory_space<semaphore_mem>>
      %dma_start3A_81 = arith.constant 0 : i32
      %dma_start3A_82 = tpu.memref_slice %arg13[%mul3A_0, %dma_start3A_81] : memref<10240x64xf32, #tpu.memory_space<vmem_shared>> -> memref<640x64xf32, #tpu.memory_space<vmem_shared>>
      tpu.enqueue_dma source(%arg5 : memref<640x64xf32, #tpu.memory_space<hbm>>) target(%dma_start3A_82 : memref<640x64xf32, #tpu.memory_space<vmem_shared>>) target_semaphore(%run_scoped3A : memref<!tpu.dma_semaphore, #tpu.memory_space<semaphore_mem>>)
      %dma_wait3A_83 = arith.constant 0 : i32
      %dma_wait3A_84 = tpu.memref_slice %arg13[%mul3A_0, %dma_wait3A_83] : memref<10240x64xf32, #tpu.memory_space<vmem_shared>> -> memref<640x64xf32, #tpu.memory_space<vmem_shared>>
      tpu.wait_dma2 semaphore(%run_scoped3A : memref<!tpu.dma_semaphore, #tpu.memory_space<semaphore_mem>>) src(%arg5 : memref<640x64xf32, #tpu.memory_space<hbm>>) dst(%dma_wait3A_84 : memref<640x64xf32, #tpu.memory_space<vmem_shared>>)
      tpu.yield
    }) : () -> ()
    "tpu.region"() ({
      %run_scoped3A = tpu.sem_alloc : memref<!tpu.dma_semaphore, #tpu.memory_space<semaphore_mem>>
      %dma_start3A_81 = arith.constant 0 : i32
      %dma_start3A_82 = arith.constant 0 : i32
      %dma_start3A_83 = tpu.memref_slice %arg3[%arg1, %dma_start3A_81, %dma_start3A_82] : memref<16x160x125xi32, #tpu.memory_space<hbm>> -> memref<1x160x125xi32, #tpu.memory_space<hbm>>
      %dma_start3A_84 = tpu.memref_squeeze %dma_start3A_83 : memref<1x160x125xi32, #tpu.memory_space<hbm>> -> memref<160x125xi32, #tpu.memory_space<hbm>>
      %dma_start3A_85 = arith.constant 0 : i32
      %dma_start3A_86 = arith.constant 0 : i32
      %dma_start3A_87 = tpu.memref_slice %arg3[%arg1, %dma_start3A_85, %dma_start3A_86] : memref<16x160x125xi32, #tpu.memory_space<hbm>> -> memref<1x160x125xi32, #tpu.memory_space<hbm>>
      %dma_start3A_88 = tpu.memref_squeeze %dma_start3A_87 : memref<1x160x125xi32, #tpu.memory_space<hbm>> -> memref<160x125xi32, #tpu.memory_space<hbm>>
      tpu.enqueue_dma source(%dma_start3A_88 : memref<160x125xi32, #tpu.memory_space<hbm>>) target(%arg7 : memref<160x125xi32, #tpu.memory_space<vmem>>) target_semaphore(%run_scoped3A : memref<!tpu.dma_semaphore, #tpu.memory_space<semaphore_mem>>)
      %dma_wait3A_89 = arith.constant 0 : i32
      %dma_wait3A_90 = arith.constant 0 : i32
      %dma_wait3A_91 = tpu.memref_slice %arg3[%arg1, %dma_wait3A_89, %dma_wait3A_90] : memref<16x160x125xi32, #tpu.memory_space<hbm>> -> memref<1x160x125xi32, #tpu.memory_space<hbm>>
      %dma_wait3A_92 = tpu.memref_squeeze %dma_wait3A_91 : memref<1x160x125xi32, #tpu.memory_space<hbm>> -> memref<160x125xi32, #tpu.memory_space<hbm>>
      %dma_wait3A_93 = arith.constant 0 : i32
      %dma_wait3A_94 = arith.constant 0 : i32
      %dma_wait3A_95 = tpu.memref_slice %arg3[%arg1, %dma_wait3A_93, %dma_wait3A_94] : memref<16x160x125xi32, #tpu.memory_space<hbm>> -> memref<1x160x125xi32, #tpu.memory_space<hbm>>
      %dma_wait3A_96 = tpu.memref_squeeze %dma_wait3A_95 : memref<1x160x125xi32, #tpu.memory_space<hbm>> -> memref<160x125xi32, #tpu.memory_space<hbm>>
      tpu.wait_dma2 semaphore(%run_scoped3A : memref<!tpu.dma_semaphore, #tpu.memory_space<semaphore_mem>>) src(%dma_wait3A_96 : memref<160x125xi32, #tpu.memory_space<hbm>>) dst(%arg7 : memref<160x125xi32, #tpu.memory_space<vmem>>)
      tpu.yield
    }) : () -> ()
    "tpu.region"() ({
      %run_scoped3A = tpu.sem_alloc : memref<!tpu.dma_semaphore, #tpu.memory_space<semaphore_mem>>
      %dma_start3A_81 = arith.constant 0 : i32
      %dma_start3A_82 = arith.constant 0 : i32
      %dma_start3A_83 = tpu.memref_slice %arg4[%arg1, %dma_start3A_81, %dma_start3A_82] : memref<16x160x125xi32, #tpu.memory_space<hbm>> -> memref<1x160x125xi32, #tpu.memory_space<hbm>>
      %dma_start3A_84 = tpu.memref_squeeze %dma_start3A_83 : memref<1x160x125xi32, #tpu.memory_space<hbm>> -> memref<160x125xi32, #tpu.memory_space<hbm>>
      %dma_start3A_85 = arith.constant 0 : i32
      %dma_start3A_86 = arith.constant 0 : i32
      %dma_start3A_87 = tpu.memref_slice %arg4[%arg1, %dma_start3A_85, %dma_start3A_86] : memref<16x160x125xi32, #tpu.memory_space<hbm>> -> memref<1x160x125xi32, #tpu.memory_space<hbm>>
      %dma_start3A_88 = tpu.memref_squeeze %dma_start3A_87 : memref<1x160x125xi32, #tpu.memory_space<hbm>> -> memref<160x125xi32, #tpu.memory_space<hbm>>
      tpu.enqueue_dma source(%dma_start3A_88 : memref<160x125xi32, #tpu.memory_space<hbm>>) target(%arg8 : memref<160x125xi32, #tpu.memory_space<vmem>>) target_semaphore(%run_scoped3A : memref<!tpu.dma_semaphore, #tpu.memory_space<semaphore_mem>>)
      %dma_wait3A_89 = arith.constant 0 : i32
      %dma_wait3A_90 = arith.constant 0 : i32
      %dma_wait3A_91 = tpu.memref_slice %arg4[%arg1, %dma_wait3A_89, %dma_wait3A_90] : memref<16x160x125xi32, #tpu.memory_space<hbm>> -> memref<1x160x125xi32, #tpu.memory_space<hbm>>
      %dma_wait3A_92 = tpu.memref_squeeze %dma_wait3A_91 : memref<1x160x125xi32, #tpu.memory_space<hbm>> -> memref<160x125xi32, #tpu.memory_space<hbm>>
      %dma_wait3A_93 = arith.constant 0 : i32
      %dma_wait3A_94 = arith.constant 0 : i32
      %dma_wait3A_95 = tpu.memref_slice %arg4[%arg1, %dma_wait3A_93, %dma_wait3A_94] : memref<16x160x125xi32, #tpu.memory_space<hbm>> -> memref<1x160x125xi32, #tpu.memory_space<hbm>>
      %dma_wait3A_96 = tpu.memref_squeeze %dma_wait3A_95 : memref<1x160x125xi32, #tpu.memory_space<hbm>> -> memref<160x125xi32, #tpu.memory_space<hbm>>
      tpu.wait_dma2 semaphore(%run_scoped3A : memref<!tpu.dma_semaphore, #tpu.memory_space<semaphore_mem>>) src(%dma_wait3A_96 : memref<160x125xi32, #tpu.memory_space<hbm>>) dst(%arg8 : memref<160x125xi32, #tpu.memory_space<vmem>>)
      tpu.yield
    }) : () -> ()
    %barrier3A = arith.constant 0 : index
    tpu.barrier barrier_id(%barrier3A)
    %dma_start3A = arith.constant 0 : i32
    %dma_start3A_1 = arith.constant 0 : i32
    %dma_start3A_2 = tpu.memref_slice %arg7[%dma_start3A, %dma_start3A_1] : memref<160x125xi32, #tpu.memory_space<vmem>> -> memref<1x125xi32, #tpu.memory_space<vmem>>
    %dma_start3A_3 = tpu.memref_squeeze %dma_start3A_2 : memref<1x125xi32, #tpu.memory_space<vmem>> -> memref<125xi32, #tpu.memory_space<vmem>>
    %dma_start3A_4 = arith.constant 0 : i32
    %dma_start3A_5 = arith.constant 0 : i32
    %dma_start3A_6 = tpu.memref_slice %arg2[%arg0, %dma_start3A_4, %dma_start3A_5] : memref<2x10000x64xf32, #tpu.memory_space<hbm>> -> memref<1x10000x64xf32, #tpu.memory_space<hbm>>
    %dma_start3A_7 = tpu.memref_squeeze %dma_start3A_6 : memref<1x10000x64xf32, #tpu.memory_space<hbm>> -> memref<10000x64xf32, #tpu.memory_space<hbm>>
    %dma_start3A_8 = arith.constant 0 : i32
    %dma_start3A_9 = arith.constant 0 : i32
    %dma_start3A_10 = tpu.memref_slice %dma_start3A_7[%dma_start3A_8, %dma_start3A_9] : memref<10000x64xf32, #tpu.memory_space<hbm>> -> memref<10000x64xf32, #tpu.memory_space<hbm>>
    tpu.enqueue_indirect_dma source(%dma_start3A_10 : memref<10000x64xf32, #tpu.memory_space<hbm>>) target(%arg9 : memref<125x64xf32, #tpu.memory_space<vmem>>) offsets(%dma_start3A_3 : memref<125xi32, #tpu.memory_space<vmem>>) semaphore(%arg14 : memref<!tpu.dma_semaphore, #tpu.memory_space<semaphore_mem>>)
    %dma_start3A_11 = arith.constant 1 : i32
    %dma_start3A_12 = arith.constant 0 : i32
    %dma_start3A_13 = tpu.memref_slice %arg7[%dma_start3A_11, %dma_start3A_12] : memref<160x125xi32, #tpu.memory_space<vmem>> -> memref<1x125xi32, #tpu.memory_space<vmem>>
    %dma_start3A_14 = tpu.memref_squeeze %dma_start3A_13 : memref<1x125xi32, #tpu.memory_space<vmem>> -> memref<125xi32, #tpu.memory_space<vmem>>
    %dma_start3A_15 = arith.constant 0 : i32
    %dma_start3A_16 = arith.constant 0 : i32
    %dma_start3A_17 = tpu.memref_slice %arg2[%arg0, %dma_start3A_15, %dma_start3A_16] : memref<2x10000x64xf32, #tpu.memory_space<hbm>> -> memref<1x10000x64xf32, #tpu.memory_space<hbm>>
    %dma_start3A_18 = tpu.memref_squeeze %dma_start3A_17 : memref<1x10000x64xf32, #tpu.memory_space<hbm>> -> memref<10000x64xf32, #tpu.memory_space<hbm>>
    %dma_start3A_19 = arith.constant 0 : i32
    %dma_start3A_20 = arith.constant 0 : i32
    %dma_start3A_21 = tpu.memref_slice %dma_start3A_18[%dma_start3A_19, %dma_start3A_20] : memref<10000x64xf32, #tpu.memory_space<hbm>> -> memref<10000x64xf32, #tpu.memory_space<hbm>>
    tpu.enqueue_indirect_dma source(%dma_start3A_21 : memref<10000x64xf32, #tpu.memory_space<hbm>>) target(%arg10 : memref<125x64xf32, #tpu.memory_space<vmem>>) offsets(%dma_start3A_14 : memref<125xi32, #tpu.memory_space<vmem>>) semaphore(%arg15 : memref<!tpu.dma_semaphore, #tpu.memory_space<semaphore_mem>>)
    %dma_start3A_22 = arith.constant 2 : i32
    %dma_start3A_23 = arith.constant 0 : i32
    %dma_start3A_24 = tpu.memref_slice %arg7[%dma_start3A_22, %dma_start3A_23] : memref<160x125xi32, #tpu.memory_space<vmem>> -> memref<1x125xi32, #tpu.memory_space<vmem>>
    %dma_start3A_25 = tpu.memref_squeeze %dma_start3A_24 : memref<1x125xi32, #tpu.memory_space<vmem>> -> memref<125xi32, #tpu.memory_space<vmem>>
    %dma_start3A_26 = arith.constant 0 : i32
    %dma_start3A_27 = arith.constant 0 : i32
    %dma_start3A_28 = tpu.memref_slice %arg2[%arg0, %dma_start3A_26, %dma_start3A_27] : memref<2x10000x64xf32, #tpu.memory_space<hbm>> -> memref<1x10000x64xf32, #tpu.memory_space<hbm>>
    %dma_start3A_29 = tpu.memref_squeeze %dma_start3A_28 : memref<1x10000x64xf32, #tpu.memory_space<hbm>> -> memref<10000x64xf32, #tpu.memory_space<hbm>>
    %dma_start3A_30 = arith.constant 0 : i32
    %dma_start3A_31 = arith.constant 0 : i32
    %dma_start3A_32 = tpu.memref_slice %dma_start3A_29[%dma_start3A_30, %dma_start3A_31] : memref<10000x64xf32, #tpu.memory_space<hbm>> -> memref<10000x64xf32, #tpu.memory_space<hbm>>
    tpu.enqueue_indirect_dma source(%dma_start3A_32 : memref<10000x64xf32, #tpu.memory_space<hbm>>) target(%arg11 : memref<125x64xf32, #tpu.memory_space<vmem>>) offsets(%dma_start3A_25 : memref<125xi32, #tpu.memory_space<vmem>>) semaphore(%arg16 : memref<!tpu.dma_semaphore, #tpu.memory_space<semaphore_mem>>)
    %dma_start3A_33 = arith.constant 3 : i32
    %dma_start3A_34 = arith.constant 0 : i32
    %dma_start3A_35 = tpu.memref_slice %arg7[%dma_start3A_33, %dma_start3A_34] : memref<160x125xi32, #tpu.memory_space<vmem>> -> memref<1x125xi32, #tpu.memory_space<vmem>>
    %dma_start3A_36 = tpu.memref_squeeze %dma_start3A_35 : memref<1x125xi32, #tpu.memory_space<vmem>> -> memref<125xi32, #tpu.memory_space<vmem>>
    %dma_start3A_37 = arith.constant 0 : i32
    %dma_start3A_38 = arith.constant 0 : i32
    %dma_start3A_39 = tpu.memref_slice %arg2[%arg0, %dma_start3A_37, %dma_start3A_38] : memref<2x10000x64xf32, #tpu.memory_space<hbm>> -> memref<1x10000x64xf32, #tpu.memory_space<hbm>>
    %dma_start3A_40 = tpu.memref_squeeze %dma_start3A_39 : memref<1x10000x64xf32, #tpu.memory_space<hbm>> -> memref<10000x64xf32, #tpu.memory_space<hbm>>
    %dma_start3A_41 = arith.constant 0 : i32
    %dma_start3A_42 = arith.constant 0 : i32
    %dma_start3A_43 = tpu.memref_slice %dma_start3A_40[%dma_start3A_41, %dma_start3A_42] : memref<10000x64xf32, #tpu.memory_space<hbm>> -> memref<10000x64xf32, #tpu.memory_space<hbm>>
    tpu.enqueue_indirect_dma source(%dma_start3A_43 : memref<10000x64xf32, #tpu.memory_space<hbm>>) target(%arg12 : memref<125x64xf32, #tpu.memory_space<vmem>>) offsets(%dma_start3A_36 : memref<125xi32, #tpu.memory_space<vmem>>) semaphore(%arg17 : memref<!tpu.dma_semaphore, #tpu.memory_space<semaphore_mem>>)
    %scan3A = arith.constant 0 : i32
    %scan3A_44 = arith.constant 0 : i32
    %scan3A_45 = arith.constant 40 : i32
    %scan3A_46 = arith.addi %scan3A_44, %scan3A_45 : i32
    %scan3A_47 = arith.constant 1 : i32
    scf.for %scan3A_81 = %scan3A_44 to %scan3A_46 step %scan3A_47  : i32 {
      %mul3A_82 = arith.constant 4 : i32
      %mul3A_83 = arith.muli %mul3A_82, %scan3A_81 : i32
      %add3A = arith.constant 0 : i32
      %add3A_84 = arith.addi %mul3A_83, %add3A : i32
      %dma_wait3A_85 = arith.constant 0 : i32
      %dma_wait3A_86 = tpu.memref_slice %arg7[%add3A_84, %dma_wait3A_85] : memref<160x125xi32, #tpu.memory_space<vmem>> -> memref<1x125xi32, #tpu.memory_space<vmem>>
      %dma_wait3A_87 = tpu.memref_squeeze %dma_wait3A_86 : memref<1x125xi32, #tpu.memory_space<vmem>> -> memref<125xi32, #tpu.memory_space<vmem>>
      %dma_wait3A_88 = arith.constant 0 : i32
      %dma_wait3A_89 = arith.constant 0 : i32
      %dma_wait3A_90 = tpu.memref_slice %arg2[%arg0, %dma_wait3A_88, %dma_wait3A_89] : memref<2x10000x64xf32, #tpu.memory_space<hbm>> -> memref<1x10000x64xf32, #tpu.memory_space<hbm>>
      %dma_wait3A_91 = tpu.memref_squeeze %dma_wait3A_90 : memref<1x10000x64xf32, #tpu.memory_space<hbm>> -> memref<10000x64xf32, #tpu.memory_space<hbm>>
      %dma_wait3A_92 = arith.constant 0 : i32
      %dma_wait3A_93 = arith.constant 0 : i32
      %dma_wait3A_94 = tpu.memref_slice %dma_wait3A_91[%dma_wait3A_92, %dma_wait3A_93] : memref<10000x64xf32, #tpu.memory_space<hbm>> -> memref<10000x64xf32, #tpu.memory_space<hbm>>
      tpu.wait_indirect_dma semaphore(%arg14 : memref<!tpu.dma_semaphore, #tpu.memory_space<semaphore_mem>>) src(%dma_wait3A_94 : memref<10000x64xf32, #tpu.memory_space<hbm>>) dst(%arg9 : memref<125x64xf32, #tpu.memory_space<vmem>>)
      %dma_start3A_95 = arith.constant 0 : i32
      %dma_start3A_96 = tpu.memref_slice %arg8[%add3A_84, %dma_start3A_95] : memref<160x125xi32, #tpu.memory_space<vmem>> -> memref<1x125xi32, #tpu.memory_space<vmem>>
      %dma_start3A_97 = tpu.memref_squeeze %dma_start3A_96 : memref<1x125xi32, #tpu.memory_space<vmem>> -> memref<125xi32, #tpu.memory_space<vmem>>
      %dma_start3A_98 = arith.constant 0 : i32
      %dma_start3A_99 = arith.constant 0 : i32
      %dma_start3A_100 = tpu.memref_slice %arg13[%dma_start3A_98, %dma_start3A_99] : memref<10240x64xf32, #tpu.memory_space<vmem_shared>> -> memref<10240x64xf32, #tpu.memory_space<vmem_shared>>
      tpu.enqueue_indirect_dma source(%arg9 : memref<125x64xf32, #tpu.memory_space<vmem>>) target(%dma_start3A_100 : memref<10240x64xf32, #tpu.memory_space<vmem_shared>>) offsets(%dma_start3A_97 : memref<125xi32, #tpu.memory_space<vmem>>) semaphore(%arg18 : memref<!tpu.dma_semaphore, #tpu.memory_space<semaphore_mem>>) {add = true}
      %add3A_101 = arith.constant 1 : i32
      %add3A_102 = arith.addi %mul3A_83, %add3A_101 : i32
      %dma_wait3A_103 = arith.constant 0 : i32
      %dma_wait3A_104 = tpu.memref_slice %arg7[%add3A_102, %dma_wait3A_103] : memref<160x125xi32, #tpu.memory_space<vmem>> -> memref<1x125xi32, #tpu.memory_space<vmem>>
      %dma_wait3A_105 = tpu.memref_squeeze %dma_wait3A_104 : memref<1x125xi32, #tpu.memory_space<vmem>> -> memref<125xi32, #tpu.memory_space<vmem>>
      %dma_wait3A_106 = arith.constant 0 : i32
      %dma_wait3A_107 = arith.constant 0 : i32
      %dma_wait3A_108 = tpu.memref_slice %arg2[%arg0, %dma_wait3A_106, %dma_wait3A_107] : memref<2x10000x64xf32, #tpu.memory_space<hbm>> -> memref<1x10000x64xf32, #tpu.memory_space<hbm>>
      %dma_wait3A_109 = tpu.memref_squeeze %dma_wait3A_108 : memref<1x10000x64xf32, #tpu.memory_space<hbm>> -> memref<10000x64xf32, #tpu.memory_space<hbm>>
      %dma_wait3A_110 = arith.constant 0 : i32
      %dma_wait3A_111 = arith.constant 0 : i32
      %dma_wait3A_112 = tpu.memref_slice %dma_wait3A_109[%dma_wait3A_110, %dma_wait3A_111] : memref<10000x64xf32, #tpu.memory_space<hbm>> -> memref<10000x64xf32, #tpu.memory_space<hbm>>
      tpu.wait_indirect_dma semaphore(%arg15 : memref<!tpu.dma_semaphore, #tpu.memory_space<semaphore_mem>>) src(%dma_wait3A_112 : memref<10000x64xf32, #tpu.memory_space<hbm>>) dst(%arg10 : memref<125x64xf32, #tpu.memory_space<vmem>>)
      %dma_start3A_113 = arith.constant 0 : i32
      %dma_start3A_114 = tpu.memref_slice %arg8[%add3A_102, %dma_start3A_113] : memref<160x125xi32, #tpu.memory_space<vmem>> -> memref<1x125xi32, #tpu.memory_space<vmem>>
      %dma_start3A_115 = tpu.memref_squeeze %dma_start3A_114 : memref<1x125xi32, #tpu.memory_space<vmem>> -> memref<125xi32, #tpu.memory_space<vmem>>
      %dma_start3A_116 = arith.constant 0 : i32
      %dma_start3A_117 = arith.constant 0 : i32
      %dma_start3A_118 = tpu.memref_slice %arg13[%dma_start3A_116, %dma_start3A_117] : memref<10240x64xf32, #tpu.memory_space<vmem_shared>> -> memref<10240x64xf32, #tpu.memory_space<vmem_shared>>
      tpu.enqueue_indirect_dma source(%arg10 : memref<125x64xf32, #tpu.memory_space<vmem>>) target(%dma_start3A_118 : memref<10240x64xf32, #tpu.memory_space<vmem_shared>>) offsets(%dma_start3A_115 : memref<125xi32, #tpu.memory_space<vmem>>) semaphore(%arg19 : memref<!tpu.dma_semaphore, #tpu.memory_space<semaphore_mem>>) {add = true}
      %add3A_119 = arith.constant 2 : i32
      %add3A_120 = arith.addi %mul3A_83, %add3A_119 : i32
      %dma_wait3A_121 = arith.constant 0 : i32
      %dma_wait3A_122 = tpu.memref_slice %arg7[%add3A_120, %dma_wait3A_121] : memref<160x125xi32, #tpu.memory_space<vmem>> -> memref<1x125xi32, #tpu.memory_space<vmem>>
      %dma_wait3A_123 = tpu.memref_squeeze %dma_wait3A_122 : memref<1x125xi32, #tpu.memory_space<vmem>> -> memref<125xi32, #tpu.memory_space<vmem>>
      %dma_wait3A_124 = arith.constant 0 : i32
      %dma_wait3A_125 = arith.constant 0 : i32
      %dma_wait3A_126 = tpu.memref_slice %arg2[%arg0, %dma_wait3A_124, %dma_wait3A_125] : memref<2x10000x64xf32, #tpu.memory_space<hbm>> -> memref<1x10000x64xf32, #tpu.memory_space<hbm>>
      %dma_wait3A_127 = tpu.memref_squeeze %dma_wait3A_126 : memref<1x10000x64xf32, #tpu.memory_space<hbm>> -> memref<10000x64xf32, #tpu.memory_space<hbm>>
      %dma_wait3A_128 = arith.constant 0 : i32
      %dma_wait3A_129 = arith.constant 0 : i32
      %dma_wait3A_130 = tpu.memref_slice %dma_wait3A_127[%dma_wait3A_128, %dma_wait3A_129] : memref<10000x64xf32, #tpu.memory_space<hbm>> -> memref<10000x64xf32, #tpu.memory_space<hbm>>
      tpu.wait_indirect_dma semaphore(%arg16 : memref<!tpu.dma_semaphore, #tpu.memory_space<semaphore_mem>>) src(%dma_wait3A_130 : memref<10000x64xf32, #tpu.memory_space<hbm>>) dst(%arg11 : memref<125x64xf32, #tpu.memory_space<vmem>>)
      %dma_start3A_131 = arith.constant 0 : i32
      %dma_start3A_132 = tpu.memref_slice %arg8[%add3A_120, %dma_start3A_131] : memref<160x125xi32, #tpu.memory_space<vmem>> -> memref<1x125xi32, #tpu.memory_space<vmem>>
      %dma_start3A_133 = tpu.memref_squeeze %dma_start3A_132 : memref<1x125xi32, #tpu.memory_space<vmem>> -> memref<125xi32, #tpu.memory_space<vmem>>
      %dma_start3A_134 = arith.constant 0 : i32
      %dma_start3A_135 = arith.constant 0 : i32
      %dma_start3A_136 = tpu.memref_slice %arg13[%dma_start3A_134, %dma_start3A_135] : memref<10240x64xf32, #tpu.memory_space<vmem_shared>> -> memref<10240x64xf32, #tpu.memory_space<vmem_shared>>
      tpu.enqueue_indirect_dma source(%arg11 : memref<125x64xf32, #tpu.memory_space<vmem>>) target(%dma_start3A_136 : memref<10240x64xf32, #tpu.memory_space<vmem_shared>>) offsets(%dma_start3A_133 : memref<125xi32, #tpu.memory_space<vmem>>) semaphore(%arg20 : memref<!tpu.dma_semaphore, #tpu.memory_space<semaphore_mem>>) {add = true}
      %add3A_137 = arith.constant 3 : i32
      %add3A_138 = arith.addi %mul3A_83, %add3A_137 : i32
      %dma_wait3A_139 = arith.constant 0 : i32
      %dma_wait3A_140 = tpu.memref_slice %arg7[%add3A_138, %dma_wait3A_139] : memref<160x125xi32, #tpu.memory_space<vmem>> -> memref<1x125xi32, #tpu.memory_space<vmem>>
      %dma_wait3A_141 = tpu.memref_squeeze %dma_wait3A_140 : memref<1x125xi32, #tpu.memory_space<vmem>> -> memref<125xi32, #tpu.memory_space<vmem>>
      %dma_wait3A_142 = arith.constant 0 : i32
      %dma_wait3A_143 = arith.constant 0 : i32
      %dma_wait3A_144 = tpu.memref_slice %arg2[%arg0, %dma_wait3A_142, %dma_wait3A_143] : memref<2x10000x64xf32, #tpu.memory_space<hbm>> -> memref<1x10000x64xf32, #tpu.memory_space<hbm>>
      %dma_wait3A_145 = tpu.memref_squeeze %dma_wait3A_144 : memref<1x10000x64xf32, #tpu.memory_space<hbm>> -> memref<10000x64xf32, #tpu.memory_space<hbm>>
      %dma_wait3A_146 = arith.constant 0 : i32
      %dma_wait3A_147 = arith.constant 0 : i32
      %dma_wait3A_148 = tpu.memref_slice %dma_wait3A_145[%dma_wait3A_146, %dma_wait3A_147] : memref<10000x64xf32, #tpu.memory_space<hbm>> -> memref<10000x64xf32, #tpu.memory_space<hbm>>
      tpu.wait_indirect_dma semaphore(%arg17 : memref<!tpu.dma_semaphore, #tpu.memory_space<semaphore_mem>>) src(%dma_wait3A_148 : memref<10000x64xf32, #tpu.memory_space<hbm>>) dst(%arg12 : memref<125x64xf32, #tpu.memory_space<vmem>>)
      %dma_start3A_149 = arith.constant 0 : i32
      %dma_start3A_150 = tpu.memref_slice %arg8[%add3A_138, %dma_start3A_149] : memref<160x125xi32, #tpu.memory_space<vmem>> -> memref<1x125xi32, #tpu.memory_space<vmem>>
      %dma_start3A_151 = tpu.memref_squeeze %dma_start3A_150 : memref<1x125xi32, #tpu.memory_space<vmem>> -> memref<125xi32, #tpu.memory_space<vmem>>
      %dma_start3A_152 = arith.constant 0 : i32
      %dma_start3A_153 = arith.constant 0 : i32
      %dma_start3A_154 = tpu.memref_slice %arg13[%dma_start3A_152, %dma_start3A_153] : memref<10240x64xf32, #tpu.memory_space<vmem_shared>> -> memref<10240x64xf32, #tpu.memory_space<vmem_shared>>
      tpu.enqueue_indirect_dma source(%arg12 : memref<125x64xf32, #tpu.memory_space<vmem>>) target(%dma_start3A_154 : memref<10240x64xf32, #tpu.memory_space<vmem_shared>>) offsets(%dma_start3A_151 : memref<125xi32, #tpu.memory_space<vmem>>) semaphore(%arg21 : memref<!tpu.dma_semaphore, #tpu.memory_space<semaphore_mem>>) {add = true}
      %add3A_155 = arith.constant 0 : i32
      %add3A_156 = arith.addi %mul3A_83, %add3A_155 : i32
      %add3A_157 = arith.constant 4 : i32
      %add3A_158 = arith.addi %add3A_156, %add3A_157 : i32
      %lt3A = arith.constant 160 : i32
      %lt3A_159 = arith.cmpi slt, %add3A_158, %lt3A : i32
      %convert_element_type3A = arith.extui %lt3A_159 : i1 to i32
      %cond3A = arith.constant 0 : i32
      %cond3A_160 = arith.cmpi ne, %convert_element_type3A, %cond3A : i32
      scf.if %cond3A_160 {
        %dma_wait3A_188 = arith.constant 0 : i32
        %dma_wait3A_189 = tpu.memref_slice %arg8[%add3A_156, %dma_wait3A_188] : memref<160x125xi32, #tpu.memory_space<vmem>> -> memref<1x125xi32, #tpu.memory_space<vmem>>
        %dma_wait3A_190 = tpu.memref_squeeze %dma_wait3A_189 : memref<1x125xi32, #tpu.memory_space<vmem>> -> memref<125xi32, #tpu.memory_space<vmem>>
        %dma_wait3A_191 = arith.constant 0 : i32
        %dma_wait3A_192 = arith.constant 0 : i32
        %dma_wait3A_193 = tpu.memref_slice %arg13[%dma_wait3A_191, %dma_wait3A_192] : memref<10240x64xf32, #tpu.memory_space<vmem_shared>> -> memref<10240x64xf32, #tpu.memory_space<vmem_shared>>
        tpu.wait_indirect_dma semaphore(%arg18 : memref<!tpu.dma_semaphore, #tpu.memory_space<semaphore_mem>>) src(%arg9 : memref<125x64xf32, #tpu.memory_space<vmem>>) dst(%dma_wait3A_193 : memref<10240x64xf32, #tpu.memory_space<vmem_shared>>)
        %add3A_194 = arith.constant 4 : i32
        %add3A_195 = arith.addi %add3A_156, %add3A_194 : i32
        %dma_start3A_196 = arith.constant 0 : i32
        %dma_start3A_197 = tpu.memref_slice %arg7[%add3A_195, %dma_start3A_196] : memref<160x125xi32, #tpu.memory_space<vmem>> -> memref<1x125xi32, #tpu.memory_space<vmem>>
        %dma_start3A_198 = tpu.memref_squeeze %dma_start3A_197 : memref<1x125xi32, #tpu.memory_space<vmem>> -> memref<125xi32, #tpu.memory_space<vmem>>
        %dma_start3A_199 = arith.constant 0 : i32
        %dma_start3A_200 = arith.constant 0 : i32
        %dma_start3A_201 = tpu.memref_slice %arg2[%arg0, %dma_start3A_199, %dma_start3A_200] : memref<2x10000x64xf32, #tpu.memory_space<hbm>> -> memref<1x10000x64xf32, #tpu.memory_space<hbm>>
        %dma_start3A_202 = tpu.memref_squeeze %dma_start3A_201 : memref<1x10000x64xf32, #tpu.memory_space<hbm>> -> memref<10000x64xf32, #tpu.memory_space<hbm>>
        %dma_start3A_203 = arith.constant 0 : i32
        %dma_start3A_204 = arith.constant 0 : i32
        %dma_start3A_205 = tpu.memref_slice %dma_start3A_202[%dma_start3A_203, %dma_start3A_204] : memref<10000x64xf32, #tpu.memory_space<hbm>> -> memref<10000x64xf32, #tpu.memory_space<hbm>>
        tpu.enqueue_indirect_dma source(%dma_start3A_205 : memref<10000x64xf32, #tpu.memory_space<hbm>>) target(%arg9 : memref<125x64xf32, #tpu.memory_space<vmem>>) offsets(%dma_start3A_198 : memref<125xi32, #tpu.memory_space<vmem>>) semaphore(%arg14 : memref<!tpu.dma_semaphore, #tpu.memory_space<semaphore_mem>>)
      } else {
      }
      %add3A_161 = arith.constant 1 : i32
      %add3A_162 = arith.addi %mul3A_83, %add3A_161 : i32
      %add3A_163 = arith.constant 4 : i32
      %add3A_164 = arith.addi %add3A_162, %add3A_163 : i32
      %lt3A_165 = arith.constant 160 : i32
      %lt3A_166 = arith.cmpi slt, %add3A_164, %lt3A_165 : i32
      %convert_element_type3A_167 = arith.extui %lt3A_166 : i1 to i32
      %cond3A_168 = arith.constant 0 : i32
      %cond3A_169 = arith.cmpi ne, %convert_element_type3A_167, %cond3A_168 : i32
      scf.if %cond3A_169 {
        %dma_wait3A_188 = arith.constant 0 : i32
        %dma_wait3A_189 = tpu.memref_slice %arg8[%add3A_162, %dma_wait3A_188] : memref<160x125xi32, #tpu.memory_space<vmem>> -> memref<1x125xi32, #tpu.memory_space<vmem>>
        %dma_wait3A_190 = tpu.memref_squeeze %dma_wait3A_189 : memref<1x125xi32, #tpu.memory_space<vmem>> -> memref<125xi32, #tpu.memory_space<vmem>>
        %dma_wait3A_191 = arith.constant 0 : i32
        %dma_wait3A_192 = arith.constant 0 : i32
        %dma_wait3A_193 = tpu.memref_slice %arg13[%dma_wait3A_191, %dma_wait3A_192] : memref<10240x64xf32, #tpu.memory_space<vmem_shared>> -> memref<10240x64xf32, #tpu.memory_space<vmem_shared>>
        tpu.wait_indirect_dma semaphore(%arg19 : memref<!tpu.dma_semaphore, #tpu.memory_space<semaphore_mem>>) src(%arg10 : memref<125x64xf32, #tpu.memory_space<vmem>>) dst(%dma_wait3A_193 : memref<10240x64xf32, #tpu.memory_space<vmem_shared>>)
        %add3A_194 = arith.constant 4 : i32
        %add3A_195 = arith.addi %add3A_162, %add3A_194 : i32
        %dma_start3A_196 = arith.constant 0 : i32
        %dma_start3A_197 = tpu.memref_slice %arg7[%add3A_195, %dma_start3A_196] : memref<160x125xi32, #tpu.memory_space<vmem>> -> memref<1x125xi32, #tpu.memory_space<vmem>>
        %dma_start3A_198 = tpu.memref_squeeze %dma_start3A_197 : memref<1x125xi32, #tpu.memory_space<vmem>> -> memref<125xi32, #tpu.memory_space<vmem>>
        %dma_start3A_199 = arith.constant 0 : i32
        %dma_start3A_200 = arith.constant 0 : i32
        %dma_start3A_201 = tpu.memref_slice %arg2[%arg0, %dma_start3A_199, %dma_start3A_200] : memref<2x10000x64xf32, #tpu.memory_space<hbm>> -> memref<1x10000x64xf32, #tpu.memory_space<hbm>>
        %dma_start3A_202 = tpu.memref_squeeze %dma_start3A_201 : memref<1x10000x64xf32, #tpu.memory_space<hbm>> -> memref<10000x64xf32, #tpu.memory_space<hbm>>
        %dma_start3A_203 = arith.constant 0 : i32
        %dma_start3A_204 = arith.constant 0 : i32
        %dma_start3A_205 = tpu.memref_slice %dma_start3A_202[%dma_start3A_203, %dma_start3A_204] : memref<10000x64xf32, #tpu.memory_space<hbm>> -> memref<10000x64xf32, #tpu.memory_space<hbm>>
        tpu.enqueue_indirect_dma source(%dma_start3A_205 : memref<10000x64xf32, #tpu.memory_space<hbm>>) target(%arg10 : memref<125x64xf32, #tpu.memory_space<vmem>>) offsets(%dma_start3A_198 : memref<125xi32, #tpu.memory_space<vmem>>) semaphore(%arg15 : memref<!tpu.dma_semaphore, #tpu.memory_space<semaphore_mem>>)
      } else {
      }
      %add3A_170 = arith.constant 2 : i32
      %add3A_171 = arith.addi %mul3A_83, %add3A_170 : i32
      %add3A_172 = arith.constant 4 : i32
      %add3A_173 = arith.addi %add3A_171, %add3A_172 : i32
      %lt3A_174 = arith.constant 160 : i32
      %lt3A_175 = arith.cmpi slt, %add3A_173, %lt3A_174 : i32
      %convert_element_type3A_176 = arith.extui %lt3A_175 : i1 to i32
      %cond3A_177 = arith.constant 0 : i32
      %cond3A_178 = arith.cmpi ne, %convert_element_type3A_176, %cond3A_177 : i32
      scf.if %cond3A_178 {
        %dma_wait3A_188 = arith.constant 0 : i32
        %dma_wait3A_189 = tpu.memref_slice %arg8[%add3A_171, %dma_wait3A_188] : memref<160x125xi32, #tpu.memory_space<vmem>> -> memref<1x125xi32, #tpu.memory_space<vmem>>
        %dma_wait3A_190 = tpu.memref_squeeze %dma_wait3A_189 : memref<1x125xi32, #tpu.memory_space<vmem>> -> memref<125xi32, #tpu.memory_space<vmem>>
        %dma_wait3A_191 = arith.constant 0 : i32
        %dma_wait3A_192 = arith.constant 0 : i32
        %dma_wait3A_193 = tpu.memref_slice %arg13[%dma_wait3A_191, %dma_wait3A_192] : memref<10240x64xf32, #tpu.memory_space<vmem_shared>> -> memref<10240x64xf32, #tpu.memory_space<vmem_shared>>
        tpu.wait_indirect_dma semaphore(%arg20 : memref<!tpu.dma_semaphore, #tpu.memory_space<semaphore_mem>>) src(%arg11 : memref<125x64xf32, #tpu.memory_space<vmem>>) dst(%dma_wait3A_193 : memref<10240x64xf32, #tpu.memory_space<vmem_shared>>)
        %add3A_194 = arith.constant 4 : i32
        %add3A_195 = arith.addi %add3A_171, %add3A_194 : i32
        %dma_start3A_196 = arith.constant 0 : i32
        %dma_start3A_197 = tpu.memref_slice %arg7[%add3A_195, %dma_start3A_196] : memref<160x125xi32, #tpu.memory_space<vmem>> -> memref<1x125xi32, #tpu.memory_space<vmem>>
        %dma_start3A_198 = tpu.memref_squeeze %dma_start3A_197 : memref<1x125xi32, #tpu.memory_space<vmem>> -> memref<125xi32, #tpu.memory_space<vmem>>
        %dma_start3A_199 = arith.constant 0 : i32
        %dma_start3A_200 = arith.constant 0 : i32
        %dma_start3A_201 = tpu.memref_slice %arg2[%arg0, %dma_start3A_199, %dma_start3A_200] : memref<2x10000x64xf32, #tpu.memory_space<hbm>> -> memref<1x10000x64xf32, #tpu.memory_space<hbm>>
        %dma_start3A_202 = tpu.memref_squeeze %dma_start3A_201 : memref<1x10000x64xf32, #tpu.memory_space<hbm>> -> memref<10000x64xf32, #tpu.memory_space<hbm>>
        %dma_start3A_203 = arith.constant 0 : i32
        %dma_start3A_204 = arith.constant 0 : i32
        %dma_start3A_205 = tpu.memref_slice %dma_start3A_202[%dma_start3A_203, %dma_start3A_204] : memref<10000x64xf32, #tpu.memory_space<hbm>> -> memref<10000x64xf32, #tpu.memory_space<hbm>>
        tpu.enqueue_indirect_dma source(%dma_start3A_205 : memref<10000x64xf32, #tpu.memory_space<hbm>>) target(%arg11 : memref<125x64xf32, #tpu.memory_space<vmem>>) offsets(%dma_start3A_198 : memref<125xi32, #tpu.memory_space<vmem>>) semaphore(%arg16 : memref<!tpu.dma_semaphore, #tpu.memory_space<semaphore_mem>>)
      } else {
      }
      %add3A_179 = arith.constant 3 : i32
      %add3A_180 = arith.addi %mul3A_83, %add3A_179 : i32
      %add3A_181 = arith.constant 4 : i32
      %add3A_182 = arith.addi %add3A_180, %add3A_181 : i32
      %lt3A_183 = arith.constant 160 : i32
      %lt3A_184 = arith.cmpi slt, %add3A_182, %lt3A_183 : i32
      %convert_element_type3A_185 = arith.extui %lt3A_184 : i1 to i32
      %cond3A_186 = arith.constant 0 : i32
      %cond3A_187 = arith.cmpi ne, %convert_element_type3A_185, %cond3A_186 : i32
      scf.if %cond3A_187 {
        %dma_wait3A_188 = arith.constant 0 : i32
        %dma_wait3A_189 = tpu.memref_slice %arg8[%add3A_180, %dma_wait3A_188] : memref<160x125xi32, #tpu.memory_space<vmem>> -> memref<1x125xi32, #tpu.memory_space<vmem>>
        %dma_wait3A_190 = tpu.memref_squeeze %dma_wait3A_189 : memref<1x125xi32, #tpu.memory_space<vmem>> -> memref<125xi32, #tpu.memory_space<vmem>>
        %dma_wait3A_191 = arith.constant 0 : i32
        %dma_wait3A_192 = arith.constant 0 : i32
        %dma_wait3A_193 = tpu.memref_slice %arg13[%dma_wait3A_191, %dma_wait3A_192] : memref<10240x64xf32, #tpu.memory_space<vmem_shared>> -> memref<10240x64xf32, #tpu.memory_space<vmem_shared>>
        tpu.wait_indirect_dma semaphore(%arg21 : memref<!tpu.dma_semaphore, #tpu.memory_space<semaphore_mem>>) src(%arg12 : memref<125x64xf32, #tpu.memory_space<vmem>>) dst(%dma_wait3A_193 : memref<10240x64xf32, #tpu.memory_space<vmem_shared>>)
        %add3A_194 = arith.constant 4 : i32
        %add3A_195 = arith.addi %add3A_180, %add3A_194 : i32
        %dma_start3A_196 = arith.constant 0 : i32
        %dma_start3A_197 = tpu.memref_slice %arg7[%add3A_195, %dma_start3A_196] : memref<160x125xi32, #tpu.memory_space<vmem>> -> memref<1x125xi32, #tpu.memory_space<vmem>>
        %dma_start3A_198 = tpu.memref_squeeze %dma_start3A_197 : memref<1x125xi32, #tpu.memory_space<vmem>> -> memref<125xi32, #tpu.memory_space<vmem>>
        %dma_start3A_199 = arith.constant 0 : i32
        %dma_start3A_200 = arith.constant 0 : i32
        %dma_start3A_201 = tpu.memref_slice %arg2[%arg0, %dma_start3A_199, %dma_start3A_200] : memref<2x10000x64xf32, #tpu.memory_space<hbm>> -> memref<1x10000x64xf32, #tpu.memory_space<hbm>>
        %dma_start3A_202 = tpu.memref_squeeze %dma_start3A_201 : memref<1x10000x64xf32, #tpu.memory_space<hbm>> -> memref<10000x64xf32, #tpu.memory_space<hbm>>
        %dma_start3A_203 = arith.constant 0 : i32
        %dma_start3A_204 = arith.constant 0 : i32
        %dma_start3A_205 = tpu.memref_slice %dma_start3A_202[%dma_start3A_203, %dma_start3A_204] : memref<10000x64xf32, #tpu.memory_space<hbm>> -> memref<10000x64xf32, #tpu.memory_space<hbm>>
        tpu.enqueue_indirect_dma source(%dma_start3A_205 : memref<10000x64xf32, #tpu.memory_space<hbm>>) target(%arg12 : memref<125x64xf32, #tpu.memory_space<vmem>>) offsets(%dma_start3A_198 : memref<125xi32, #tpu.memory_space<vmem>>) semaphore(%arg17 : memref<!tpu.dma_semaphore, #tpu.memory_space<semaphore_mem>>)
      } else {
      }
    }
    %scan3A_48 = arith.constant 40 : i32
    %dma_wait3A = arith.constant 156 : i32
    %dma_wait3A_49 = arith.constant 0 : i32
    %dma_wait3A_50 = tpu.memref_slice %arg8[%dma_wait3A, %dma_wait3A_49] : memref<160x125xi32, #tpu.memory_space<vmem>> -> memref<1x125xi32, #tpu.memory_space<vmem>>
    %dma_wait3A_51 = tpu.memref_squeeze %dma_wait3A_50 : memref<1x125xi32, #tpu.memory_space<vmem>> -> memref<125xi32, #tpu.memory_space<vmem>>
    %dma_wait3A_52 = arith.constant 0 : i32
    %dma_wait3A_53 = arith.constant 0 : i32
    %dma_wait3A_54 = tpu.memref_slice %arg13[%dma_wait3A_52, %dma_wait3A_53] : memref<10240x64xf32, #tpu.memory_space<vmem_shared>> -> memref<10240x64xf32, #tpu.memory_space<vmem_shared>>
    tpu.wait_indirect_dma semaphore(%arg18 : memref<!tpu.dma_semaphore, #tpu.memory_space<semaphore_mem>>) src(%arg9 : memref<125x64xf32, #tpu.memory_space<vmem>>) dst(%dma_wait3A_54 : memref<10240x64xf32, #tpu.memory_space<vmem_shared>>)
    %dma_wait3A_55 = arith.constant 157 : i32
    %dma_wait3A_56 = arith.constant 0 : i32
    %dma_wait3A_57 = tpu.memref_slice %arg8[%dma_wait3A_55, %dma_wait3A_56] : memref<160x125xi32, #tpu.memory_space<vmem>> -> memref<1x125xi32, #tpu.memory_space<vmem>>
    %dma_wait3A_58 = tpu.memref_squeeze %dma_wait3A_57 : memref<1x125xi32, #tpu.memory_space<vmem>> -> memref<125xi32, #tpu.memory_space<vmem>>
    %dma_wait3A_59 = arith.constant 0 : i32
    %dma_wait3A_60 = arith.constant 0 : i32
    %dma_wait3A_61 = tpu.memref_slice %arg13[%dma_wait3A_59, %dma_wait3A_60] : memref<10240x64xf32, #tpu.memory_space<vmem_shared>> -> memref<10240x64xf32, #tpu.memory_space<vmem_shared>>
    tpu.wait_indirect_dma semaphore(%arg19 : memref<!tpu.dma_semaphore, #tpu.memory_space<semaphore_mem>>) src(%arg10 : memref<125x64xf32, #tpu.memory_space<vmem>>) dst(%dma_wait3A_61 : memref<10240x64xf32, #tpu.memory_space<vmem_shared>>)
    %dma_wait3A_62 = arith.constant 158 : i32
    %dma_wait3A_63 = arith.constant 0 : i32
    %dma_wait3A_64 = tpu.memref_slice %arg8[%dma_wait3A_62, %dma_wait3A_63] : memref<160x125xi32, #tpu.memory_space<vmem>> -> memref<1x125xi32, #tpu.memory_space<vmem>>
    %dma_wait3A_65 = tpu.memref_squeeze %dma_wait3A_64 : memref<1x125xi32, #tpu.memory_space<vmem>> -> memref<125xi32, #tpu.memory_space<vmem>>
    %dma_wait3A_66 = arith.constant 0 : i32
    %dma_wait3A_67 = arith.constant 0 : i32
    %dma_wait3A_68 = tpu.memref_slice %arg13[%dma_wait3A_66, %dma_wait3A_67] : memref<10240x64xf32, #tpu.memory_space<vmem_shared>> -> memref<10240x64xf32, #tpu.memory_space<vmem_shared>>
    tpu.wait_indirect_dma semaphore(%arg20 : memref<!tpu.dma_semaphore, #tpu.memory_space<semaphore_mem>>) src(%arg11 : memref<125x64xf32, #tpu.memory_space<vmem>>) dst(%dma_wait3A_68 : memref<10240x64xf32, #tpu.memory_space<vmem_shared>>)
    %dma_wait3A_69 = arith.constant 159 : i32
    %dma_wait3A_70 = arith.constant 0 : i32
    %dma_wait3A_71 = tpu.memref_slice %arg8[%dma_wait3A_69, %dma_wait3A_70] : memref<160x125xi32, #tpu.memory_space<vmem>> -> memref<1x125xi32, #tpu.memory_space<vmem>>
    %dma_wait3A_72 = tpu.memref_squeeze %dma_wait3A_71 : memref<1x125xi32, #tpu.memory_space<vmem>> -> memref<125xi32, #tpu.memory_space<vmem>>
    %dma_wait3A_73 = arith.constant 0 : i32
    %dma_wait3A_74 = arith.constant 0 : i32
    %dma_wait3A_75 = tpu.memref_slice %arg13[%dma_wait3A_73, %dma_wait3A_74] : memref<10240x64xf32, #tpu.memory_space<vmem_shared>> -> memref<10240x64xf32, #tpu.memory_space<vmem_shared>>
    tpu.wait_indirect_dma semaphore(%arg21 : memref<!tpu.dma_semaphore, #tpu.memory_space<semaphore_mem>>) src(%arg12 : memref<125x64xf32, #tpu.memory_space<vmem>>) dst(%dma_wait3A_75 : memref<10240x64xf32, #tpu.memory_space<vmem_shared>>)
    %barrier3A_76 = arith.constant 0 : index
    tpu.barrier barrier_id(%barrier3A_76)
    %mul3A_77 = arith.constant 640 : i32
    %mul3A_78 = arith.muli %arg1, %mul3A_77 : i32
    %mul3A_79 = arith.constant 640 : i32
    %mul3A_80 = arith.muli %arg1, %mul3A_79 : i32
    "tpu.region"() ({
      %run_scoped3A = tpu.sem_alloc : memref<!tpu.dma_semaphore, #tpu.memory_space<semaphore_mem>>
      %dma_start3A_81 = arith.constant 0 : i32
      %dma_start3A_82 = tpu.memref_slice %arg6[%arg0, %mul3A_80, %dma_start3A_81] : memref<2x10240x64xf32, #tpu.memory_space<hbm>> -> memref<1x640x64xf32, #tpu.memory_space<hbm>>
      %dma_start3A_83 = tpu.memref_squeeze %dma_start3A_82 : memref<1x640x64xf32, #tpu.memory_space<hbm>> -> memref<640x64xf32, #tpu.memory_space<hbm>>
      %dma_start3A_84 = arith.constant 0 : i32
      %dma_start3A_85 = tpu.memref_slice %arg13[%mul3A_78, %dma_start3A_84] : memref<10240x64xf32, #tpu.memory_space<vmem_shared>> -> memref<640x64xf32, #tpu.memory_space<vmem_shared>>
      tpu.enqueue_dma source(%dma_start3A_85 : memref<640x64xf32, #tpu.memory_space<vmem_shared>>) target(%dma_start3A_83 : memref<640x64xf32, #tpu.memory_space<hbm>>) target_semaphore(%run_scoped3A : memref<!tpu.dma_semaphore, #tpu.memory_space<semaphore_mem>>)
      %dma_wait3A_86 = arith.constant 0 : i32
      %dma_wait3A_87 = tpu.memref_slice %arg6[%arg0, %mul3A_80, %dma_wait3A_86] : memref<2x10240x64xf32, #tpu.memory_space<hbm>> -> memref<1x640x64xf32, #tpu.memory_space<hbm>>
      %dma_wait3A_88 = tpu.memref_squeeze %dma_wait3A_87 : memref<1x640x64xf32, #tpu.memory_space<hbm>> -> memref<640x64xf32, #tpu.memory_space<hbm>>
      %dma_wait3A_89 = arith.constant 0 : i32
      %dma_wait3A_90 = tpu.memref_slice %arg13[%mul3A_78, %dma_wait3A_89] : memref<10240x64xf32, #tpu.memory_space<vmem_shared>> -> memref<640x64xf32, #tpu.memory_space<vmem_shared>>
      tpu.wait_dma2 semaphore(%run_scoped3A : memref<!tpu.dma_semaphore, #tpu.memory_space<semaphore_mem>>) src(%dma_wait3A_90 : memref<640x64xf32, #tpu.memory_space<vmem_shared>>) dst(%dma_wait3A_88 : memref<640x64xf32, #tpu.memory_space<hbm>>)
      tpu.yield
    }) : () -> ()
    return
  }
}

#map = affine_map<(d0, d1) -> (0, 0, 0)>
#map1 = affine_map<(d0, d1) -> (0, 0)>
module attributes {stable_mosaic.version = 14 : i64} {
  func.func @_sc_segsum(%arg0: i32, %arg1: i32, %arg2: memref<2x10000x64xf32, #tpu.memory_space<hbm>>, %arg3: memref<16x160x125xi32, #tpu.memory_space<hbm>>, %arg4: memref<16x160x125xi32, #tpu.memory_space<hbm>>, %arg5: memref<640x64xf32, #tpu.memory_space<hbm>>, %arg6: memref<2x10240x64xf32, #tpu.memory_space<hbm>>, %arg7: memref<160x125xi32, #tpu.memory_space<vmem>>, %arg8: memref<160x125xi32, #tpu.memory_space<vmem>>, %arg9: memref<125x64xf32, #tpu.memory_space<vmem>>, %arg10: memref<125x64xf32, #tpu.memory_space<vmem>>, %arg11: memref<125x64xf32, #tpu.memory_space<vmem>>, %arg12: memref<125x64xf32, #tpu.memory_space<vmem>>, %arg13: memref<10240x64xf32, #tpu.memory_space<vmem_shared>>, %arg14: memref<!tpu.dma_semaphore, #tpu.memory_space<semaphore_mem>>, %arg15: memref<!tpu.dma_semaphore, #tpu.memory_space<semaphore_mem>>, %arg16: memref<!tpu.dma_semaphore, #tpu.memory_space<semaphore_mem>>, %arg17: memref<!tpu.dma_semaphore, #tpu.memory_space<semaphore_mem>>, %arg18: memref<!tpu.dma_semaphore, #tpu.memory_space<semaphore_mem>>, %arg19: memref<!tpu.dma_semaphore, #tpu.memory_space<semaphore_mem>>, %arg20: memref<!tpu.dma_semaphore, #tpu.memory_space<semaphore_mem>>, %arg21: memref<!tpu.dma_semaphore, #tpu.memory_space<semaphore_mem>>) attributes {dimension_semantics = [#tpu.dimension_semantics<core_parallel>, #tpu.dimension_semantics<subcore_parallel>], iteration_bounds = array<i64: 2, 16>, scalar_prefetch = 0 : i64, scratch_operands = 15 : i64, tpu.core_type = #tpu.core_type<sc_vector_subcore>, window_params = [{transform_indices = #map}, {transform_indices = #map}, {transform_indices = #map}, {transform_indices = #map1}, {transform_indices = #map}]} {
    %mul3A = arith.constant 640 : i32
    %mul3A_0 = arith.muli %arg1, %mul3A : i32
    "tpu.region"() ({
      %run_scoped3A = tpu.sem_alloc : memref<!tpu.dma_semaphore, #tpu.memory_space<semaphore_mem>>
      %dma_start3A_81 = arith.constant 0 : i32
      %dma_start3A_82 = tpu.memref_slice %arg13[%mul3A_0, %dma_start3A_81] : memref<10240x64xf32, #tpu.memory_space<vmem_shared>> -> memref<640x64xf32, #tpu.memory_space<vmem_shared>>
      tpu.enqueue_dma source(%arg5 : memref<640x64xf32, #tpu.memory_space<hbm>>) target(%dma_start3A_82 : memref<640x64xf32, #tpu.memory_space<vmem_shared>>) target_semaphore(%run_scoped3A : memref<!tpu.dma_semaphore, #tpu.memory_space<semaphore_mem>>)
      %dma_wait3A_83 = arith.constant 0 : i32
      %dma_wait3A_84 = tpu.memref_slice %arg13[%mul3A_0, %dma_wait3A_83] : memref<10240x64xf32, #tpu.memory_space<vmem_shared>> -> memref<640x64xf32, #tpu.memory_space<vmem_shared>>
      tpu.wait_dma2 semaphore(%run_scoped3A : memref<!tpu.dma_semaphore, #tpu.memory_space<semaphore_mem>>) src(%arg5 : memref<640x64xf32, #tpu.memory_space<hbm>>) dst(%dma_wait3A_84 : memref<640x64xf32, #tpu.memory_space<vmem_shared>>)
      tpu.yield
    }) : () -> ()
    "tpu.region"() ({
      %run_scoped3A = tpu.sem_alloc : memref<!tpu.dma_semaphore, #tpu.memory_space<semaphore_mem>>
      %dma_start3A_81 = arith.constant 0 : i32
      %dma_start3A_82 = arith.constant 0 : i32
      %dma_start3A_83 = tpu.memref_slice %arg3[%arg1, %dma_start3A_81, %dma_start3A_82] : memref<16x160x125xi32, #tpu.memory_space<hbm>> -> memref<1x160x125xi32, #tpu.memory_space<hbm>>
      %dma_start3A_84 = tpu.memref_squeeze %dma_start3A_83 : memref<1x160x125xi32, #tpu.memory_space<hbm>> -> memref<160x125xi32, #tpu.memory_space<hbm>>
      %dma_start3A_85 = arith.constant 0 : i32
      %dma_start3A_86 = arith.constant 0 : i32
      %dma_start3A_87 = tpu.memref_slice %arg3[%arg1, %dma_start3A_85, %dma_start3A_86] : memref<16x160x125xi32, #tpu.memory_space<hbm>> -> memref<1x160x125xi32, #tpu.memory_space<hbm>>
      %dma_start3A_88 = tpu.memref_squeeze %dma_start3A_87 : memref<1x160x125xi32, #tpu.memory_space<hbm>> -> memref<160x125xi32, #tpu.memory_space<hbm>>
      tpu.enqueue_dma source(%dma_start3A_88 : memref<160x125xi32, #tpu.memory_space<hbm>>) target(%arg7 : memref<160x125xi32, #tpu.memory_space<vmem>>) target_semaphore(%run_scoped3A : memref<!tpu.dma_semaphore, #tpu.memory_space<semaphore_mem>>)
      %dma_wait3A_89 = arith.constant 0 : i32
      %dma_wait3A_90 = arith.constant 0 : i32
      %dma_wait3A_91 = tpu.memref_slice %arg3[%arg1, %dma_wait3A_89, %dma_wait3A_90] : memref<16x160x125xi32, #tpu.memory_space<hbm>> -> memref<1x160x125xi32, #tpu.memory_space<hbm>>
      %dma_wait3A_92 = tpu.memref_squeeze %dma_wait3A_91 : memref<1x160x125xi32, #tpu.memory_space<hbm>> -> memref<160x125xi32, #tpu.memory_space<hbm>>
      %dma_wait3A_93 = arith.constant 0 : i32
      %dma_wait3A_94 = arith.constant 0 : i32
      %dma_wait3A_95 = tpu.memref_slice %arg3[%arg1, %dma_wait3A_93, %dma_wait3A_94] : memref<16x160x125xi32, #tpu.memory_space<hbm>> -> memref<1x160x125xi32, #tpu.memory_space<hbm>>
      %dma_wait3A_96 = tpu.memref_squeeze %dma_wait3A_95 : memref<1x160x125xi32, #tpu.memory_space<hbm>> -> memref<160x125xi32, #tpu.memory_space<hbm>>
      tpu.wait_dma2 semaphore(%run_scoped3A : memref<!tpu.dma_semaphore, #tpu.memory_space<semaphore_mem>>) src(%dma_wait3A_96 : memref<160x125xi32, #tpu.memory_space<hbm>>) dst(%arg7 : memref<160x125xi32, #tpu.memory_space<vmem>>)
      tpu.yield
    }) : () -> ()
    "tpu.region"() ({
      %run_scoped3A = tpu.sem_alloc : memref<!tpu.dma_semaphore, #tpu.memory_space<semaphore_mem>>
      %dma_start3A_81 = arith.constant 0 : i32
      %dma_start3A_82 = arith.constant 0 : i32
      %dma_start3A_83 = tpu.memref_slice %arg4[%arg1, %dma_start3A_81, %dma_start3A_82] : memref<16x160x125xi32, #tpu.memory_space<hbm>> -> memref<1x160x125xi32, #tpu.memory_space<hbm>>
      %dma_start3A_84 = tpu.memref_squeeze %dma_start3A_83 : memref<1x160x125xi32, #tpu.memory_space<hbm>> -> memref<160x125xi32, #tpu.memory_space<hbm>>
      %dma_start3A_85 = arith.constant 0 : i32
      %dma_start3A_86 = arith.constant 0 : i32
      %dma_start3A_87 = tpu.memref_slice %arg4[%arg1, %dma_start3A_85, %dma_start3A_86] : memref<16x160x125xi32, #tpu.memory_space<hbm>> -> memref<1x160x125xi32, #tpu.memory_space<hbm>>
      %dma_start3A_88 = tpu.memref_squeeze %dma_start3A_87 : memref<1x160x125xi32, #tpu.memory_space<hbm>> -> memref<160x125xi32, #tpu.memory_space<hbm>>
      tpu.enqueue_dma source(%dma_start3A_88 : memref<160x125xi32, #tpu.memory_space<hbm>>) target(%arg8 : memref<160x125xi32, #tpu.memory_space<vmem>>) target_semaphore(%run_scoped3A : memref<!tpu.dma_semaphore, #tpu.memory_space<semaphore_mem>>)
      %dma_wait3A_89 = arith.constant 0 : i32
      %dma_wait3A_90 = arith.constant 0 : i32
      %dma_wait3A_91 = tpu.memref_slice %arg4[%arg1, %dma_wait3A_89, %dma_wait3A_90] : memref<16x160x125xi32, #tpu.memory_space<hbm>> -> memref<1x160x125xi32, #tpu.memory_space<hbm>>
      %dma_wait3A_92 = tpu.memref_squeeze %dma_wait3A_91 : memref<1x160x125xi32, #tpu.memory_space<hbm>> -> memref<160x125xi32, #tpu.memory_space<hbm>>
      %dma_wait3A_93 = arith.constant 0 : i32
      %dma_wait3A_94 = arith.constant 0 : i32
      %dma_wait3A_95 = tpu.memref_slice %arg4[%arg1, %dma_wait3A_93, %dma_wait3A_94] : memref<16x160x125xi32, #tpu.memory_space<hbm>> -> memref<1x160x125xi32, #tpu.memory_space<hbm>>
      %dma_wait3A_96 = tpu.memref_squeeze %dma_wait3A_95 : memref<1x160x125xi32, #tpu.memory_space<hbm>> -> memref<160x125xi32, #tpu.memory_space<hbm>>
      tpu.wait_dma2 semaphore(%run_scoped3A : memref<!tpu.dma_semaphore, #tpu.memory_space<semaphore_mem>>) src(%dma_wait3A_96 : memref<160x125xi32, #tpu.memory_space<hbm>>) dst(%arg8 : memref<160x125xi32, #tpu.memory_space<vmem>>)
      tpu.yield
    }) : () -> ()
    %barrier3A = arith.constant 0 : index
    tpu.barrier barrier_id(%barrier3A)
    %dma_start3A = arith.constant 0 : i32
    %dma_start3A_1 = arith.constant 0 : i32
    %dma_start3A_2 = tpu.memref_slice %arg7[%dma_start3A, %dma_start3A_1] : memref<160x125xi32, #tpu.memory_space<vmem>> -> memref<1x125xi32, #tpu.memory_space<vmem>>
    %dma_start3A_3 = tpu.memref_squeeze %dma_start3A_2 : memref<1x125xi32, #tpu.memory_space<vmem>> -> memref<125xi32, #tpu.memory_space<vmem>>
    %dma_start3A_4 = arith.constant 0 : i32
    %dma_start3A_5 = arith.constant 0 : i32
    %dma_start3A_6 = tpu.memref_slice %arg2[%arg0, %dma_start3A_4, %dma_start3A_5] : memref<2x10000x64xf32, #tpu.memory_space<hbm>> -> memref<1x10000x64xf32, #tpu.memory_space<hbm>>
    %dma_start3A_7 = tpu.memref_squeeze %dma_start3A_6 : memref<1x10000x64xf32, #tpu.memory_space<hbm>> -> memref<10000x64xf32, #tpu.memory_space<hbm>>
    %dma_start3A_8 = arith.constant 0 : i32
    %dma_start3A_9 = arith.constant 0 : i32
    %dma_start3A_10 = tpu.memref_slice %dma_start3A_7[%dma_start3A_8, %dma_start3A_9] : memref<10000x64xf32, #tpu.memory_space<hbm>> -> memref<10000x64xf32, #tpu.memory_space<hbm>>
    tpu.enqueue_indirect_dma source(%dma_start3A_10 : memref<10000x64xf32, #tpu.memory_space<hbm>>) target(%arg9 : memref<125x64xf32, #tpu.memory_space<vmem>>) offsets(%dma_start3A_3 : memref<125xi32, #tpu.memory_space<vmem>>) semaphore(%arg14 : memref<!tpu.dma_semaphore, #tpu.memory_space<semaphore_mem>>)
    %dma_start3A_11 = arith.constant 1 : i32
    %dma_start3A_12 = arith.constant 0 : i32
    %dma_start3A_13 = tpu.memref_slice %arg7[%dma_start3A_11, %dma_start3A_12] : memref<160x125xi32, #tpu.memory_space<vmem>> -> memref<1x125xi32, #tpu.memory_space<vmem>>
    %dma_start3A_14 = tpu.memref_squeeze %dma_start3A_13 : memref<1x125xi32, #tpu.memory_space<vmem>> -> memref<125xi32, #tpu.memory_space<vmem>>
    %dma_start3A_15 = arith.constant 0 : i32
    %dma_start3A_16 = arith.constant 0 : i32
    %dma_start3A_17 = tpu.memref_slice %arg2[%arg0, %dma_start3A_15, %dma_start3A_16] : memref<2x10000x64xf32, #tpu.memory_space<hbm>> -> memref<1x10000x64xf32, #tpu.memory_space<hbm>>
    %dma_start3A_18 = tpu.memref_squeeze %dma_start3A_17 : memref<1x10000x64xf32, #tpu.memory_space<hbm>> -> memref<10000x64xf32, #tpu.memory_space<hbm>>
    %dma_start3A_19 = arith.constant 0 : i32
    %dma_start3A_20 = arith.constant 0 : i32
    %dma_start3A_21 = tpu.memref_slice %dma_start3A_18[%dma_start3A_19, %dma_start3A_20] : memref<10000x64xf32, #tpu.memory_space<hbm>> -> memref<10000x64xf32, #tpu.memory_space<hbm>>
    tpu.enqueue_indirect_dma source(%dma_start3A_21 : memref<10000x64xf32, #tpu.memory_space<hbm>>) target(%arg10 : memref<125x64xf32, #tpu.memory_space<vmem>>) offsets(%dma_start3A_14 : memref<125xi32, #tpu.memory_space<vmem>>) semaphore(%arg15 : memref<!tpu.dma_semaphore, #tpu.memory_space<semaphore_mem>>)
    %dma_start3A_22 = arith.constant 2 : i32
    %dma_start3A_23 = arith.constant 0 : i32
    %dma_start3A_24 = tpu.memref_slice %arg7[%dma_start3A_22, %dma_start3A_23] : memref<160x125xi32, #tpu.memory_space<vmem>> -> memref<1x125xi32, #tpu.memory_space<vmem>>
    %dma_start3A_25 = tpu.memref_squeeze %dma_start3A_24 : memref<1x125xi32, #tpu.memory_space<vmem>> -> memref<125xi32, #tpu.memory_space<vmem>>
    %dma_start3A_26 = arith.constant 0 : i32
    %dma_start3A_27 = arith.constant 0 : i32
    %dma_start3A_28 = tpu.memref_slice %arg2[%arg0, %dma_start3A_26, %dma_start3A_27] : memref<2x10000x64xf32, #tpu.memory_space<hbm>> -> memref<1x10000x64xf32, #tpu.memory_space<hbm>>
    %dma_start3A_29 = tpu.memref_squeeze %dma_start3A_28 : memref<1x10000x64xf32, #tpu.memory_space<hbm>> -> memref<10000x64xf32, #tpu.memory_space<hbm>>
    %dma_start3A_30 = arith.constant 0 : i32
    %dma_start3A_31 = arith.constant 0 : i32
    %dma_start3A_32 = tpu.memref_slice %dma_start3A_29[%dma_start3A_30, %dma_start3A_31] : memref<10000x64xf32, #tpu.memory_space<hbm>> -> memref<10000x64xf32, #tpu.memory_space<hbm>>
    tpu.enqueue_indirect_dma source(%dma_start3A_32 : memref<10000x64xf32, #tpu.memory_space<hbm>>) target(%arg11 : memref<125x64xf32, #tpu.memory_space<vmem>>) offsets(%dma_start3A_25 : memref<125xi32, #tpu.memory_space<vmem>>) semaphore(%arg16 : memref<!tpu.dma_semaphore, #tpu.memory_space<semaphore_mem>>)
    %dma_start3A_33 = arith.constant 3 : i32
    %dma_start3A_34 = arith.constant 0 : i32
    %dma_start3A_35 = tpu.memref_slice %arg7[%dma_start3A_33, %dma_start3A_34] : memref<160x125xi32, #tpu.memory_space<vmem>> -> memref<1x125xi32, #tpu.memory_space<vmem>>
    %dma_start3A_36 = tpu.memref_squeeze %dma_start3A_35 : memref<1x125xi32, #tpu.memory_space<vmem>> -> memref<125xi32, #tpu.memory_space<vmem>>
    %dma_start3A_37 = arith.constant 0 : i32
    %dma_start3A_38 = arith.constant 0 : i32
    %dma_start3A_39 = tpu.memref_slice %arg2[%arg0, %dma_start3A_37, %dma_start3A_38] : memref<2x10000x64xf32, #tpu.memory_space<hbm>> -> memref<1x10000x64xf32, #tpu.memory_space<hbm>>
    %dma_start3A_40 = tpu.memref_squeeze %dma_start3A_39 : memref<1x10000x64xf32, #tpu.memory_space<hbm>> -> memref<10000x64xf32, #tpu.memory_space<hbm>>
    %dma_start3A_41 = arith.constant 0 : i32
    %dma_start3A_42 = arith.constant 0 : i32
    %dma_start3A_43 = tpu.memref_slice %dma_start3A_40[%dma_start3A_41, %dma_start3A_42] : memref<10000x64xf32, #tpu.memory_space<hbm>> -> memref<10000x64xf32, #tpu.memory_space<hbm>>
    tpu.enqueue_indirect_dma source(%dma_start3A_43 : memref<10000x64xf32, #tpu.memory_space<hbm>>) target(%arg12 : memref<125x64xf32, #tpu.memory_space<vmem>>) offsets(%dma_start3A_36 : memref<125xi32, #tpu.memory_space<vmem>>) semaphore(%arg17 : memref<!tpu.dma_semaphore, #tpu.memory_space<semaphore_mem>>)
    %scan3A = arith.constant 0 : i32
    %scan3A_44 = arith.constant 0 : i32
    %scan3A_45 = arith.constant 40 : i32
    %scan3A_46 = arith.addi %scan3A_44, %scan3A_45 : i32
    %scan3A_47 = arith.constant 1 : i32
    scf.for %scan3A_81 = %scan3A_44 to %scan3A_46 step %scan3A_47  : i32 {
      %mul3A_82 = arith.constant 4 : i32
      %mul3A_83 = arith.muli %mul3A_82, %scan3A_81 : i32
      %add3A = arith.constant 0 : i32
      %add3A_84 = arith.addi %mul3A_83, %add3A : i32
      %dma_wait3A_85 = arith.constant 0 : i32
      %dma_wait3A_86 = tpu.memref_slice %arg7[%add3A_84, %dma_wait3A_85] : memref<160x125xi32, #tpu.memory_space<vmem>> -> memref<1x125xi32, #tpu.memory_space<vmem>>
      %dma_wait3A_87 = tpu.memref_squeeze %dma_wait3A_86 : memref<1x125xi32, #tpu.memory_space<vmem>> -> memref<125xi32, #tpu.memory_space<vmem>>
      %dma_wait3A_88 = arith.constant 0 : i32
      %dma_wait3A_89 = arith.constant 0 : i32
      %dma_wait3A_90 = tpu.memref_slice %arg2[%arg0, %dma_wait3A_88, %dma_wait3A_89] : memref<2x10000x64xf32, #tpu.memory_space<hbm>> -> memref<1x10000x64xf32, #tpu.memory_space<hbm>>
      %dma_wait3A_91 = tpu.memref_squeeze %dma_wait3A_90 : memref<1x10000x64xf32, #tpu.memory_space<hbm>> -> memref<10000x64xf32, #tpu.memory_space<hbm>>
      %dma_wait3A_92 = arith.constant 0 : i32
      %dma_wait3A_93 = arith.constant 0 : i32
      %dma_wait3A_94 = tpu.memref_slice %dma_wait3A_91[%dma_wait3A_92, %dma_wait3A_93] : memref<10000x64xf32, #tpu.memory_space<hbm>> -> memref<10000x64xf32, #tpu.memory_space<hbm>>
      tpu.wait_indirect_dma semaphore(%arg14 : memref<!tpu.dma_semaphore, #tpu.memory_space<semaphore_mem>>) src(%dma_wait3A_94 : memref<10000x64xf32, #tpu.memory_space<hbm>>) dst(%arg9 : memref<125x64xf32, #tpu.memory_space<vmem>>)
      %dma_start3A_95 = arith.constant 0 : i32
      %dma_start3A_96 = tpu.memref_slice %arg8[%add3A_84, %dma_start3A_95] : memref<160x125xi32, #tpu.memory_space<vmem>> -> memref<1x125xi32, #tpu.memory_space<vmem>>
      %dma_start3A_97 = tpu.memref_squeeze %dma_start3A_96 : memref<1x125xi32, #tpu.memory_space<vmem>> -> memref<125xi32, #tpu.memory_space<vmem>>
      %dma_start3A_98 = arith.constant 0 : i32
      %dma_start3A_99 = arith.constant 0 : i32
      %dma_start3A_100 = tpu.memref_slice %arg13[%dma_start3A_98, %dma_start3A_99] : memref<10240x64xf32, #tpu.memory_space<vmem_shared>> -> memref<10240x64xf32, #tpu.memory_space<vmem_shared>>
      tpu.enqueue_indirect_dma source(%arg9 : memref<125x64xf32, #tpu.memory_space<vmem>>) target(%dma_start3A_100 : memref<10240x64xf32, #tpu.memory_space<vmem_shared>>) offsets(%dma_start3A_97 : memref<125xi32, #tpu.memory_space<vmem>>) semaphore(%arg18 : memref<!tpu.dma_semaphore, #tpu.memory_space<semaphore_mem>>) {add = true}
      %add3A_101 = arith.constant 1 : i32
      %add3A_102 = arith.addi %mul3A_83, %add3A_101 : i32
      %dma_wait3A_103 = arith.constant 0 : i32
      %dma_wait3A_104 = tpu.memref_slice %arg7[%add3A_102, %dma_wait3A_103] : memref<160x125xi32, #tpu.memory_space<vmem>> -> memref<1x125xi32, #tpu.memory_space<vmem>>
      %dma_wait3A_105 = tpu.memref_squeeze %dma_wait3A_104 : memref<1x125xi32, #tpu.memory_space<vmem>> -> memref<125xi32, #tpu.memory_space<vmem>>
      %dma_wait3A_106 = arith.constant 0 : i32
      %dma_wait3A_107 = arith.constant 0 : i32
      %dma_wait3A_108 = tpu.memref_slice %arg2[%arg0, %dma_wait3A_106, %dma_wait3A_107] : memref<2x10000x64xf32, #tpu.memory_space<hbm>> -> memref<1x10000x64xf32, #tpu.memory_space<hbm>>
      %dma_wait3A_109 = tpu.memref_squeeze %dma_wait3A_108 : memref<1x10000x64xf32, #tpu.memory_space<hbm>> -> memref<10000x64xf32, #tpu.memory_space<hbm>>
      %dma_wait3A_110 = arith.constant 0 : i32
      %dma_wait3A_111 = arith.constant 0 : i32
      %dma_wait3A_112 = tpu.memref_slice %dma_wait3A_109[%dma_wait3A_110, %dma_wait3A_111] : memref<10000x64xf32, #tpu.memory_space<hbm>> -> memref<10000x64xf32, #tpu.memory_space<hbm>>
      tpu.wait_indirect_dma semaphore(%arg15 : memref<!tpu.dma_semaphore, #tpu.memory_space<semaphore_mem>>) src(%dma_wait3A_112 : memref<10000x64xf32, #tpu.memory_space<hbm>>) dst(%arg10 : memref<125x64xf32, #tpu.memory_space<vmem>>)
      %dma_start3A_113 = arith.constant 0 : i32
      %dma_start3A_114 = tpu.memref_slice %arg8[%add3A_102, %dma_start3A_113] : memref<160x125xi32, #tpu.memory_space<vmem>> -> memref<1x125xi32, #tpu.memory_space<vmem>>
      %dma_start3A_115 = tpu.memref_squeeze %dma_start3A_114 : memref<1x125xi32, #tpu.memory_space<vmem>> -> memref<125xi32, #tpu.memory_space<vmem>>
      %dma_start3A_116 = arith.constant 0 : i32
      %dma_start3A_117 = arith.constant 0 : i32
      %dma_start3A_118 = tpu.memref_slice %arg13[%dma_start3A_116, %dma_start3A_117] : memref<10240x64xf32, #tpu.memory_space<vmem_shared>> -> memref<10240x64xf32, #tpu.memory_space<vmem_shared>>
      tpu.enqueue_indirect_dma source(%arg10 : memref<125x64xf32, #tpu.memory_space<vmem>>) target(%dma_start3A_118 : memref<10240x64xf32, #tpu.memory_space<vmem_shared>>) offsets(%dma_start3A_115 : memref<125xi32, #tpu.memory_space<vmem>>) semaphore(%arg19 : memref<!tpu.dma_semaphore, #tpu.memory_space<semaphore_mem>>) {add = true}
      %add3A_119 = arith.constant 2 : i32
      %add3A_120 = arith.addi %mul3A_83, %add3A_119 : i32
      %dma_wait3A_121 = arith.constant 0 : i32
      %dma_wait3A_122 = tpu.memref_slice %arg7[%add3A_120, %dma_wait3A_121] : memref<160x125xi32, #tpu.memory_space<vmem>> -> memref<1x125xi32, #tpu.memory_space<vmem>>
      %dma_wait3A_123 = tpu.memref_squeeze %dma_wait3A_122 : memref<1x125xi32, #tpu.memory_space<vmem>> -> memref<125xi32, #tpu.memory_space<vmem>>
      %dma_wait3A_124 = arith.constant 0 : i32
      %dma_wait3A_125 = arith.constant 0 : i32
      %dma_wait3A_126 = tpu.memref_slice %arg2[%arg0, %dma_wait3A_124, %dma_wait3A_125] : memref<2x10000x64xf32, #tpu.memory_space<hbm>> -> memref<1x10000x64xf32, #tpu.memory_space<hbm>>
      %dma_wait3A_127 = tpu.memref_squeeze %dma_wait3A_126 : memref<1x10000x64xf32, #tpu.memory_space<hbm>> -> memref<10000x64xf32, #tpu.memory_space<hbm>>
      %dma_wait3A_128 = arith.constant 0 : i32
      %dma_wait3A_129 = arith.constant 0 : i32
      %dma_wait3A_130 = tpu.memref_slice %dma_wait3A_127[%dma_wait3A_128, %dma_wait3A_129] : memref<10000x64xf32, #tpu.memory_space<hbm>> -> memref<10000x64xf32, #tpu.memory_space<hbm>>
      tpu.wait_indirect_dma semaphore(%arg16 : memref<!tpu.dma_semaphore, #tpu.memory_space<semaphore_mem>>) src(%dma_wait3A_130 : memref<10000x64xf32, #tpu.memory_space<hbm>>) dst(%arg11 : memref<125x64xf32, #tpu.memory_space<vmem>>)
      %dma_start3A_131 = arith.constant 0 : i32
      %dma_start3A_132 = tpu.memref_slice %arg8[%add3A_120, %dma_start3A_131] : memref<160x125xi32, #tpu.memory_space<vmem>> -> memref<1x125xi32, #tpu.memory_space<vmem>>
      %dma_start3A_133 = tpu.memref_squeeze %dma_start3A_132 : memref<1x125xi32, #tpu.memory_space<vmem>> -> memref<125xi32, #tpu.memory_space<vmem>>
      %dma_start3A_134 = arith.constant 0 : i32
      %dma_start3A_135 = arith.constant 0 : i32
      %dma_start3A_136 = tpu.memref_slice %arg13[%dma_start3A_134, %dma_start3A_135] : memref<10240x64xf32, #tpu.memory_space<vmem_shared>> -> memref<10240x64xf32, #tpu.memory_space<vmem_shared>>
      tpu.enqueue_indirect_dma source(%arg11 : memref<125x64xf32, #tpu.memory_space<vmem>>) target(%dma_start3A_136 : memref<10240x64xf32, #tpu.memory_space<vmem_shared>>) offsets(%dma_start3A_133 : memref<125xi32, #tpu.memory_space<vmem>>) semaphore(%arg20 : memref<!tpu.dma_semaphore, #tpu.memory_space<semaphore_mem>>) {add = true}
      %add3A_137 = arith.constant 3 : i32
      %add3A_138 = arith.addi %mul3A_83, %add3A_137 : i32
      %dma_wait3A_139 = arith.constant 0 : i32
      %dma_wait3A_140 = tpu.memref_slice %arg7[%add3A_138, %dma_wait3A_139] : memref<160x125xi32, #tpu.memory_space<vmem>> -> memref<1x125xi32, #tpu.memory_space<vmem>>
      %dma_wait3A_141 = tpu.memref_squeeze %dma_wait3A_140 : memref<1x125xi32, #tpu.memory_space<vmem>> -> memref<125xi32, #tpu.memory_space<vmem>>
      %dma_wait3A_142 = arith.constant 0 : i32
      %dma_wait3A_143 = arith.constant 0 : i32
      %dma_wait3A_144 = tpu.memref_slice %arg2[%arg0, %dma_wait3A_142, %dma_wait3A_143] : memref<2x10000x64xf32, #tpu.memory_space<hbm>> -> memref<1x10000x64xf32, #tpu.memory_space<hbm>>
      %dma_wait3A_145 = tpu.memref_squeeze %dma_wait3A_144 : memref<1x10000x64xf32, #tpu.memory_space<hbm>> -> memref<10000x64xf32, #tpu.memory_space<hbm>>
      %dma_wait3A_146 = arith.constant 0 : i32
      %dma_wait3A_147 = arith.constant 0 : i32
      %dma_wait3A_148 = tpu.memref_slice %dma_wait3A_145[%dma_wait3A_146, %dma_wait3A_147] : memref<10000x64xf32, #tpu.memory_space<hbm>> -> memref<10000x64xf32, #tpu.memory_space<hbm>>
      tpu.wait_indirect_dma semaphore(%arg17 : memref<!tpu.dma_semaphore, #tpu.memory_space<semaphore_mem>>) src(%dma_wait3A_148 : memref<10000x64xf32, #tpu.memory_space<hbm>>) dst(%arg12 : memref<125x64xf32, #tpu.memory_space<vmem>>)
      %dma_start3A_149 = arith.constant 0 : i32
      %dma_start3A_150 = tpu.memref_slice %arg8[%add3A_138, %dma_start3A_149] : memref<160x125xi32, #tpu.memory_space<vmem>> -> memref<1x125xi32, #tpu.memory_space<vmem>>
      %dma_start3A_151 = tpu.memref_squeeze %dma_start3A_150 : memref<1x125xi32, #tpu.memory_space<vmem>> -> memref<125xi32, #tpu.memory_space<vmem>>
      %dma_start3A_152 = arith.constant 0 : i32
      %dma_start3A_153 = arith.constant 0 : i32
      %dma_start3A_154 = tpu.memref_slice %arg13[%dma_start3A_152, %dma_start3A_153] : memref<10240x64xf32, #tpu.memory_space<vmem_shared>> -> memref<10240x64xf32, #tpu.memory_space<vmem_shared>>
      tpu.enqueue_indirect_dma source(%arg12 : memref<125x64xf32, #tpu.memory_space<vmem>>) target(%dma_start3A_154 : memref<10240x64xf32, #tpu.memory_space<vmem_shared>>) offsets(%dma_start3A_151 : memref<125xi32, #tpu.memory_space<vmem>>) semaphore(%arg21 : memref<!tpu.dma_semaphore, #tpu.memory_space<semaphore_mem>>) {add = true}
      %add3A_155 = arith.constant 0 : i32
      %add3A_156 = arith.addi %mul3A_83, %add3A_155 : i32
      %add3A_157 = arith.constant 4 : i32
      %add3A_158 = arith.addi %add3A_156, %add3A_157 : i32
      %lt3A = arith.constant 160 : i32
      %lt3A_159 = arith.cmpi slt, %add3A_158, %lt3A : i32
      %convert_element_type3A = arith.extui %lt3A_159 : i1 to i32
      %cond3A = arith.constant 0 : i32
      %cond3A_160 = arith.cmpi ne, %convert_element_type3A, %cond3A : i32
      scf.if %cond3A_160 {
        %dma_wait3A_188 = arith.constant 0 : i32
        %dma_wait3A_189 = tpu.memref_slice %arg8[%add3A_156, %dma_wait3A_188] : memref<160x125xi32, #tpu.memory_space<vmem>> -> memref<1x125xi32, #tpu.memory_space<vmem>>
        %dma_wait3A_190 = tpu.memref_squeeze %dma_wait3A_189 : memref<1x125xi32, #tpu.memory_space<vmem>> -> memref<125xi32, #tpu.memory_space<vmem>>
        %dma_wait3A_191 = arith.constant 0 : i32
        %dma_wait3A_192 = arith.constant 0 : i32
        %dma_wait3A_193 = tpu.memref_slice %arg13[%dma_wait3A_191, %dma_wait3A_192] : memref<10240x64xf32, #tpu.memory_space<vmem_shared>> -> memref<10240x64xf32, #tpu.memory_space<vmem_shared>>
        tpu.wait_indirect_dma semaphore(%arg18 : memref<!tpu.dma_semaphore, #tpu.memory_space<semaphore_mem>>) src(%arg9 : memref<125x64xf32, #tpu.memory_space<vmem>>) dst(%dma_wait3A_193 : memref<10240x64xf32, #tpu.memory_space<vmem_shared>>)
        %add3A_194 = arith.constant 4 : i32
        %add3A_195 = arith.addi %add3A_156, %add3A_194 : i32
        %dma_start3A_196 = arith.constant 0 : i32
        %dma_start3A_197 = tpu.memref_slice %arg7[%add3A_195, %dma_start3A_196] : memref<160x125xi32, #tpu.memory_space<vmem>> -> memref<1x125xi32, #tpu.memory_space<vmem>>
        %dma_start3A_198 = tpu.memref_squeeze %dma_start3A_197 : memref<1x125xi32, #tpu.memory_space<vmem>> -> memref<125xi32, #tpu.memory_space<vmem>>
        %dma_start3A_199 = arith.constant 0 : i32
        %dma_start3A_200 = arith.constant 0 : i32
        %dma_start3A_201 = tpu.memref_slice %arg2[%arg0, %dma_start3A_199, %dma_start3A_200] : memref<2x10000x64xf32, #tpu.memory_space<hbm>> -> memref<1x10000x64xf32, #tpu.memory_space<hbm>>
        %dma_start3A_202 = tpu.memref_squeeze %dma_start3A_201 : memref<1x10000x64xf32, #tpu.memory_space<hbm>> -> memref<10000x64xf32, #tpu.memory_space<hbm>>
        %dma_start3A_203 = arith.constant 0 : i32
        %dma_start3A_204 = arith.constant 0 : i32
        %dma_start3A_205 = tpu.memref_slice %dma_start3A_202[%dma_start3A_203, %dma_start3A_204] : memref<10000x64xf32, #tpu.memory_space<hbm>> -> memref<10000x64xf32, #tpu.memory_space<hbm>>
        tpu.enqueue_indirect_dma source(%dma_start3A_205 : memref<10000x64xf32, #tpu.memory_space<hbm>>) target(%arg9 : memref<125x64xf32, #tpu.memory_space<vmem>>) offsets(%dma_start3A_198 : memref<125xi32, #tpu.memory_space<vmem>>) semaphore(%arg14 : memref<!tpu.dma_semaphore, #tpu.memory_space<semaphore_mem>>)
      } else {
      }
      %add3A_161 = arith.constant 1 : i32
      %add3A_162 = arith.addi %mul3A_83, %add3A_161 : i32
      %add3A_163 = arith.constant 4 : i32
      %add3A_164 = arith.addi %add3A_162, %add3A_163 : i32
      %lt3A_165 = arith.constant 160 : i32
      %lt3A_166 = arith.cmpi slt, %add3A_164, %lt3A_165 : i32
      %convert_element_type3A_167 = arith.extui %lt3A_166 : i1 to i32
      %cond3A_168 = arith.constant 0 : i32
      %cond3A_169 = arith.cmpi ne, %convert_element_type3A_167, %cond3A_168 : i32
      scf.if %cond3A_169 {
        %dma_wait3A_188 = arith.constant 0 : i32
        %dma_wait3A_189 = tpu.memref_slice %arg8[%add3A_162, %dma_wait3A_188] : memref<160x125xi32, #tpu.memory_space<vmem>> -> memref<1x125xi32, #tpu.memory_space<vmem>>
        %dma_wait3A_190 = tpu.memref_squeeze %dma_wait3A_189 : memref<1x125xi32, #tpu.memory_space<vmem>> -> memref<125xi32, #tpu.memory_space<vmem>>
        %dma_wait3A_191 = arith.constant 0 : i32
        %dma_wait3A_192 = arith.constant 0 : i32
        %dma_wait3A_193 = tpu.memref_slice %arg13[%dma_wait3A_191, %dma_wait3A_192] : memref<10240x64xf32, #tpu.memory_space<vmem_shared>> -> memref<10240x64xf32, #tpu.memory_space<vmem_shared>>
        tpu.wait_indirect_dma semaphore(%arg19 : memref<!tpu.dma_semaphore, #tpu.memory_space<semaphore_mem>>) src(%arg10 : memref<125x64xf32, #tpu.memory_space<vmem>>) dst(%dma_wait3A_193 : memref<10240x64xf32, #tpu.memory_space<vmem_shared>>)
        %add3A_194 = arith.constant 4 : i32
        %add3A_195 = arith.addi %add3A_162, %add3A_194 : i32
        %dma_start3A_196 = arith.constant 0 : i32
        %dma_start3A_197 = tpu.memref_slice %arg7[%add3A_195, %dma_start3A_196] : memref<160x125xi32, #tpu.memory_space<vmem>> -> memref<1x125xi32, #tpu.memory_space<vmem>>
        %dma_start3A_198 = tpu.memref_squeeze %dma_start3A_197 : memref<1x125xi32, #tpu.memory_space<vmem>> -> memref<125xi32, #tpu.memory_space<vmem>>
        %dma_start3A_199 = arith.constant 0 : i32
        %dma_start3A_200 = arith.constant 0 : i32
        %dma_start3A_201 = tpu.memref_slice %arg2[%arg0, %dma_start3A_199, %dma_start3A_200] : memref<2x10000x64xf32, #tpu.memory_space<hbm>> -> memref<1x10000x64xf32, #tpu.memory_space<hbm>>
        %dma_start3A_202 = tpu.memref_squeeze %dma_start3A_201 : memref<1x10000x64xf32, #tpu.memory_space<hbm>> -> memref<10000x64xf32, #tpu.memory_space<hbm>>
        %dma_start3A_203 = arith.constant 0 : i32
        %dma_start3A_204 = arith.constant 0 : i32
        %dma_start3A_205 = tpu.memref_slice %dma_start3A_202[%dma_start3A_203, %dma_start3A_204] : memref<10000x64xf32, #tpu.memory_space<hbm>> -> memref<10000x64xf32, #tpu.memory_space<hbm>>
        tpu.enqueue_indirect_dma source(%dma_start3A_205 : memref<10000x64xf32, #tpu.memory_space<hbm>>) target(%arg10 : memref<125x64xf32, #tpu.memory_space<vmem>>) offsets(%dma_start3A_198 : memref<125xi32, #tpu.memory_space<vmem>>) semaphore(%arg15 : memref<!tpu.dma_semaphore, #tpu.memory_space<semaphore_mem>>)
      } else {
      }
      %add3A_170 = arith.constant 2 : i32
      %add3A_171 = arith.addi %mul3A_83, %add3A_170 : i32
      %add3A_172 = arith.constant 4 : i32
      %add3A_173 = arith.addi %add3A_171, %add3A_172 : i32
      %lt3A_174 = arith.constant 160 : i32
      %lt3A_175 = arith.cmpi slt, %add3A_173, %lt3A_174 : i32
      %convert_element_type3A_176 = arith.extui %lt3A_175 : i1 to i32
      %cond3A_177 = arith.constant 0 : i32
      %cond3A_178 = arith.cmpi ne, %convert_element_type3A_176, %cond3A_177 : i32
      scf.if %cond3A_178 {
        %dma_wait3A_188 = arith.constant 0 : i32
        %dma_wait3A_189 = tpu.memref_slice %arg8[%add3A_171, %dma_wait3A_188] : memref<160x125xi32, #tpu.memory_space<vmem>> -> memref<1x125xi32, #tpu.memory_space<vmem>>
        %dma_wait3A_190 = tpu.memref_squeeze %dma_wait3A_189 : memref<1x125xi32, #tpu.memory_space<vmem>> -> memref<125xi32, #tpu.memory_space<vmem>>
        %dma_wait3A_191 = arith.constant 0 : i32
        %dma_wait3A_192 = arith.constant 0 : i32
        %dma_wait3A_193 = tpu.memref_slice %arg13[%dma_wait3A_191, %dma_wait3A_192] : memref<10240x64xf32, #tpu.memory_space<vmem_shared>> -> memref<10240x64xf32, #tpu.memory_space<vmem_shared>>
        tpu.wait_indirect_dma semaphore(%arg20 : memref<!tpu.dma_semaphore, #tpu.memory_space<semaphore_mem>>) src(%arg11 : memref<125x64xf32, #tpu.memory_space<vmem>>) dst(%dma_wait3A_193 : memref<10240x64xf32, #tpu.memory_space<vmem_shared>>)
        %add3A_194 = arith.constant 4 : i32
        %add3A_195 = arith.addi %add3A_171, %add3A_194 : i32
        %dma_start3A_196 = arith.constant 0 : i32
        %dma_start3A_197 = tpu.memref_slice %arg7[%add3A_195, %dma_start3A_196] : memref<160x125xi32, #tpu.memory_space<vmem>> -> memref<1x125xi32, #tpu.memory_space<vmem>>
        %dma_start3A_198 = tpu.memref_squeeze %dma_start3A_197 : memref<1x125xi32, #tpu.memory_space<vmem>> -> memref<125xi32, #tpu.memory_space<vmem>>
        %dma_start3A_199 = arith.constant 0 : i32
        %dma_start3A_200 = arith.constant 0 : i32
        %dma_start3A_201 = tpu.memref_slice %arg2[%arg0, %dma_start3A_199, %dma_start3A_200] : memref<2x10000x64xf32, #tpu.memory_space<hbm>> -> memref<1x10000x64xf32, #tpu.memory_space<hbm>>
        %dma_start3A_202 = tpu.memref_squeeze %dma_start3A_201 : memref<1x10000x64xf32, #tpu.memory_space<hbm>> -> memref<10000x64xf32, #tpu.memory_space<hbm>>
        %dma_start3A_203 = arith.constant 0 : i32
        %dma_start3A_204 = arith.constant 0 : i32
        %dma_start3A_205 = tpu.memref_slice %dma_start3A_202[%dma_start3A_203, %dma_start3A_204] : memref<10000x64xf32, #tpu.memory_space<hbm>> -> memref<10000x64xf32, #tpu.memory_space<hbm>>
        tpu.enqueue_indirect_dma source(%dma_start3A_205 : memref<10000x64xf32, #tpu.memory_space<hbm>>) target(%arg11 : memref<125x64xf32, #tpu.memory_space<vmem>>) offsets(%dma_start3A_198 : memref<125xi32, #tpu.memory_space<vmem>>) semaphore(%arg16 : memref<!tpu.dma_semaphore, #tpu.memory_space<semaphore_mem>>)
      } else {
      }
      %add3A_179 = arith.constant 3 : i32
      %add3A_180 = arith.addi %mul3A_83, %add3A_179 : i32
      %add3A_181 = arith.constant 4 : i32
      %add3A_182 = arith.addi %add3A_180, %add3A_181 : i32
      %lt3A_183 = arith.constant 160 : i32
      %lt3A_184 = arith.cmpi slt, %add3A_182, %lt3A_183 : i32
      %convert_element_type3A_185 = arith.extui %lt3A_184 : i1 to i32
      %cond3A_186 = arith.constant 0 : i32
      %cond3A_187 = arith.cmpi ne, %convert_element_type3A_185, %cond3A_186 : i32
      scf.if %cond3A_187 {
        %dma_wait3A_188 = arith.constant 0 : i32
        %dma_wait3A_189 = tpu.memref_slice %arg8[%add3A_180, %dma_wait3A_188] : memref<160x125xi32, #tpu.memory_space<vmem>> -> memref<1x125xi32, #tpu.memory_space<vmem>>
        %dma_wait3A_190 = tpu.memref_squeeze %dma_wait3A_189 : memref<1x125xi32, #tpu.memory_space<vmem>> -> memref<125xi32, #tpu.memory_space<vmem>>
        %dma_wait3A_191 = arith.constant 0 : i32
        %dma_wait3A_192 = arith.constant 0 : i32
        %dma_wait3A_193 = tpu.memref_slice %arg13[%dma_wait3A_191, %dma_wait3A_192] : memref<10240x64xf32, #tpu.memory_space<vmem_shared>> -> memref<10240x64xf32, #tpu.memory_space<vmem_shared>>
        tpu.wait_indirect_dma semaphore(%arg21 : memref<!tpu.dma_semaphore, #tpu.memory_space<semaphore_mem>>) src(%arg12 : memref<125x64xf32, #tpu.memory_space<vmem>>) dst(%dma_wait3A_193 : memref<10240x64xf32, #tpu.memory_space<vmem_shared>>)
        %add3A_194 = arith.constant 4 : i32
        %add3A_195 = arith.addi %add3A_180, %add3A_194 : i32
        %dma_start3A_196 = arith.constant 0 : i32
        %dma_start3A_197 = tpu.memref_slice %arg7[%add3A_195, %dma_start3A_196] : memref<160x125xi32, #tpu.memory_space<vmem>> -> memref<1x125xi32, #tpu.memory_space<vmem>>
        %dma_start3A_198 = tpu.memref_squeeze %dma_start3A_197 : memref<1x125xi32, #tpu.memory_space<vmem>> -> memref<125xi32, #tpu.memory_space<vmem>>
        %dma_start3A_199 = arith.constant 0 : i32
        %dma_start3A_200 = arith.constant 0 : i32
        %dma_start3A_201 = tpu.memref_slice %arg2[%arg0, %dma_start3A_199, %dma_start3A_200] : memref<2x10000x64xf32, #tpu.memory_space<hbm>> -> memref<1x10000x64xf32, #tpu.memory_space<hbm>>
        %dma_start3A_202 = tpu.memref_squeeze %dma_start3A_201 : memref<1x10000x64xf32, #tpu.memory_space<hbm>> -> memref<10000x64xf32, #tpu.memory_space<hbm>>
        %dma_start3A_203 = arith.constant 0 : i32
        %dma_start3A_204 = arith.constant 0 : i32
        %dma_start3A_205 = tpu.memref_slice %dma_start3A_202[%dma_start3A_203, %dma_start3A_204] : memref<10000x64xf32, #tpu.memory_space<hbm>> -> memref<10000x64xf32, #tpu.memory_space<hbm>>
        tpu.enqueue_indirect_dma source(%dma_start3A_205 : memref<10000x64xf32, #tpu.memory_space<hbm>>) target(%arg12 : memref<125x64xf32, #tpu.memory_space<vmem>>) offsets(%dma_start3A_198 : memref<125xi32, #tpu.memory_space<vmem>>) semaphore(%arg17 : memref<!tpu.dma_semaphore, #tpu.memory_space<semaphore_mem>>)
      } else {
      }
    }
    %scan3A_48 = arith.constant 40 : i32
    %dma_wait3A = arith.constant 156 : i32
    %dma_wait3A_49 = arith.constant 0 : i32
    %dma_wait3A_50 = tpu.memref_slice %arg8[%dma_wait3A, %dma_wait3A_49] : memref<160x125xi32, #tpu.memory_space<vmem>> -> memref<1x125xi32, #tpu.memory_space<vmem>>
    %dma_wait3A_51 = tpu.memref_squeeze %dma_wait3A_50 : memref<1x125xi32, #tpu.memory_space<vmem>> -> memref<125xi32, #tpu.memory_space<vmem>>
    %dma_wait3A_52 = arith.constant 0 : i32
    %dma_wait3A_53 = arith.constant 0 : i32
    %dma_wait3A_54 = tpu.memref_slice %arg13[%dma_wait3A_52, %dma_wait3A_53] : memref<10240x64xf32, #tpu.memory_space<vmem_shared>> -> memref<10240x64xf32, #tpu.memory_space<vmem_shared>>
    tpu.wait_indirect_dma semaphore(%arg18 : memref<!tpu.dma_semaphore, #tpu.memory_space<semaphore_mem>>) src(%arg9 : memref<125x64xf32, #tpu.memory_space<vmem>>) dst(%dma_wait3A_54 : memref<10240x64xf32, #tpu.memory_space<vmem_shared>>)
    %dma_wait3A_55 = arith.constant 157 : i32
    %dma_wait3A_56 = arith.constant 0 : i32
    %dma_wait3A_57 = tpu.memref_slice %arg8[%dma_wait3A_55, %dma_wait3A_56] : memref<160x125xi32, #tpu.memory_space<vmem>> -> memref<1x125xi32, #tpu.memory_space<vmem>>
    %dma_wait3A_58 = tpu.memref_squeeze %dma_wait3A_57 : memref<1x125xi32, #tpu.memory_space<vmem>> -> memref<125xi32, #tpu.memory_space<vmem>>
    %dma_wait3A_59 = arith.constant 0 : i32
    %dma_wait3A_60 = arith.constant 0 : i32
    %dma_wait3A_61 = tpu.memref_slice %arg13[%dma_wait3A_59, %dma_wait3A_60] : memref<10240x64xf32, #tpu.memory_space<vmem_shared>> -> memref<10240x64xf32, #tpu.memory_space<vmem_shared>>
    tpu.wait_indirect_dma semaphore(%arg19 : memref<!tpu.dma_semaphore, #tpu.memory_space<semaphore_mem>>) src(%arg10 : memref<125x64xf32, #tpu.memory_space<vmem>>) dst(%dma_wait3A_61 : memref<10240x64xf32, #tpu.memory_space<vmem_shared>>)
    %dma_wait3A_62 = arith.constant 158 : i32
    %dma_wait3A_63 = arith.constant 0 : i32
    %dma_wait3A_64 = tpu.memref_slice %arg8[%dma_wait3A_62, %dma_wait3A_63] : memref<160x125xi32, #tpu.memory_space<vmem>> -> memref<1x125xi32, #tpu.memory_space<vmem>>
    %dma_wait3A_65 = tpu.memref_squeeze %dma_wait3A_64 : memref<1x125xi32, #tpu.memory_space<vmem>> -> memref<125xi32, #tpu.memory_space<vmem>>
    %dma_wait3A_66 = arith.constant 0 : i32
    %dma_wait3A_67 = arith.constant 0 : i32
    %dma_wait3A_68 = tpu.memref_slice %arg13[%dma_wait3A_66, %dma_wait3A_67] : memref<10240x64xf32, #tpu.memory_space<vmem_shared>> -> memref<10240x64xf32, #tpu.memory_space<vmem_shared>>
    tpu.wait_indirect_dma semaphore(%arg20 : memref<!tpu.dma_semaphore, #tpu.memory_space<semaphore_mem>>) src(%arg11 : memref<125x64xf32, #tpu.memory_space<vmem>>) dst(%dma_wait3A_68 : memref<10240x64xf32, #tpu.memory_space<vmem_shared>>)
    %dma_wait3A_69 = arith.constant 159 : i32
    %dma_wait3A_70 = arith.constant 0 : i32
    %dma_wait3A_71 = tpu.memref_slice %arg8[%dma_wait3A_69, %dma_wait3A_70] : memref<160x125xi32, #tpu.memory_space<vmem>> -> memref<1x125xi32, #tpu.memory_space<vmem>>
    %dma_wait3A_72 = tpu.memref_squeeze %dma_wait3A_71 : memref<1x125xi32, #tpu.memory_space<vmem>> -> memref<125xi32, #tpu.memory_space<vmem>>
    %dma_wait3A_73 = arith.constant 0 : i32
    %dma_wait3A_74 = arith.constant 0 : i32
    %dma_wait3A_75 = tpu.memref_slice %arg13[%dma_wait3A_73, %dma_wait3A_74] : memref<10240x64xf32, #tpu.memory_space<vmem_shared>> -> memref<10240x64xf32, #tpu.memory_space<vmem_shared>>
    tpu.wait_indirect_dma semaphore(%arg21 : memref<!tpu.dma_semaphore, #tpu.memory_space<semaphore_mem>>) src(%arg12 : memref<125x64xf32, #tpu.memory_space<vmem>>) dst(%dma_wait3A_75 : memref<10240x64xf32, #tpu.memory_space<vmem_shared>>)
    %barrier3A_76 = arith.constant 0 : index
    tpu.barrier barrier_id(%barrier3A_76)
    %mul3A_77 = arith.constant 640 : i32
    %mul3A_78 = arith.muli %arg1, %mul3A_77 : i32
    %mul3A_79 = arith.constant 640 : i32
    %mul3A_80 = arith.muli %arg1, %mul3A_79 : i32
    "tpu.region"() ({
      %run_scoped3A = tpu.sem_alloc : memref<!tpu.dma_semaphore, #tpu.memory_space<semaphore_mem>>
      %dma_start3A_81 = arith.constant 0 : i32
      %dma_start3A_82 = tpu.memref_slice %arg6[%arg0, %mul3A_80, %dma_start3A_81] : memref<2x10240x64xf32, #tpu.memory_space<hbm>> -> memref<1x640x64xf32, #tpu.memory_space<hbm>>
      %dma_start3A_83 = tpu.memref_squeeze %dma_start3A_82 : memref<1x640x64xf32, #tpu.memory_space<hbm>> -> memref<640x64xf32, #tpu.memory_space<hbm>>
      %dma_start3A_84 = arith.constant 0 : i32
      %dma_start3A_85 = tpu.memref_slice %arg13[%mul3A_78, %dma_start3A_84] : memref<10240x64xf32, #tpu.memory_space<vmem_shared>> -> memref<640x64xf32, #tpu.memory_space<vmem_shared>>
      tpu.enqueue_dma source(%dma_start3A_85 : memref<640x64xf32, #tpu.memory_space<vmem_shared>>) target(%dma_start3A_83 : memref<640x64xf32, #tpu.memory_space<hbm>>) target_semaphore(%run_scoped3A : memref<!tpu.dma_semaphore, #tpu.memory_space<semaphore_mem>>)
      %dma_wait3A_86 = arith.constant 0 : i32
      %dma_wait3A_87 = tpu.memref_slice %arg6[%arg0, %mul3A_80, %dma_wait3A_86] : memref<2x10240x64xf32, #tpu.memory_space<hbm>> -> memref<1x640x64xf32, #tpu.memory_space<hbm>>
      %dma_wait3A_88 = tpu.memref_squeeze %dma_wait3A_87 : memref<1x640x64xf32, #tpu.memory_space<hbm>> -> memref<640x64xf32, #tpu.memory_space<hbm>>
      %dma_wait3A_89 = arith.constant 0 : i32
      %dma_wait3A_90 = tpu.memref_slice %arg13[%mul3A_78, %dma_wait3A_89] : memref<10240x64xf32, #tpu.memory_space<vmem_shared>> -> memref<640x64xf32, #tpu.memory_space<vmem_shared>>
      tpu.wait_dma2 semaphore(%run_scoped3A : memref<!tpu.dma_semaphore, #tpu.memory_space<semaphore_mem>>) src(%dma_wait3A_90 : memref<640x64xf32, #tpu.memory_space<vmem_shared>>) dst(%dma_wait3A_88 : memref<640x64xf32, #tpu.memory_space<hbm>>)
      tpu.yield
    }) : () -> ()
    return
  }
}

#map = affine_map<(d0, d1) -> (0, 0, 0)>
#map1 = affine_map<(d0, d1) -> (0, 0)>
module attributes {stable_mosaic.version = 14 : i64} {
  func.func @_sc_aux(%arg0: i32, %arg1: i32, %arg2: memref<32x10000x16xf32, #tpu.memory_space<hbm>>, %arg3: memref<32x78x128xi32, #tpu.memory_space<hbm>>, %arg4: memref<32x16xi32, #tpu.memory_space<hbm>>, %arg5: memref<640x16xf32, #tpu.memory_space<hbm>>, %arg6: memref<2x10240x16xf32, #tpu.memory_space<hbm>>, %arg7: memref<78x128xi32, #tpu.memory_space<vmem>>, %arg8: memref<16xi32, #tpu.memory_space<vmem>>, %arg9: memref<128x16xf32, #tpu.memory_space<vmem>>, %arg10: memref<128x16xf32, #tpu.memory_space<vmem>>, %arg11: memref<128x16xf32, #tpu.memory_space<vmem>>, %arg12: memref<10240x16xf32, #tpu.memory_space<vmem_shared>>, %arg13: memref<!tpu.dma_semaphore, #tpu.memory_space<semaphore_mem>>, %arg14: memref<!tpu.dma_semaphore, #tpu.memory_space<semaphore_mem>>, %arg15: memref<!tpu.dma_semaphore, #tpu.memory_space<semaphore_mem>>, %arg16: memref<!tpu.dma_semaphore, #tpu.memory_space<semaphore_mem>>, %arg17: memref<!tpu.dma_semaphore, #tpu.memory_space<semaphore_mem>>, %arg18: memref<!tpu.dma_semaphore, #tpu.memory_space<semaphore_mem>>) attributes {dimension_semantics = [#tpu.dimension_semantics<core_parallel>, #tpu.dimension_semantics<subcore_parallel>], iteration_bounds = array<i64: 2, 16>, scalar_prefetch = 0 : i64, scratch_operands = 12 : i64, tpu.core_type = #tpu.core_type<sc_vector_subcore>, window_params = [{transform_indices = #map}, {transform_indices = #map}, {transform_indices = #map1}, {transform_indices = #map1}, {transform_indices = #map}]} {
    %mul3A = arith.constant 16 : i32
    %mul3A_0 = arith.muli %arg0, %mul3A : i32
    %add3A = arith.addi %mul3A_0, %arg1 : i32
    %mul3A_1 = arith.constant 640 : i32
    %mul3A_2 = arith.muli %arg1, %mul3A_1 : i32
    "tpu.region"() ({
      %run_scoped3A = tpu.sem_alloc : memref<!tpu.dma_semaphore, #tpu.memory_space<semaphore_mem>>
      %dma_start3A_58 = arith.constant 0 : i32
      %dma_start3A_59 = tpu.memref_slice %arg12[%mul3A_2, %dma_start3A_58] : memref<10240x16xf32, #tpu.memory_space<vmem_shared>> -> memref<640x16xf32, #tpu.memory_space<vmem_shared>>
      tpu.enqueue_dma source(%arg5 : memref<640x16xf32, #tpu.memory_space<hbm>>) target(%dma_start3A_59 : memref<640x16xf32, #tpu.memory_space<vmem_shared>>) target_semaphore(%run_scoped3A : memref<!tpu.dma_semaphore, #tpu.memory_space<semaphore_mem>>)
      %dma_wait3A_60 = arith.constant 0 : i32
      %dma_wait3A_61 = tpu.memref_slice %arg12[%mul3A_2, %dma_wait3A_60] : memref<10240x16xf32, #tpu.memory_space<vmem_shared>> -> memref<640x16xf32, #tpu.memory_space<vmem_shared>>
      tpu.wait_dma2 semaphore(%run_scoped3A : memref<!tpu.dma_semaphore, #tpu.memory_space<semaphore_mem>>) src(%arg5 : memref<640x16xf32, #tpu.memory_space<hbm>>) dst(%dma_wait3A_61 : memref<640x16xf32, #tpu.memory_space<vmem_shared>>)
      tpu.yield
    }) : () -> ()
    "tpu.region"() ({
      %run_scoped3A = tpu.sem_alloc : memref<!tpu.dma_semaphore, #tpu.memory_space<semaphore_mem>>
      %dma_start3A_58 = arith.constant 0 : i32
      %dma_start3A_59 = arith.constant 0 : i32
      %dma_start3A_60 = tpu.memref_slice %arg3[%add3A, %dma_start3A_58, %dma_start3A_59] : memref<32x78x128xi32, #tpu.memory_space<hbm>> -> memref<1x78x128xi32, #tpu.memory_space<hbm>>
      %dma_start3A_61 = tpu.memref_squeeze %dma_start3A_60 : memref<1x78x128xi32, #tpu.memory_space<hbm>> -> memref<78x128xi32, #tpu.memory_space<hbm>>
      %dma_start3A_62 = arith.constant 0 : i32
      %dma_start3A_63 = arith.constant 0 : i32
      %dma_start3A_64 = tpu.memref_slice %arg3[%add3A, %dma_start3A_62, %dma_start3A_63] : memref<32x78x128xi32, #tpu.memory_space<hbm>> -> memref<1x78x128xi32, #tpu.memory_space<hbm>>
      %dma_start3A_65 = tpu.memref_squeeze %dma_start3A_64 : memref<1x78x128xi32, #tpu.memory_space<hbm>> -> memref<78x128xi32, #tpu.memory_space<hbm>>
      tpu.enqueue_dma source(%dma_start3A_65 : memref<78x128xi32, #tpu.memory_space<hbm>>) target(%arg7 : memref<78x128xi32, #tpu.memory_space<vmem>>) target_semaphore(%run_scoped3A : memref<!tpu.dma_semaphore, #tpu.memory_space<semaphore_mem>>)
      %dma_wait3A_66 = arith.constant 0 : i32
      %dma_wait3A_67 = arith.constant 0 : i32
      %dma_wait3A_68 = tpu.memref_slice %arg3[%add3A, %dma_wait3A_66, %dma_wait3A_67] : memref<32x78x128xi32, #tpu.memory_space<hbm>> -> memref<1x78x128xi32, #tpu.memory_space<hbm>>
      %dma_wait3A_69 = tpu.memref_squeeze %dma_wait3A_68 : memref<1x78x128xi32, #tpu.memory_space<hbm>> -> memref<78x128xi32, #tpu.memory_space<hbm>>
      %dma_wait3A_70 = arith.constant 0 : i32
      %dma_wait3A_71 = arith.constant 0 : i32
      %dma_wait3A_72 = tpu.memref_slice %arg3[%add3A, %dma_wait3A_70, %dma_wait3A_71] : memref<32x78x128xi32, #tpu.memory_space<hbm>> -> memref<1x78x128xi32, #tpu.memory_space<hbm>>
      %dma_wait3A_73 = tpu.memref_squeeze %dma_wait3A_72 : memref<1x78x128xi32, #tpu.memory_space<hbm>> -> memref<78x128xi32, #tpu.memory_space<hbm>>
      tpu.wait_dma2 semaphore(%run_scoped3A : memref<!tpu.dma_semaphore, #tpu.memory_space<semaphore_mem>>) src(%dma_wait3A_73 : memref<78x128xi32, #tpu.memory_space<hbm>>) dst(%arg7 : memref<78x128xi32, #tpu.memory_space<vmem>>)
      tpu.yield
    }) : () -> ()
    "tpu.region"() ({
      %run_scoped3A = tpu.sem_alloc : memref<!tpu.dma_semaphore, #tpu.memory_space<semaphore_mem>>
      %dma_start3A_58 = arith.constant 0 : i32
      %dma_start3A_59 = tpu.memref_slice %arg4[%add3A, %dma_start3A_58] : memref<32x16xi32, #tpu.memory_space<hbm>> -> memref<1x16xi32, #tpu.memory_space<hbm>>
      %dma_start3A_60 = tpu.memref_squeeze %dma_start3A_59 : memref<1x16xi32, #tpu.memory_space<hbm>> -> memref<16xi32, #tpu.memory_space<hbm>>
      %dma_start3A_61 = arith.constant 0 : i32
      %dma_start3A_62 = tpu.memref_slice %arg4[%add3A, %dma_start3A_61] : memref<32x16xi32, #tpu.memory_space<hbm>> -> memref<1x16xi32, #tpu.memory_space<hbm>>
      %dma_start3A_63 = tpu.memref_squeeze %dma_start3A_62 : memref<1x16xi32, #tpu.memory_space<hbm>> -> memref<16xi32, #tpu.memory_space<hbm>>
      tpu.enqueue_dma source(%dma_start3A_63 : memref<16xi32, #tpu.memory_space<hbm>>) target(%arg8 : memref<16xi32, #tpu.memory_space<vmem>>) target_semaphore(%run_scoped3A : memref<!tpu.dma_semaphore, #tpu.memory_space<semaphore_mem>>)
      %dma_wait3A_64 = arith.constant 0 : i32
      %dma_wait3A_65 = tpu.memref_slice %arg4[%add3A, %dma_wait3A_64] : memref<32x16xi32, #tpu.memory_space<hbm>> -> memref<1x16xi32, #tpu.memory_space<hbm>>
      %dma_wait3A_66 = tpu.memref_squeeze %dma_wait3A_65 : memref<1x16xi32, #tpu.memory_space<hbm>> -> memref<16xi32, #tpu.memory_space<hbm>>
      %dma_wait3A_67 = arith.constant 0 : i32
      %dma_wait3A_68 = tpu.memref_slice %arg4[%add3A, %dma_wait3A_67] : memref<32x16xi32, #tpu.memory_space<hbm>> -> memref<1x16xi32, #tpu.memory_space<hbm>>
      %dma_wait3A_69 = tpu.memref_squeeze %dma_wait3A_68 : memref<1x16xi32, #tpu.memory_space<hbm>> -> memref<16xi32, #tpu.memory_space<hbm>>
      tpu.wait_dma2 semaphore(%run_scoped3A : memref<!tpu.dma_semaphore, #tpu.memory_space<semaphore_mem>>) src(%dma_wait3A_69 : memref<16xi32, #tpu.memory_space<hbm>>) dst(%arg8 : memref<16xi32, #tpu.memory_space<vmem>>)
      tpu.yield
    }) : () -> ()
    %barrier3A = arith.constant 0 : index
    tpu.barrier barrier_id(%barrier3A)
    %dma_start3A = arith.constant 0 : i32
    %dma_start3A_3 = arith.constant 0 : i32
    %dma_start3A_4 = tpu.memref_slice %arg2[%add3A, %dma_start3A, %dma_start3A_3] : memref<32x10000x16xf32, #tpu.memory_space<hbm>> -> memref<1x128x16xf32, #tpu.memory_space<hbm>>
    %dma_start3A_5 = tpu.memref_squeeze %dma_start3A_4 : memref<1x128x16xf32, #tpu.memory_space<hbm>> -> memref<128x16xf32, #tpu.memory_space<hbm>>
    %dma_start3A_6 = arith.constant 0 : i32
    %dma_start3A_7 = arith.constant 0 : i32
    %dma_start3A_8 = tpu.memref_slice %arg2[%add3A, %dma_start3A_6, %dma_start3A_7] : memref<32x10000x16xf32, #tpu.memory_space<hbm>> -> memref<1x128x16xf32, #tpu.memory_space<hbm>>
    %dma_start3A_9 = tpu.memref_squeeze %dma_start3A_8 : memref<1x128x16xf32, #tpu.memory_space<hbm>> -> memref<128x16xf32, #tpu.memory_space<hbm>>
    tpu.enqueue_dma source(%dma_start3A_9 : memref<128x16xf32, #tpu.memory_space<hbm>>) target(%arg9 : memref<128x16xf32, #tpu.memory_space<vmem>>) target_semaphore(%arg13 : memref<!tpu.dma_semaphore, #tpu.memory_space<semaphore_mem>>)
    %dma_start3A_10 = arith.constant 128 : i32
    %dma_start3A_11 = arith.constant 0 : i32
    %dma_start3A_12 = tpu.memref_slice %arg2[%add3A, %dma_start3A_10, %dma_start3A_11] : memref<32x10000x16xf32, #tpu.memory_space<hbm>> -> memref<1x128x16xf32, #tpu.memory_space<hbm>>
    %dma_start3A_13 = tpu.memref_squeeze %dma_start3A_12 : memref<1x128x16xf32, #tpu.memory_space<hbm>> -> memref<128x16xf32, #tpu.memory_space<hbm>>
    %dma_start3A_14 = arith.constant 128 : i32
    %dma_start3A_15 = arith.constant 0 : i32
    %dma_start3A_16 = tpu.memref_slice %arg2[%add3A, %dma_start3A_14, %dma_start3A_15] : memref<32x10000x16xf32, #tpu.memory_space<hbm>> -> memref<1x128x16xf32, #tpu.memory_space<hbm>>
    %dma_start3A_17 = tpu.memref_squeeze %dma_start3A_16 : memref<1x128x16xf32, #tpu.memory_space<hbm>> -> memref<128x16xf32, #tpu.memory_space<hbm>>
    tpu.enqueue_dma source(%dma_start3A_17 : memref<128x16xf32, #tpu.memory_space<hbm>>) target(%arg10 : memref<128x16xf32, #tpu.memory_space<vmem>>) target_semaphore(%arg14 : memref<!tpu.dma_semaphore, #tpu.memory_space<semaphore_mem>>)
    %dma_start3A_18 = arith.constant 256 : i32
    %dma_start3A_19 = arith.constant 0 : i32
    %dma_start3A_20 = tpu.memref_slice %arg2[%add3A, %dma_start3A_18, %dma_start3A_19] : memref<32x10000x16xf32, #tpu.memory_space<hbm>> -> memref<1x128x16xf32, #tpu.memory_space<hbm>>
    %dma_start3A_21 = tpu.memref_squeeze %dma_start3A_20 : memref<1x128x16xf32, #tpu.memory_space<hbm>> -> memref<128x16xf32, #tpu.memory_space<hbm>>
    %dma_start3A_22 = arith.constant 256 : i32
    %dma_start3A_23 = arith.constant 0 : i32
    %dma_start3A_24 = tpu.memref_slice %arg2[%add3A, %dma_start3A_22, %dma_start3A_23] : memref<32x10000x16xf32, #tpu.memory_space<hbm>> -> memref<1x128x16xf32, #tpu.memory_space<hbm>>
    %dma_start3A_25 = tpu.memref_squeeze %dma_start3A_24 : memref<1x128x16xf32, #tpu.memory_space<hbm>> -> memref<128x16xf32, #tpu.memory_space<hbm>>
    tpu.enqueue_dma source(%dma_start3A_25 : memref<128x16xf32, #tpu.memory_space<hbm>>) target(%arg11 : memref<128x16xf32, #tpu.memory_space<vmem>>) target_semaphore(%arg15 : memref<!tpu.dma_semaphore, #tpu.memory_space<semaphore_mem>>)
    %scan3A = arith.constant 0 : i32
    %scan3A_26 = arith.constant 0 : i32
    %scan3A_27 = arith.constant 26 : i32
    %scan3A_28 = arith.addi %scan3A_26, %scan3A_27 : i32
    %scan3A_29 = arith.constant 1 : i32
    scf.for %scan3A_58 = %scan3A_26 to %scan3A_28 step %scan3A_29  : i32 {
      %mul3A_59 = arith.constant 3 : i32
      %mul3A_60 = arith.muli %mul3A_59, %scan3A_58 : i32
      %add3A_61 = arith.constant 0 : i32
      %add3A_62 = arith.addi %mul3A_60, %add3A_61 : i32
      %mul3A_63 = arith.constant 128 : i32
      %mul3A_64 = arith.muli %add3A_62, %mul3A_63 : i32
      %dma_wait3A_65 = arith.constant 0 : i32
      %dma_wait3A_66 = tpu.memref_slice %arg2[%add3A, %mul3A_64, %dma_wait3A_65] : memref<32x10000x16xf32, #tpu.memory_space<hbm>> -> memref<1x128x16xf32, #tpu.memory_space<hbm>>
      %dma_wait3A_67 = tpu.memref_squeeze %dma_wait3A_66 : memref<1x128x16xf32, #tpu.memory_space<hbm>> -> memref<128x16xf32, #tpu.memory_space<hbm>>
      %dma_wait3A_68 = arith.constant 0 : i32
      %dma_wait3A_69 = tpu.memref_slice %arg2[%add3A, %mul3A_64, %dma_wait3A_68] : memref<32x10000x16xf32, #tpu.memory_space<hbm>> -> memref<1x128x16xf32, #tpu.memory_space<hbm>>
      %dma_wait3A_70 = tpu.memref_squeeze %dma_wait3A_69 : memref<1x128x16xf32, #tpu.memory_space<hbm>> -> memref<128x16xf32, #tpu.memory_space<hbm>>
      tpu.wait_dma2 semaphore(%arg13 : memref<!tpu.dma_semaphore, #tpu.memory_space<semaphore_mem>>) src(%dma_wait3A_70 : memref<128x16xf32, #tpu.memory_space<hbm>>) dst(%arg9 : memref<128x16xf32, #tpu.memory_space<vmem>>)
      %dma_start3A_71 = arith.constant 0 : i32
      %dma_start3A_72 = tpu.memref_slice %arg7[%add3A_62, %dma_start3A_71] : memref<78x128xi32, #tpu.memory_space<vmem>> -> memref<1x128xi32, #tpu.memory_space<vmem>>
      %dma_start3A_73 = tpu.memref_squeeze %dma_start3A_72 : memref<1x128xi32, #tpu.memory_space<vmem>> -> memref<128xi32, #tpu.memory_space<vmem>>
      %dma_start3A_74 = arith.constant 0 : i32
      %dma_start3A_75 = arith.constant 0 : i32
      %dma_start3A_76 = tpu.memref_slice %arg12[%dma_start3A_74, %dma_start3A_75] : memref<10240x16xf32, #tpu.memory_space<vmem_shared>> -> memref<10240x16xf32, #tpu.memory_space<vmem_shared>>
      tpu.enqueue_indirect_dma source(%arg9 : memref<128x16xf32, #tpu.memory_space<vmem>>) target(%dma_start3A_76 : memref<10240x16xf32, #tpu.memory_space<vmem_shared>>) offsets(%dma_start3A_73 : memref<128xi32, #tpu.memory_space<vmem>>) semaphore(%arg16 : memref<!tpu.dma_semaphore, #tpu.memory_space<semaphore_mem>>) {add = true}
      %add3A_77 = arith.constant 1 : i32
      %add3A_78 = arith.addi %mul3A_60, %add3A_77 : i32
      %mul3A_79 = arith.constant 128 : i32
      %mul3A_80 = arith.muli %add3A_78, %mul3A_79 : i32
      %dma_wait3A_81 = arith.constant 0 : i32
      %dma_wait3A_82 = tpu.memref_slice %arg2[%add3A, %mul3A_80, %dma_wait3A_81] : memref<32x10000x16xf32, #tpu.memory_space<hbm>> -> memref<1x128x16xf32, #tpu.memory_space<hbm>>
      %dma_wait3A_83 = tpu.memref_squeeze %dma_wait3A_82 : memref<1x128x16xf32, #tpu.memory_space<hbm>> -> memref<128x16xf32, #tpu.memory_space<hbm>>
      %dma_wait3A_84 = arith.constant 0 : i32
      %dma_wait3A_85 = tpu.memref_slice %arg2[%add3A, %mul3A_80, %dma_wait3A_84] : memref<32x10000x16xf32, #tpu.memory_space<hbm>> -> memref<1x128x16xf32, #tpu.memory_space<hbm>>
      %dma_wait3A_86 = tpu.memref_squeeze %dma_wait3A_85 : memref<1x128x16xf32, #tpu.memory_space<hbm>> -> memref<128x16xf32, #tpu.memory_space<hbm>>
      tpu.wait_dma2 semaphore(%arg14 : memref<!tpu.dma_semaphore, #tpu.memory_space<semaphore_mem>>) src(%dma_wait3A_86 : memref<128x16xf32, #tpu.memory_space<hbm>>) dst(%arg10 : memref<128x16xf32, #tpu.memory_space<vmem>>)
      %dma_start3A_87 = arith.constant 0 : i32
      %dma_start3A_88 = tpu.memref_slice %arg7[%add3A_78, %dma_start3A_87] : memref<78x128xi32, #tpu.memory_space<vmem>> -> memref<1x128xi32, #tpu.memory_space<vmem>>
      %dma_start3A_89 = tpu.memref_squeeze %dma_start3A_88 : memref<1x128xi32, #tpu.memory_space<vmem>> -> memref<128xi32, #tpu.memory_space<vmem>>
      %dma_start3A_90 = arith.constant 0 : i32
      %dma_start3A_91 = arith.constant 0 : i32
      %dma_start3A_92 = tpu.memref_slice %arg12[%dma_start3A_90, %dma_start3A_91] : memref<10240x16xf32, #tpu.memory_space<vmem_shared>> -> memref<10240x16xf32, #tpu.memory_space<vmem_shared>>
      tpu.enqueue_indirect_dma source(%arg10 : memref<128x16xf32, #tpu.memory_space<vmem>>) target(%dma_start3A_92 : memref<10240x16xf32, #tpu.memory_space<vmem_shared>>) offsets(%dma_start3A_89 : memref<128xi32, #tpu.memory_space<vmem>>) semaphore(%arg17 : memref<!tpu.dma_semaphore, #tpu.memory_space<semaphore_mem>>) {add = true}
      %add3A_93 = arith.constant 2 : i32
      %add3A_94 = arith.addi %mul3A_60, %add3A_93 : i32
      %mul3A_95 = arith.constant 128 : i32
      %mul3A_96 = arith.muli %add3A_94, %mul3A_95 : i32
      %dma_wait3A_97 = arith.constant 0 : i32
      %dma_wait3A_98 = tpu.memref_slice %arg2[%add3A, %mul3A_96, %dma_wait3A_97] : memref<32x10000x16xf32, #tpu.memory_space<hbm>> -> memref<1x128x16xf32, #tpu.memory_space<hbm>>
      %dma_wait3A_99 = tpu.memref_squeeze %dma_wait3A_98 : memref<1x128x16xf32, #tpu.memory_space<hbm>> -> memref<128x16xf32, #tpu.memory_space<hbm>>
      %dma_wait3A_100 = arith.constant 0 : i32
      %dma_wait3A_101 = tpu.memref_slice %arg2[%add3A, %mul3A_96, %dma_wait3A_100] : memref<32x10000x16xf32, #tpu.memory_space<hbm>> -> memref<1x128x16xf32, #tpu.memory_space<hbm>>
      %dma_wait3A_102 = tpu.memref_squeeze %dma_wait3A_101 : memref<1x128x16xf32, #tpu.memory_space<hbm>> -> memref<128x16xf32, #tpu.memory_space<hbm>>
      tpu.wait_dma2 semaphore(%arg15 : memref<!tpu.dma_semaphore, #tpu.memory_space<semaphore_mem>>) src(%dma_wait3A_102 : memref<128x16xf32, #tpu.memory_space<hbm>>) dst(%arg11 : memref<128x16xf32, #tpu.memory_space<vmem>>)
      %dma_start3A_103 = arith.constant 0 : i32
      %dma_start3A_104 = tpu.memref_slice %arg7[%add3A_94, %dma_start3A_103] : memref<78x128xi32, #tpu.memory_space<vmem>> -> memref<1x128xi32, #tpu.memory_space<vmem>>
      %dma_start3A_105 = tpu.memref_squeeze %dma_start3A_104 : memref<1x128xi32, #tpu.memory_space<vmem>> -> memref<128xi32, #tpu.memory_space<vmem>>
      %dma_start3A_106 = arith.constant 0 : i32
      %dma_start3A_107 = arith.constant 0 : i32
      %dma_start3A_108 = tpu.memref_slice %arg12[%dma_start3A_106, %dma_start3A_107] : memref<10240x16xf32, #tpu.memory_space<vmem_shared>> -> memref<10240x16xf32, #tpu.memory_space<vmem_shared>>
      tpu.enqueue_indirect_dma source(%arg11 : memref<128x16xf32, #tpu.memory_space<vmem>>) target(%dma_start3A_108 : memref<10240x16xf32, #tpu.memory_space<vmem_shared>>) offsets(%dma_start3A_105 : memref<128xi32, #tpu.memory_space<vmem>>) semaphore(%arg18 : memref<!tpu.dma_semaphore, #tpu.memory_space<semaphore_mem>>) {add = true}
      %add3A_109 = arith.constant 0 : i32
      %add3A_110 = arith.addi %mul3A_60, %add3A_109 : i32
      %add3A_111 = arith.constant 3 : i32
      %add3A_112 = arith.addi %add3A_110, %add3A_111 : i32
      %lt3A = arith.constant 78 : i32
      %lt3A_113 = arith.cmpi slt, %add3A_112, %lt3A : i32
      %convert_element_type3A = arith.extui %lt3A_113 : i1 to i32
      %cond3A = arith.constant 0 : i32
      %cond3A_114 = arith.cmpi ne, %convert_element_type3A, %cond3A : i32
      scf.if %cond3A_114 {
        %dma_wait3A_133 = arith.constant 0 : i32
        %dma_wait3A_134 = tpu.memref_slice %arg7[%add3A_110, %dma_wait3A_133] : memref<78x128xi32, #tpu.memory_space<vmem>> -> memref<1x128xi32, #tpu.memory_space<vmem>>
        %dma_wait3A_135 = tpu.memref_squeeze %dma_wait3A_134 : memref<1x128xi32, #tpu.memory_space<vmem>> -> memref<128xi32, #tpu.memory_space<vmem>>
        %dma_wait3A_136 = arith.constant 0 : i32
        %dma_wait3A_137 = arith.constant 0 : i32
        %dma_wait3A_138 = tpu.memref_slice %arg12[%dma_wait3A_136, %dma_wait3A_137] : memref<10240x16xf32, #tpu.memory_space<vmem_shared>> -> memref<10240x16xf32, #tpu.memory_space<vmem_shared>>
        tpu.wait_indirect_dma semaphore(%arg16 : memref<!tpu.dma_semaphore, #tpu.memory_space<semaphore_mem>>) src(%arg9 : memref<128x16xf32, #tpu.memory_space<vmem>>) dst(%dma_wait3A_138 : memref<10240x16xf32, #tpu.memory_space<vmem_shared>>)
        %add3A_139 = arith.constant 3 : i32
        %add3A_140 = arith.addi %add3A_110, %add3A_139 : i32
        %mul3A_141 = arith.constant 128 : i32
        %mul3A_142 = arith.muli %add3A_140, %mul3A_141 : i32
        %dma_start3A_143 = arith.constant 0 : i32
        %dma_start3A_144 = tpu.memref_slice %arg2[%add3A, %mul3A_142, %dma_start3A_143] : memref<32x10000x16xf32, #tpu.memory_space<hbm>> -> memref<1x128x16xf32, #tpu.memory_space<hbm>>
        %dma_start3A_145 = tpu.memref_squeeze %dma_start3A_144 : memref<1x128x16xf32, #tpu.memory_space<hbm>> -> memref<128x16xf32, #tpu.memory_space<hbm>>
        %dma_start3A_146 = arith.constant 0 : i32
        %dma_start3A_147 = tpu.memref_slice %arg2[%add3A, %mul3A_142, %dma_start3A_146] : memref<32x10000x16xf32, #tpu.memory_space<hbm>> -> memref<1x128x16xf32, #tpu.memory_space<hbm>>
        %dma_start3A_148 = tpu.memref_squeeze %dma_start3A_147 : memref<1x128x16xf32, #tpu.memory_space<hbm>> -> memref<128x16xf32, #tpu.memory_space<hbm>>
        tpu.enqueue_dma source(%dma_start3A_148 : memref<128x16xf32, #tpu.memory_space<hbm>>) target(%arg9 : memref<128x16xf32, #tpu.memory_space<vmem>>) target_semaphore(%arg13 : memref<!tpu.dma_semaphore, #tpu.memory_space<semaphore_mem>>)
      } else {
      }
      %add3A_115 = arith.constant 1 : i32
      %add3A_116 = arith.addi %mul3A_60, %add3A_115 : i32
      %add3A_117 = arith.constant 3 : i32
      %add3A_118 = arith.addi %add3A_116, %add3A_117 : i32
      %lt3A_119 = arith.constant 78 : i32
      %lt3A_120 = arith.cmpi slt, %add3A_118, %lt3A_119 : i32
      %convert_element_type3A_121 = arith.extui %lt3A_120 : i1 to i32
      %cond3A_122 = arith.constant 0 : i32
      %cond3A_123 = arith.cmpi ne, %convert_element_type3A_121, %cond3A_122 : i32
      scf.if %cond3A_123 {
        %dma_wait3A_133 = arith.constant 0 : i32
        %dma_wait3A_134 = tpu.memref_slice %arg7[%add3A_116, %dma_wait3A_133] : memref<78x128xi32, #tpu.memory_space<vmem>> -> memref<1x128xi32, #tpu.memory_space<vmem>>
        %dma_wait3A_135 = tpu.memref_squeeze %dma_wait3A_134 : memref<1x128xi32, #tpu.memory_space<vmem>> -> memref<128xi32, #tpu.memory_space<vmem>>
        %dma_wait3A_136 = arith.constant 0 : i32
        %dma_wait3A_137 = arith.constant 0 : i32
        %dma_wait3A_138 = tpu.memref_slice %arg12[%dma_wait3A_136, %dma_wait3A_137] : memref<10240x16xf32, #tpu.memory_space<vmem_shared>> -> memref<10240x16xf32, #tpu.memory_space<vmem_shared>>
        tpu.wait_indirect_dma semaphore(%arg17 : memref<!tpu.dma_semaphore, #tpu.memory_space<semaphore_mem>>) src(%arg10 : memref<128x16xf32, #tpu.memory_space<vmem>>) dst(%dma_wait3A_138 : memref<10240x16xf32, #tpu.memory_space<vmem_shared>>)
        %add3A_139 = arith.constant 3 : i32
        %add3A_140 = arith.addi %add3A_116, %add3A_139 : i32
        %mul3A_141 = arith.constant 128 : i32
        %mul3A_142 = arith.muli %add3A_140, %mul3A_141 : i32
        %dma_start3A_143 = arith.constant 0 : i32
        %dma_start3A_144 = tpu.memref_slice %arg2[%add3A, %mul3A_142, %dma_start3A_143] : memref<32x10000x16xf32, #tpu.memory_space<hbm>> -> memref<1x128x16xf32, #tpu.memory_space<hbm>>
        %dma_start3A_145 = tpu.memref_squeeze %dma_start3A_144 : memref<1x128x16xf32, #tpu.memory_space<hbm>> -> memref<128x16xf32, #tpu.memory_space<hbm>>
        %dma_start3A_146 = arith.constant 0 : i32
        %dma_start3A_147 = tpu.memref_slice %arg2[%add3A, %mul3A_142, %dma_start3A_146] : memref<32x10000x16xf32, #tpu.memory_space<hbm>> -> memref<1x128x16xf32, #tpu.memory_space<hbm>>
        %dma_start3A_148 = tpu.memref_squeeze %dma_start3A_147 : memref<1x128x16xf32, #tpu.memory_space<hbm>> -> memref<128x16xf32, #tpu.memory_space<hbm>>
        tpu.enqueue_dma source(%dma_start3A_148 : memref<128x16xf32, #tpu.memory_space<hbm>>) target(%arg10 : memref<128x16xf32, #tpu.memory_space<vmem>>) target_semaphore(%arg14 : memref<!tpu.dma_semaphore, #tpu.memory_space<semaphore_mem>>)
      } else {
      }
      %add3A_124 = arith.constant 2 : i32
      %add3A_125 = arith.addi %mul3A_60, %add3A_124 : i32
      %add3A_126 = arith.constant 3 : i32
      %add3A_127 = arith.addi %add3A_125, %add3A_126 : i32
      %lt3A_128 = arith.constant 78 : i32
      %lt3A_129 = arith.cmpi slt, %add3A_127, %lt3A_128 : i32
      %convert_element_type3A_130 = arith.extui %lt3A_129 : i1 to i32
      %cond3A_131 = arith.constant 0 : i32
      %cond3A_132 = arith.cmpi ne, %convert_element_type3A_130, %cond3A_131 : i32
      scf.if %cond3A_132 {
        %dma_wait3A_133 = arith.constant 0 : i32
        %dma_wait3A_134 = tpu.memref_slice %arg7[%add3A_125, %dma_wait3A_133] : memref<78x128xi32, #tpu.memory_space<vmem>> -> memref<1x128xi32, #tpu.memory_space<vmem>>
        %dma_wait3A_135 = tpu.memref_squeeze %dma_wait3A_134 : memref<1x128xi32, #tpu.memory_space<vmem>> -> memref<128xi32, #tpu.memory_space<vmem>>
        %dma_wait3A_136 = arith.constant 0 : i32
        %dma_wait3A_137 = arith.constant 0 : i32
        %dma_wait3A_138 = tpu.memref_slice %arg12[%dma_wait3A_136, %dma_wait3A_137] : memref<10240x16xf32, #tpu.memory_space<vmem_shared>> -> memref<10240x16xf32, #tpu.memory_space<vmem_shared>>
        tpu.wait_indirect_dma semaphore(%arg18 : memref<!tpu.dma_semaphore, #tpu.memory_space<semaphore_mem>>) src(%arg11 : memref<128x16xf32, #tpu.memory_space<vmem>>) dst(%dma_wait3A_138 : memref<10240x16xf32, #tpu.memory_space<vmem_shared>>)
        %add3A_139 = arith.constant 3 : i32
        %add3A_140 = arith.addi %add3A_125, %add3A_139 : i32
        %mul3A_141 = arith.constant 128 : i32
        %mul3A_142 = arith.muli %add3A_140, %mul3A_141 : i32
        %dma_start3A_143 = arith.constant 0 : i32
        %dma_start3A_144 = tpu.memref_slice %arg2[%add3A, %mul3A_142, %dma_start3A_143] : memref<32x10000x16xf32, #tpu.memory_space<hbm>> -> memref<1x128x16xf32, #tpu.memory_space<hbm>>
        %dma_start3A_145 = tpu.memref_squeeze %dma_start3A_144 : memref<1x128x16xf32, #tpu.memory_space<hbm>> -> memref<128x16xf32, #tpu.memory_space<hbm>>
        %dma_start3A_146 = arith.constant 0 : i32
        %dma_start3A_147 = tpu.memref_slice %arg2[%add3A, %mul3A_142, %dma_start3A_146] : memref<32x10000x16xf32, #tpu.memory_space<hbm>> -> memref<1x128x16xf32, #tpu.memory_space<hbm>>
        %dma_start3A_148 = tpu.memref_squeeze %dma_start3A_147 : memref<1x128x16xf32, #tpu.memory_space<hbm>> -> memref<128x16xf32, #tpu.memory_space<hbm>>
        tpu.enqueue_dma source(%dma_start3A_148 : memref<128x16xf32, #tpu.memory_space<hbm>>) target(%arg11 : memref<128x16xf32, #tpu.memory_space<vmem>>) target_semaphore(%arg15 : memref<!tpu.dma_semaphore, #tpu.memory_space<semaphore_mem>>)
      } else {
      }
    }
    %scan3A_30 = arith.constant 26 : i32
    %dma_wait3A = arith.constant 75 : i32
    %dma_wait3A_31 = arith.constant 0 : i32
    %dma_wait3A_32 = tpu.memref_slice %arg7[%dma_wait3A, %dma_wait3A_31] : memref<78x128xi32, #tpu.memory_space<vmem>> -> memref<1x128xi32, #tpu.memory_space<vmem>>
    %dma_wait3A_33 = tpu.memref_squeeze %dma_wait3A_32 : memref<1x128xi32, #tpu.memory_space<vmem>> -> memref<128xi32, #tpu.memory_space<vmem>>
    %dma_wait3A_34 = arith.constant 0 : i32
    %dma_wait3A_35 = arith.constant 0 : i32
    %dma_wait3A_36 = tpu.memref_slice %arg12[%dma_wait3A_34, %dma_wait3A_35] : memref<10240x16xf32, #tpu.memory_space<vmem_shared>> -> memref<10240x16xf32, #tpu.memory_space<vmem_shared>>
    tpu.wait_indirect_dma semaphore(%arg16 : memref<!tpu.dma_semaphore, #tpu.memory_space<semaphore_mem>>) src(%arg9 : memref<128x16xf32, #tpu.memory_space<vmem>>) dst(%dma_wait3A_36 : memref<10240x16xf32, #tpu.memory_space<vmem_shared>>)
    %dma_wait3A_37 = arith.constant 76 : i32
    %dma_wait3A_38 = arith.constant 0 : i32
    %dma_wait3A_39 = tpu.memref_slice %arg7[%dma_wait3A_37, %dma_wait3A_38] : memref<78x128xi32, #tpu.memory_space<vmem>> -> memref<1x128xi32, #tpu.memory_space<vmem>>
    %dma_wait3A_40 = tpu.memref_squeeze %dma_wait3A_39 : memref<1x128xi32, #tpu.memory_space<vmem>> -> memref<128xi32, #tpu.memory_space<vmem>>
    %dma_wait3A_41 = arith.constant 0 : i32
    %dma_wait3A_42 = arith.constant 0 : i32
    %dma_wait3A_43 = tpu.memref_slice %arg12[%dma_wait3A_41, %dma_wait3A_42] : memref<10240x16xf32, #tpu.memory_space<vmem_shared>> -> memref<10240x16xf32, #tpu.memory_space<vmem_shared>>
    tpu.wait_indirect_dma semaphore(%arg17 : memref<!tpu.dma_semaphore, #tpu.memory_space<semaphore_mem>>) src(%arg10 : memref<128x16xf32, #tpu.memory_space<vmem>>) dst(%dma_wait3A_43 : memref<10240x16xf32, #tpu.memory_space<vmem_shared>>)
    %dma_wait3A_44 = arith.constant 77 : i32
    %dma_wait3A_45 = arith.constant 0 : i32
    %dma_wait3A_46 = tpu.memref_slice %arg7[%dma_wait3A_44, %dma_wait3A_45] : memref<78x128xi32, #tpu.memory_space<vmem>> -> memref<1x128xi32, #tpu.memory_space<vmem>>
    %dma_wait3A_47 = tpu.memref_squeeze %dma_wait3A_46 : memref<1x128xi32, #tpu.memory_space<vmem>> -> memref<128xi32, #tpu.memory_space<vmem>>
    %dma_wait3A_48 = arith.constant 0 : i32
    %dma_wait3A_49 = arith.constant 0 : i32
    %dma_wait3A_50 = tpu.memref_slice %arg12[%dma_wait3A_48, %dma_wait3A_49] : memref<10240x16xf32, #tpu.memory_space<vmem_shared>> -> memref<10240x16xf32, #tpu.memory_space<vmem_shared>>
    tpu.wait_indirect_dma semaphore(%arg18 : memref<!tpu.dma_semaphore, #tpu.memory_space<semaphore_mem>>) src(%arg11 : memref<128x16xf32, #tpu.memory_space<vmem>>) dst(%dma_wait3A_50 : memref<10240x16xf32, #tpu.memory_space<vmem_shared>>)
    "tpu.region"() ({
      %run_scoped3A = tpu.sem_alloc : memref<!tpu.dma_semaphore, #tpu.memory_space<semaphore_mem>>
      %dma_start3A_58 = arith.constant 0 : i32
      %dma_start3A_59 = arith.constant 0 : i32
      %dma_start3A_60 = tpu.memref_slice %arg9[%dma_start3A_58, %dma_start3A_59] : memref<128x16xf32, #tpu.memory_space<vmem>> -> memref<16x16xf32, #tpu.memory_space<vmem>>
      %dma_start3A_61 = arith.constant 9984 : i32
      %dma_start3A_62 = arith.constant 0 : i32
      %dma_start3A_63 = tpu.memref_slice %arg2[%add3A, %dma_start3A_61, %dma_start3A_62] : memref<32x10000x16xf32, #tpu.memory_space<hbm>> -> memref<1x16x16xf32, #tpu.memory_space<hbm>>
      %dma_start3A_64 = tpu.memref_squeeze %dma_start3A_63 : memref<1x16x16xf32, #tpu.memory_space<hbm>> -> memref<16x16xf32, #tpu.memory_space<hbm>>
      %dma_start3A_65 = arith.constant 0 : i32
      %dma_start3A_66 = arith.constant 0 : i32
      %dma_start3A_67 = tpu.memref_slice %arg9[%dma_start3A_65, %dma_start3A_66] : memref<128x16xf32, #tpu.memory_space<vmem>> -> memref<16x16xf32, #tpu.memory_space<vmem>>
      %dma_start3A_68 = arith.constant 9984 : i32
      %dma_start3A_69 = arith.constant 0 : i32
      %dma_start3A_70 = tpu.memref_slice %arg2[%add3A, %dma_start3A_68, %dma_start3A_69] : memref<32x10000x16xf32, #tpu.memory_space<hbm>> -> memref<1x16x16xf32, #tpu.memory_space<hbm>>
      %dma_start3A_71 = tpu.memref_squeeze %dma_start3A_70 : memref<1x16x16xf32, #tpu.memory_space<hbm>> -> memref<16x16xf32, #tpu.memory_space<hbm>>
      tpu.enqueue_dma source(%dma_start3A_71 : memref<16x16xf32, #tpu.memory_space<hbm>>) target(%dma_start3A_67 : memref<16x16xf32, #tpu.memory_space<vmem>>) target_semaphore(%run_scoped3A : memref<!tpu.dma_semaphore, #tpu.memory_space<semaphore_mem>>)
      %dma_wait3A_72 = arith.constant 0 : i32
      %dma_wait3A_73 = arith.constant 0 : i32
      %dma_wait3A_74 = tpu.memref_slice %arg9[%dma_wait3A_72, %dma_wait3A_73] : memref<128x16xf32, #tpu.memory_space<vmem>> -> memref<16x16xf32, #tpu.memory_space<vmem>>
      %dma_wait3A_75 = arith.constant 9984 : i32
      %dma_wait3A_76 = arith.constant 0 : i32
      %dma_wait3A_77 = tpu.memref_slice %arg2[%add3A, %dma_wait3A_75, %dma_wait3A_76] : memref<32x10000x16xf32, #tpu.memory_space<hbm>> -> memref<1x16x16xf32, #tpu.memory_space<hbm>>
      %dma_wait3A_78 = tpu.memref_squeeze %dma_wait3A_77 : memref<1x16x16xf32, #tpu.memory_space<hbm>> -> memref<16x16xf32, #tpu.memory_space<hbm>>
      %dma_wait3A_79 = arith.constant 0 : i32
      %dma_wait3A_80 = arith.constant 0 : i32
      %dma_wait3A_81 = tpu.memref_slice %arg9[%dma_wait3A_79, %dma_wait3A_80] : memref<128x16xf32, #tpu.memory_space<vmem>> -> memref<16x16xf32, #tpu.memory_space<vmem>>
      %dma_wait3A_82 = arith.constant 9984 : i32
      %dma_wait3A_83 = arith.constant 0 : i32
      %dma_wait3A_84 = tpu.memref_slice %arg2[%add3A, %dma_wait3A_82, %dma_wait3A_83] : memref<32x10000x16xf32, #tpu.memory_space<hbm>> -> memref<1x16x16xf32, #tpu.memory_space<hbm>>
      %dma_wait3A_85 = tpu.memref_squeeze %dma_wait3A_84 : memref<1x16x16xf32, #tpu.memory_space<hbm>> -> memref<16x16xf32, #tpu.memory_space<hbm>>
      tpu.wait_dma2 semaphore(%run_scoped3A : memref<!tpu.dma_semaphore, #tpu.memory_space<semaphore_mem>>) src(%dma_wait3A_85 : memref<16x16xf32, #tpu.memory_space<hbm>>) dst(%dma_wait3A_81 : memref<16x16xf32, #tpu.memory_space<vmem>>)
      tpu.yield
    }) : () -> ()
    %get3A = arith.constant 0 : index
    %get3A_51 = tpu.vector_load %arg8[%get3A] {strides = array<i32>} : memref<16xi32, #tpu.memory_space<vmem>>, vector<16xi32>,
    %get3A_52 = vector.shape_cast %get3A_51 : vector<16xi32> to vector<16xi32>
    "tpu.region"() ({
      %run_scoped3A = tpu.sem_alloc : memref<!tpu.dma_semaphore, #tpu.memory_space<semaphore_mem>>
      %dma_start3A_58 = arith.constant 0 : i32
      %dma_start3A_59 = arith.constant 0 : i32
      %dma_start3A_60 = tpu.memref_slice %arg9[%dma_start3A_58, %dma_start3A_59] : memref<128x16xf32, #tpu.memory_space<vmem>> -> memref<16x16xf32, #tpu.memory_space<vmem>>
      %dma_start3A_61 = arith.constant 0 : i32
      %dma_start3A_62 = arith.constant 0 : i32
      %dma_start3A_63 = tpu.memref_slice %arg12[%dma_start3A_61, %dma_start3A_62] : memref<10240x16xf32, #tpu.memory_space<vmem_shared>> -> memref<10240x16xf32, #tpu.memory_space<vmem_shared>>
      tpu.enqueue_indirect_dma source(%dma_start3A_60 : memref<16x16xf32, #tpu.memory_space<vmem>>) target(%dma_start3A_63 : memref<10240x16xf32, #tpu.memory_space<vmem_shared>>) offsets(%get3A_52 : vector<16xi32>) semaphore(%run_scoped3A : memref<!tpu.dma_semaphore, #tpu.memory_space<semaphore_mem>>) {add = true}
      %dma_wait3A_64 = arith.constant 0 : i32
      %dma_wait3A_65 = arith.constant 0 : i32
      %dma_wait3A_66 = tpu.memref_slice %arg9[%dma_wait3A_64, %dma_wait3A_65] : memref<128x16xf32, #tpu.memory_space<vmem>> -> memref<16x16xf32, #tpu.memory_space<vmem>>
      %dma_wait3A_67 = arith.constant 0 : i32
      %dma_wait3A_68 = arith.constant 0 : i32
      %dma_wait3A_69 = tpu.memref_slice %arg12[%dma_wait3A_67, %dma_wait3A_68] : memref<10240x16xf32, #tpu.memory_space<vmem_shared>> -> memref<10240x16xf32, #tpu.memory_space<vmem_shared>>
      tpu.wait_indirect_dma semaphore(%run_scoped3A : memref<!tpu.dma_semaphore, #tpu.memory_space<semaphore_mem>>) src(%dma_wait3A_66 : memref<16x16xf32, #tpu.memory_space<vmem>>) dst(%dma_wait3A_69 : memref<10240x16xf32, #tpu.memory_space<vmem_shared>>)
      tpu.yield
    }) : () -> ()
    %barrier3A_53 = arith.constant 0 : index
    tpu.barrier barrier_id(%barrier3A_53)
    %mul3A_54 = arith.constant 640 : i32
    %mul3A_55 = arith.muli %arg1, %mul3A_54 : i32
    %mul3A_56 = arith.constant 640 : i32
    %mul3A_57 = arith.muli %arg1, %mul3A_56 : i32
    "tpu.region"() ({
      %run_scoped3A = tpu.sem_alloc : memref<!tpu.dma_semaphore, #tpu.memory_space<semaphore_mem>>
      %dma_start3A_58 = arith.constant 0 : i32
      %dma_start3A_59 = tpu.memref_slice %arg6[%arg0, %mul3A_57, %dma_start3A_58] : memref<2x10240x16xf32, #tpu.memory_space<hbm>> -> memref<1x640x16xf32, #tpu.memory_space<hbm>>
      %dma_start3A_60 = tpu.memref_squeeze %dma_start3A_59 : memref<1x640x16xf32, #tpu.memory_space<hbm>> -> memref<640x16xf32, #tpu.memory_space<hbm>>
      %dma_start3A_61 = arith.constant 0 : i32
      %dma_start3A_62 = tpu.memref_slice %arg12[%mul3A_55, %dma_start3A_61] : memref<10240x16xf32, #tpu.memory_space<vmem_shared>> -> memref<640x16xf32, #tpu.memory_space<vmem_shared>>
      tpu.enqueue_dma source(%dma_start3A_62 : memref<640x16xf32, #tpu.memory_space<vmem_shared>>) target(%dma_start3A_60 : memref<640x16xf32, #tpu.memory_space<hbm>>) target_semaphore(%run_scoped3A : memref<!tpu.dma_semaphore, #tpu.memory_space<semaphore_mem>>)
      %dma_wait3A_63 = arith.constant 0 : i32
      %dma_wait3A_64 = tpu.memref_slice %arg6[%arg0, %mul3A_57, %dma_wait3A_63] : memref<2x10240x16xf32, #tpu.memory_space<hbm>> -> memref<1x640x16xf32, #tpu.memory_space<hbm>>
      %dma_wait3A_65 = tpu.memref_squeeze %dma_wait3A_64 : memref<1x640x16xf32, #tpu.memory_space<hbm>> -> memref<640x16xf32, #tpu.memory_space<hbm>>
      %dma_wait3A_66 = arith.constant 0 : i32
      %dma_wait3A_67 = tpu.memref_slice %arg12[%mul3A_55, %dma_wait3A_66] : memref<10240x16xf32, #tpu.memory_space<vmem_shared>> -> memref<640x16xf32, #tpu.memory_space<vmem_shared>>
      tpu.wait_dma2 semaphore(%run_scoped3A : memref<!tpu.dma_semaphore, #tpu.memory_space<semaphore_mem>>) src(%dma_wait3A_67 : memref<640x16xf32, #tpu.memory_space<vmem_shared>>) dst(%dma_wait3A_65 : memref<640x16xf32, #tpu.memory_space<hbm>>)
      tpu.yield
    }) : () -> ()
    return
  }
}

module attributes {stable_mosaic.version = 14 : i64} {
  func.func @_tc_round_body(%arg0: i32, %arg1: memref<1000x128xf32, #tpu.memory_space<vmem>>, %arg2: memref<2x1000x64xf32, #tpu.memory_space<vmem>>, %arg3: memref<2x1000x16xf32, #tpu.memory_space<vmem>>, %arg4: memref<128x256xbf16, #tpu.memory_space<vmem>>, %arg5: memref<128x256xf32, #tpu.memory_space<vmem>>, %arg6: memref<1x256xf32, #tpu.memory_space<vmem>>, %arg7: memref<1x256xf32, #tpu.memory_space<vmem>>, %arg8: memref<256x384xbf16, #tpu.memory_space<vmem>>, %arg9: memref<128x384xbf16, #tpu.memory_space<vmem>>, %arg10: memref<1x384xf32, #tpu.memory_space<vmem>>, %arg11: memref<1x384xf32, #tpu.memory_space<vmem>>, %arg12: memref<1000x128xf32, #tpu.memory_space<vmem>>, %arg13: memref<2x1000x64xf32, #tpu.memory_space<vmem>>) attributes {dimension_semantics = [#tpu.dimension_semantics<arbitrary>], iteration_bounds = array<i64: 10>, scalar_prefetch = 0 : i64, scratch_operands = 0 : i64, tpu.core_type = #tpu.core_type<tc>, window_params = [{transform_indices = @transform_0, window_bounds = array<i64: 1000, 128>}, {transform_indices = @transform_1, window_bounds = array<i64: 2, 1000, 64>}, {transform_indices = @transform_2, window_bounds = array<i64: 2, 1000, 16>}, {pipeline_mode = #tpu.pipeline_mode<synchronous>, transform_indices = @transform_3, window_bounds = array<i64: 128, 256>}, {pipeline_mode = #tpu.pipeline_mode<synchronous>, transform_indices = @transform_4, window_bounds = array<i64: 128, 256>}, {pipeline_mode = #tpu.pipeline_mode<synchronous>, transform_indices = @transform_5, window_bounds = array<i64: 1, 256>}, {pipeline_mode = #tpu.pipeline_mode<synchronous>, transform_indices = @transform_6, window_bounds = array<i64: 1, 256>}, {pipeline_mode = #tpu.pipeline_mode<synchronous>, transform_indices = @transform_7, window_bounds = array<i64: 256, 384>}, {pipeline_mode = #tpu.pipeline_mode<synchronous>, transform_indices = @transform_8, window_bounds = array<i64: 128, 384>}, {pipeline_mode = #tpu.pipeline_mode<synchronous>, transform_indices = @transform_9, window_bounds = array<i64: 1, 384>}, {pipeline_mode = #tpu.pipeline_mode<synchronous>, transform_indices = @transform_10, window_bounds = array<i64: 1, 384>}, {transform_indices = @transform_11, window_bounds = array<i64: 1000, 128>}, {transform_indices = @transform_12, window_bounds = array<i64: 2, 1000, 64>}]} {
    %get3A = arith.constant 0 : index
    %get3A_0 = arith.constant 0 : index
    %get3A_1 = vector.load %arg1[%get3A, %get3A_0] : memref<1000x128xf32, #tpu.memory_space<vmem>>, vector<1000x128xf32>
    %get3A_2 = arith.constant 0 : index
    %get3A_3 = arith.constant 0 : index
    %get3A_4 = arith.constant 0 : index
    %get3A_5 = vector.load %arg3[%get3A_2, %get3A_3, %get3A_4] : memref<2x1000x16xf32, #tpu.memory_space<vmem>>, vector<1x1000x16xf32>
    %get3A_6 = vector.shape_cast %get3A_5 : vector<1x1000x16xf32> to vector<1000x16xf32>
    %get3A_7 = arith.constant 1 : index
    %get3A_8 = arith.constant 0 : index
    %get3A_9 = arith.constant 0 : index
    %get3A_10 = vector.load %arg3[%get3A_7, %get3A_8, %get3A_9] : memref<2x1000x16xf32, #tpu.memory_space<vmem>>, vector<1x1000x16xf32>
    %get3A_11 = vector.shape_cast %get3A_10 : vector<1x1000x16xf32> to vector<1000x16xf32>
    %add3A = arith.addf %get3A_6, %get3A_11 : vector<1000x16xf32>
    %slice3A = vector.extract_strided_slice %add3A {offsets = [0, 0], sizes = [1000, 1], strides = [1, 1]} : vector<1000x16xf32> to vector<1000x1xf32>
    %slice3A_12 = vector.extract_strided_slice %add3A {offsets = [0, 1], sizes = [1000, 1], strides = [1, 1]} : vector<1000x16xf32> to vector<1000x1xf32>
    %convert_element_type3A = arith.truncf %get3A_1 : vector<1000x128xf32> to vector<1000x128xbf16>
    %get3A_13 = arith.constant 0 : index
    %get3A_14 = arith.constant 0 : index
    %get3A_15 = vector.load %arg4[%get3A_13, %get3A_14] : memref<128x256xbf16, #tpu.memory_space<vmem>>, vector<128x256xbf16>
    %dot_general3A = arith.constant dense<0.000000e+00> : vector<1000x256xf32>
    %dot_general3A_16 = tpu.matmul %convert_element_type3A, %get3A_15, %dot_general3A {dimension_numbers = #tpu.dot_dimension_numbers<[1], [0], [0], [1], [0, 0, 1, 1], [], []>, transpose_lhs_hint = false} : vector<1000x128xbf16>, vector<128x256xbf16>, vector<1000x256xf32> -> vector<1000x256xf32>
    %get3A_17 = arith.constant 0 : index
    %get3A_18 = arith.constant 0 : index
    %get3A_19 = vector.load %arg7[%get3A_17, %get3A_18] : memref<1x256xf32, #tpu.memory_space<vmem>>, vector<1x256xf32>
    %add3A_20 = vector.broadcast %get3A_19 : vector<1x256xf32> to vector<1000x256xf32>
    %add3A_21 = arith.addf %dot_general3A_16, %add3A_20 : vector<1000x256xf32>
    %mul3A = vector.broadcast %slice3A_12 : vector<1000x1xf32> to vector<1000x256xf32>
    %mul3A_22 = arith.mulf %mul3A, %add3A_21 : vector<1000x256xf32>
    %get3A_23 = arith.constant 0 : index
    %get3A_24 = arith.constant 0 : index
    %get3A_25 = arith.constant 0 : index
    %get3A_26 = vector.load %arg2[%get3A_23, %get3A_24, %get3A_25] : memref<2x1000x64xf32, #tpu.memory_space<vmem>>, vector<1x1000x64xf32>
    %get3A_27 = vector.shape_cast %get3A_26 : vector<1x1000x64xf32> to vector<1000x64xf32>
    %get3A_28 = arith.constant 0 : index
    %get3A_29 = arith.constant 0 : index
    %get3A_30 = vector.load %arg5[%get3A_28, %get3A_29] : memref<128x256xf32, #tpu.memory_space<vmem>>, vector<64x256xf32>
    %dot_general3A_31 = arith.constant dense<0.000000e+00> : vector<1000x256xf32>
    %dot_general3A_32 = tpu.matmul %get3A_27, %get3A_30, %dot_general3A_31 {dimension_numbers = #tpu.dot_dimension_numbers<[1], [0], [0], [1], [0, 0, 1, 1], [], []>, precision = #tpu.contract_precision<fp32>, transpose_lhs_hint = false} : vector<1000x64xf32>, vector<64x256xf32>, vector<1000x256xf32> -> vector<1000x256xf32>
    %add3A_33 = arith.addf %mul3A_22, %dot_general3A_32 : vector<1000x256xf32>
    %get3A_34 = arith.constant 1 : index
    %get3A_35 = arith.constant 0 : index
    %get3A_36 = arith.constant 0 : index
    %get3A_37 = vector.load %arg2[%get3A_34, %get3A_35, %get3A_36] : memref<2x1000x64xf32, #tpu.memory_space<vmem>>, vector<1x1000x64xf32>
    %get3A_38 = vector.shape_cast %get3A_37 : vector<1x1000x64xf32> to vector<1000x64xf32>
    %get3A_39 = arith.constant 64 : index
    %get3A_40 = arith.constant 0 : index
    %get3A_41 = vector.load %arg5[%get3A_39, %get3A_40] : memref<128x256xf32, #tpu.memory_space<vmem>>, vector<64x256xf32>
    %dot_general3A_42 = arith.constant dense<0.000000e+00> : vector<1000x256xf32>
    %dot_general3A_43 = tpu.matmul %get3A_38, %get3A_41, %dot_general3A_42 {dimension_numbers = #tpu.dot_dimension_numbers<[1], [0], [0], [1], [0, 0, 1, 1], [], []>, precision = #tpu.contract_precision<fp32>, transpose_lhs_hint = false} : vector<1000x64xf32>, vector<64x256xf32>, vector<1000x256xf32> -> vector<1000x256xf32>
    %add3A_44 = arith.addf %add3A_33, %dot_general3A_43 : vector<1000x256xf32>
    %get3A_45 = arith.constant 0 : index
    %get3A_46 = arith.constant 0 : index
    %get3A_47 = vector.load %arg6[%get3A_45, %get3A_46] : memref<1x256xf32, #tpu.memory_space<vmem>>, vector<1x256xf32>
    %mul3A_48 = vector.broadcast %slice3A : vector<1000x1xf32> to vector<1000x256xf32>
    %mul3A_49 = vector.broadcast %get3A_47 : vector<1x256xf32> to vector<1000x256xf32>
    %mul3A_50 = arith.mulf %mul3A_48, %mul3A_49 : vector<1000x256xf32>
    %add3A_51 = arith.addf %add3A_44, %mul3A_50 : vector<1000x256xf32>
    %convert_element_type3A_52 = arith.truncf %add3A_51 : vector<1000x256xf32> to vector<1000x256xbf16>
    %get3A_53 = arith.constant 0 : index
    %get3A_54 = arith.constant 0 : index
    %get3A_55 = vector.load %arg8[%get3A_53, %get3A_54] : memref<256x384xbf16, #tpu.memory_space<vmem>>, vector<256x384xbf16>
    %dot_general3A_56 = arith.constant dense<0.000000e+00> : vector<1000x384xf32>
    %dot_general3A_57 = tpu.matmul %convert_element_type3A_52, %get3A_55, %dot_general3A_56 {dimension_numbers = #tpu.dot_dimension_numbers<[1], [0], [0], [1], [0, 0, 1, 1], [], []>, transpose_lhs_hint = false} : vector<1000x256xbf16>, vector<256x384xbf16>, vector<1000x384xf32> -> vector<1000x384xf32>
    %get3A_58 = arith.constant 0 : index
    %get3A_59 = arith.constant 0 : index
    %get3A_60 = vector.load %arg10[%get3A_58, %get3A_59] : memref<1x384xf32, #tpu.memory_space<vmem>>, vector<1x384xf32>
    %add3A_61 = vector.broadcast %get3A_60 : vector<1x384xf32> to vector<1000x384xf32>
    %add3A_62 = arith.addf %dot_general3A_57, %add3A_61 : vector<1000x384xf32>
    %get3A_63 = arith.constant 0 : index
    %get3A_64 = arith.constant 0 : index
    %get3A_65 = vector.load %arg9[%get3A_63, %get3A_64] : memref<128x384xbf16, #tpu.memory_space<vmem>>, vector<128x384xbf16>
    %dot_general3A_66 = arith.constant dense<0.000000e+00> : vector<1000x384xf32>
    %dot_general3A_67 = tpu.matmul %convert_element_type3A, %get3A_65, %dot_general3A_66 {dimension_numbers = #tpu.dot_dimension_numbers<[1], [0], [0], [1], [0, 0, 1, 1], [], []>, transpose_lhs_hint = false} : vector<1000x128xbf16>, vector<128x384xbf16>, vector<1000x384xf32> -> vector<1000x384xf32>
    %get3A_68 = arith.constant 0 : index
    %get3A_69 = arith.constant 0 : index
    %get3A_70 = vector.load %arg11[%get3A_68, %get3A_69] : memref<1x384xf32, #tpu.memory_space<vmem>>, vector<1x384xf32>
    %add3A_71 = vector.broadcast %get3A_70 : vector<1x384xf32> to vector<1000x384xf32>
    %add3A_72 = arith.addf %dot_general3A_67, %add3A_71 : vector<1000x384xf32>
    %slice3A_73 = vector.extract_strided_slice %add3A_62 {offsets = [0, 0], sizes = [1000, 128], strides = [1, 1]} : vector<1000x384xf32> to vector<1000x128xf32>
    %slice3A_74 = vector.extract_strided_slice %add3A_72 {offsets = [0, 0], sizes = [1000, 128], strides = [1, 1]} : vector<1000x384xf32> to vector<1000x128xf32>
    %add3A_75 = arith.addf %slice3A_73, %slice3A_74 : vector<1000x128xf32>
    %logistic3A = arith.negf %add3A_75 : vector<1000x128xf32>
    %logistic3A_76 = math.exp %logistic3A : vector<1000x128xf32>
    %logistic3A_77 = arith.constant 1.000000e+00 : f32
    %logistic3A_78 = vector.broadcast %logistic3A_77 : f32 to vector<1000x128xf32>
    %logistic3A_79 = arith.addf %logistic3A_78, %logistic3A_76 : vector<1000x128xf32>
    %logistic3A_80 = arith.divf %logistic3A_78, %logistic3A_79 : vector<1000x128xf32>
    %slice3A_81 = vector.extract_strided_slice %add3A_62 {offsets = [0, 128], sizes = [1000, 128], strides = [1, 1]} : vector<1000x384xf32> to vector<1000x128xf32>
    %slice3A_82 = vector.extract_strided_slice %add3A_72 {offsets = [0, 128], sizes = [1000, 128], strides = [1, 1]} : vector<1000x384xf32> to vector<1000x128xf32>
    %add3A_83 = arith.addf %slice3A_81, %slice3A_82 : vector<1000x128xf32>
    %logistic3A_84 = arith.negf %add3A_83 : vector<1000x128xf32>
    %logistic3A_85 = math.exp %logistic3A_84 : vector<1000x128xf32>
    %logistic3A_86 = arith.constant 1.000000e+00 : f32
    %logistic3A_87 = vector.broadcast %logistic3A_86 : f32 to vector<1000x128xf32>
    %logistic3A_88 = arith.addf %logistic3A_87, %logistic3A_85 : vector<1000x128xf32>
    %logistic3A_89 = arith.divf %logistic3A_87, %logistic3A_88 : vector<1000x128xf32>
    %slice3A_90 = vector.extract_strided_slice %add3A_62 {offsets = [0, 256], sizes = [1000, 128], strides = [1, 1]} : vector<1000x384xf32> to vector<1000x128xf32>
    %slice3A_91 = vector.extract_strided_slice %add3A_72 {offsets = [0, 256], sizes = [1000, 128], strides = [1, 1]} : vector<1000x384xf32> to vector<1000x128xf32>
    %mul3A_92 = arith.mulf %logistic3A_80, %slice3A_91 : vector<1000x128xf32>
    %add3A_93 = arith.addf %slice3A_90, %mul3A_92 : vector<1000x128xf32>
    %tanh3A = math.tanh %add3A_93 : vector<1000x128xf32>
    %sub3A = arith.constant 1.000000e+00 : f32
    %sub3A_94 = vector.broadcast %sub3A : f32 to vector<1000x128xf32>
    %sub3A_95 = arith.subf %sub3A_94, %logistic3A_89 : vector<1000x128xf32>
    %mul3A_96 = arith.mulf %sub3A_95, %tanh3A : vector<1000x128xf32>
    %mul3A_97 = arith.mulf %logistic3A_89, %get3A_1 : vector<1000x128xf32>
    %add3A_98 = arith.addf %mul3A_96, %mul3A_97 : vector<1000x128xf32>
    %swap3A = arith.constant 0 : index
    %swap3A_99 = arith.constant 0 : index
    %swap3A_100 = vector.load %arg12[%swap3A, %swap3A_99] : memref<1000x128xf32, #tpu.memory_space<vmem>>, vector<1000x128xf32>
    tpu.vector_store %arg12[%swap3A, %swap3A_99], %add3A_98 {strides = array<i32>} : memref<1000x128xf32, #tpu.memory_space<vmem>>, vector<1000x128xf32>,
    %convert_element_type3A_101 = arith.truncf %add3A_98 : vector<1000x128xf32> to vector<1000x128xbf16>
    %convert_element_type3A_102 = arith.extf %convert_element_type3A_101 : vector<1000x128xbf16> to vector<1000x128xf32>
    %slice3A_103 = vector.extract_strided_slice %convert_element_type3A_102 {offsets = [0, 0], sizes = [1000, 64], strides = [1, 1]} : vector<1000x128xf32> to vector<1000x64xf32>
    %swap3A_104 = arith.constant 0 : index
    %swap3A_105 = arith.constant 0 : index
    %swap3A_106 = arith.constant 0 : index
    %swap3A_107 = vector.load %arg13[%swap3A_104, %swap3A_105, %swap3A_106] : memref<2x1000x64xf32, #tpu.memory_space<vmem>>, vector<1x1000x64xf32>
    %swap3A_108 = vector.shape_cast %swap3A_107 : vector<1x1000x64xf32> to vector<1000x64xf32>
    %swap3A_109 = vector.shape_cast %slice3A_103 : vector<1000x64xf32> to vector<1x1000x64xf32>
    tpu.vector_store %arg13[%swap3A_104, %swap3A_105, %swap3A_106], %swap3A_109 {strides = array<i32>} : memref<2x1000x64xf32, #tpu.memory_space<vmem>>, vector<1x1000x64xf32>,
    %slice3A_110 = vector.extract_strided_slice %convert_element_type3A_102 {offsets = [0, 64], sizes = [1000, 64], strides = [1, 1]} : vector<1000x128xf32> to vector<1000x64xf32>
    %swap3A_111 = arith.constant 1 : index
    %swap3A_112 = arith.constant 0 : index
    %swap3A_113 = arith.constant 0 : index
    %swap3A_114 = vector.load %arg13[%swap3A_111, %swap3A_112, %swap3A_113] : memref<2x1000x64xf32, #tpu.memory_space<vmem>>, vector<1x1000x64xf32>
    %swap3A_115 = vector.shape_cast %swap3A_114 : vector<1x1000x64xf32> to vector<1000x64xf32>
    %swap3A_116 = vector.shape_cast %slice3A_110 : vector<1000x64xf32> to vector<1x1000x64xf32>
    tpu.vector_store %arg13[%swap3A_111, %swap3A_112, %swap3A_113], %swap3A_116 {strides = array<i32>} : memref<2x1000x64xf32, #tpu.memory_space<vmem>>, vector<1x1000x64xf32>,
    return
  }
  func.func @transform_0(%arg0: i32) -> (i32, i32) {
    %c0_i32 = arith.constant 0 : i32
    %c0_i32_0 = arith.constant 0 : i32
    return %arg0, %c0_i32 : i32, i32
  }
  func.func @transform_1(%arg0: i32) -> (i32, i32, i32) {
    %c0_i32 = arith.constant 0 : i32
    %c0_i32_0 = arith.constant 0 : i32
    %c0_i32_1 = arith.constant 0 : i32
    return %c0_i32, %arg0, %c0_i32_0 : i32, i32, i32
  }
  func.func @transform_2(%arg0: i32) -> (i32, i32, i32) {
    %c0_i32 = arith.constant 0 : i32
    %c0_i32_0 = arith.constant 0 : i32
    %c0_i32_1 = arith.constant 0 : i32
    return %c0_i32, %arg0, %c0_i32_0 : i32, i32, i32
  }
  func.func @transform_3(%arg0: i32) -> (i32, i32) {
    %c0_i32 = arith.constant 0 : i32
    %c0_i32_0 = arith.constant 0 : i32
    %c0_i32_1 = arith.constant 0 : i32
    return %c0_i32, %c0_i32_0 : i32, i32
  }
  func.func @transform_4(%arg0: i32) -> (i32, i32) {
    %c0_i32 = arith.constant 0 : i32
    %c0_i32_0 = arith.constant 0 : i32
    %c0_i32_1 = arith.constant 0 : i32
    return %c0_i32, %c0_i32_0 : i32, i32
  }
  func.func @transform_5(%arg0: i32) -> (i32, i32) {
    %c0_i32 = arith.constant 0 : i32
    %c0_i32_0 = arith.constant 0 : i32
    %c0_i32_1 = arith.constant 0 : i32
    return %c0_i32, %c0_i32_0 : i32, i32
  }
  func.func @transform_6(%arg0: i32) -> (i32, i32) {
    %c0_i32 = arith.constant 0 : i32
    %c0_i32_0 = arith.constant 0 : i32
    %c0_i32_1 = arith.constant 0 : i32
    return %c0_i32, %c0_i32_0 : i32, i32
  }
  func.func @transform_7(%arg0: i32) -> (i32, i32) {
    %c0_i32 = arith.constant 0 : i32
    %c0_i32_0 = arith.constant 0 : i32
    %c0_i32_1 = arith.constant 0 : i32
    return %c0_i32, %c0_i32_0 : i32, i32
  }
  func.func @transform_8(%arg0: i32) -> (i32, i32) {
    %c0_i32 = arith.constant 0 : i32
    %c0_i32_0 = arith.constant 0 : i32
    %c0_i32_1 = arith.constant 0 : i32
    return %c0_i32, %c0_i32_0 : i32, i32
  }
  func.func @transform_9(%arg0: i32) -> (i32, i32) {
    %c0_i32 = arith.constant 0 : i32
    %c0_i32_0 = arith.constant 0 : i32
    %c0_i32_1 = arith.constant 0 : i32
    return %c0_i32, %c0_i32_0 : i32, i32
  }
  func.func @transform_10(%arg0: i32) -> (i32, i32) {
    %c0_i32 = arith.constant 0 : i32
    %c0_i32_0 = arith.constant 0 : i32
    %c0_i32_1 = arith.constant 0 : i32
    return %c0_i32, %c0_i32_0 : i32, i32
  }
  func.func @transform_11(%arg0: i32) -> (i32, i32) {
    %c0_i32 = arith.constant 0 : i32
    %c0_i32_0 = arith.constant 0 : i32
    return %arg0, %c0_i32 : i32, i32
  }
  func.func @transform_12(%arg0: i32) -> (i32, i32, i32) {
    %c0_i32 = arith.constant 0 : i32
    %c0_i32_0 = arith.constant 0 : i32
    %c0_i32_1 = arith.constant 0 : i32
    return %c0_i32, %arg0, %c0_i32_0 : i32, i32, i32
  }
}

module attributes {stable_mosaic.version = 14 : i64} {
  func.func @_tc_round_body(%arg0: i32, %arg1: memref<1000x128xf32, #tpu.memory_space<vmem>>, %arg2: memref<2x1000x64xf32, #tpu.memory_space<vmem>>, %arg3: memref<2x1000x16xf32, #tpu.memory_space<vmem>>, %arg4: memref<128x256xbf16, #tpu.memory_space<vmem>>, %arg5: memref<128x256xf32, #tpu.memory_space<vmem>>, %arg6: memref<1x256xf32, #tpu.memory_space<vmem>>, %arg7: memref<1x256xf32, #tpu.memory_space<vmem>>, %arg8: memref<256x384xbf16, #tpu.memory_space<vmem>>, %arg9: memref<128x384xbf16, #tpu.memory_space<vmem>>, %arg10: memref<1x384xf32, #tpu.memory_space<vmem>>, %arg11: memref<1x384xf32, #tpu.memory_space<vmem>>, %arg12: memref<1000x128xf32, #tpu.memory_space<vmem>>, %arg13: memref<2x1000x64xf32, #tpu.memory_space<vmem>>) attributes {dimension_semantics = [#tpu.dimension_semantics<arbitrary>], iteration_bounds = array<i64: 10>, scalar_prefetch = 0 : i64, scratch_operands = 0 : i64, tpu.core_type = #tpu.core_type<tc>, window_params = [{transform_indices = @transform_0, window_bounds = array<i64: 1000, 128>}, {transform_indices = @transform_1, window_bounds = array<i64: 2, 1000, 64>}, {transform_indices = @transform_2, window_bounds = array<i64: 2, 1000, 16>}, {pipeline_mode = #tpu.pipeline_mode<synchronous>, transform_indices = @transform_3, window_bounds = array<i64: 128, 256>}, {pipeline_mode = #tpu.pipeline_mode<synchronous>, transform_indices = @transform_4, window_bounds = array<i64: 128, 256>}, {pipeline_mode = #tpu.pipeline_mode<synchronous>, transform_indices = @transform_5, window_bounds = array<i64: 1, 256>}, {pipeline_mode = #tpu.pipeline_mode<synchronous>, transform_indices = @transform_6, window_bounds = array<i64: 1, 256>}, {pipeline_mode = #tpu.pipeline_mode<synchronous>, transform_indices = @transform_7, window_bounds = array<i64: 256, 384>}, {pipeline_mode = #tpu.pipeline_mode<synchronous>, transform_indices = @transform_8, window_bounds = array<i64: 128, 384>}, {pipeline_mode = #tpu.pipeline_mode<synchronous>, transform_indices = @transform_9, window_bounds = array<i64: 1, 384>}, {pipeline_mode = #tpu.pipeline_mode<synchronous>, transform_indices = @transform_10, window_bounds = array<i64: 1, 384>}, {transform_indices = @transform_11, window_bounds = array<i64: 1000, 128>}, {transform_indices = @transform_12, window_bounds = array<i64: 2, 1000, 64>}]} {
    %get3A = arith.constant 0 : index
    %get3A_0 = arith.constant 0 : index
    %get3A_1 = vector.load %arg1[%get3A, %get3A_0] : memref<1000x128xf32, #tpu.memory_space<vmem>>, vector<1000x128xf32>
    %get3A_2 = arith.constant 0 : index
    %get3A_3 = arith.constant 0 : index
    %get3A_4 = arith.constant 0 : index
    %get3A_5 = vector.load %arg3[%get3A_2, %get3A_3, %get3A_4] : memref<2x1000x16xf32, #tpu.memory_space<vmem>>, vector<1x1000x16xf32>
    %get3A_6 = vector.shape_cast %get3A_5 : vector<1x1000x16xf32> to vector<1000x16xf32>
    %get3A_7 = arith.constant 1 : index
    %get3A_8 = arith.constant 0 : index
    %get3A_9 = arith.constant 0 : index
    %get3A_10 = vector.load %arg3[%get3A_7, %get3A_8, %get3A_9] : memref<2x1000x16xf32, #tpu.memory_space<vmem>>, vector<1x1000x16xf32>
    %get3A_11 = vector.shape_cast %get3A_10 : vector<1x1000x16xf32> to vector<1000x16xf32>
    %add3A = arith.addf %get3A_6, %get3A_11 : vector<1000x16xf32>
    %slice3A = vector.extract_strided_slice %add3A {offsets = [0, 0], sizes = [1000, 1], strides = [1, 1]} : vector<1000x16xf32> to vector<1000x1xf32>
    %slice3A_12 = vector.extract_strided_slice %add3A {offsets = [0, 1], sizes = [1000, 1], strides = [1, 1]} : vector<1000x16xf32> to vector<1000x1xf32>
    %convert_element_type3A = arith.truncf %get3A_1 : vector<1000x128xf32> to vector<1000x128xbf16>
    %get3A_13 = arith.constant 0 : index
    %get3A_14 = arith.constant 0 : index
    %get3A_15 = vector.load %arg4[%get3A_13, %get3A_14] : memref<128x256xbf16, #tpu.memory_space<vmem>>, vector<128x256xbf16>
    %dot_general3A = arith.constant dense<0.000000e+00> : vector<1000x256xf32>
    %dot_general3A_16 = tpu.matmul %convert_element_type3A, %get3A_15, %dot_general3A {dimension_numbers = #tpu.dot_dimension_numbers<[1], [0], [0], [1], [0, 0, 1, 1], [], []>, transpose_lhs_hint = false} : vector<1000x128xbf16>, vector<128x256xbf16>, vector<1000x256xf32> -> vector<1000x256xf32>
    %get3A_17 = arith.constant 0 : index
    %get3A_18 = arith.constant 0 : index
    %get3A_19 = vector.load %arg7[%get3A_17, %get3A_18] : memref<1x256xf32, #tpu.memory_space<vmem>>, vector<1x256xf32>
    %add3A_20 = vector.broadcast %get3A_19 : vector<1x256xf32> to vector<1000x256xf32>
    %add3A_21 = arith.addf %dot_general3A_16, %add3A_20 : vector<1000x256xf32>
    %mul3A = vector.broadcast %slice3A_12 : vector<1000x1xf32> to vector<1000x256xf32>
    %mul3A_22 = arith.mulf %mul3A, %add3A_21 : vector<1000x256xf32>
    %get3A_23 = arith.constant 0 : index
    %get3A_24 = arith.constant 0 : index
    %get3A_25 = arith.constant 0 : index
    %get3A_26 = vector.load %arg2[%get3A_23, %get3A_24, %get3A_25] : memref<2x1000x64xf32, #tpu.memory_space<vmem>>, vector<1x1000x64xf32>
    %get3A_27 = vector.shape_cast %get3A_26 : vector<1x1000x64xf32> to vector<1000x64xf32>
    %get3A_28 = arith.constant 0 : index
    %get3A_29 = arith.constant 0 : index
    %get3A_30 = vector.load %arg5[%get3A_28, %get3A_29] : memref<128x256xf32, #tpu.memory_space<vmem>>, vector<64x256xf32>
    %dot_general3A_31 = arith.constant dense<0.000000e+00> : vector<1000x256xf32>
    %dot_general3A_32 = tpu.matmul %get3A_27, %get3A_30, %dot_general3A_31 {dimension_numbers = #tpu.dot_dimension_numbers<[1], [0], [0], [1], [0, 0, 1, 1], [], []>, precision = #tpu.contract_precision<fp32>, transpose_lhs_hint = false} : vector<1000x64xf32>, vector<64x256xf32>, vector<1000x256xf32> -> vector<1000x256xf32>
    %add3A_33 = arith.addf %mul3A_22, %dot_general3A_32 : vector<1000x256xf32>
    %get3A_34 = arith.constant 1 : index
    %get3A_35 = arith.constant 0 : index
    %get3A_36 = arith.constant 0 : index
    %get3A_37 = vector.load %arg2[%get3A_34, %get3A_35, %get3A_36] : memref<2x1000x64xf32, #tpu.memory_space<vmem>>, vector<1x1000x64xf32>
    %get3A_38 = vector.shape_cast %get3A_37 : vector<1x1000x64xf32> to vector<1000x64xf32>
    %get3A_39 = arith.constant 64 : index
    %get3A_40 = arith.constant 0 : index
    %get3A_41 = vector.load %arg5[%get3A_39, %get3A_40] : memref<128x256xf32, #tpu.memory_space<vmem>>, vector<64x256xf32>
    %dot_general3A_42 = arith.constant dense<0.000000e+00> : vector<1000x256xf32>
    %dot_general3A_43 = tpu.matmul %get3A_38, %get3A_41, %dot_general3A_42 {dimension_numbers = #tpu.dot_dimension_numbers<[1], [0], [0], [1], [0, 0, 1, 1], [], []>, precision = #tpu.contract_precision<fp32>, transpose_lhs_hint = false} : vector<1000x64xf32>, vector<64x256xf32>, vector<1000x256xf32> -> vector<1000x256xf32>
    %add3A_44 = arith.addf %add3A_33, %dot_general3A_43 : vector<1000x256xf32>
    %get3A_45 = arith.constant 0 : index
    %get3A_46 = arith.constant 0 : index
    %get3A_47 = vector.load %arg6[%get3A_45, %get3A_46] : memref<1x256xf32, #tpu.memory_space<vmem>>, vector<1x256xf32>
    %mul3A_48 = vector.broadcast %slice3A : vector<1000x1xf32> to vector<1000x256xf32>
    %mul3A_49 = vector.broadcast %get3A_47 : vector<1x256xf32> to vector<1000x256xf32>
    %mul3A_50 = arith.mulf %mul3A_48, %mul3A_49 : vector<1000x256xf32>
    %add3A_51 = arith.addf %add3A_44, %mul3A_50 : vector<1000x256xf32>
    %convert_element_type3A_52 = arith.truncf %add3A_51 : vector<1000x256xf32> to vector<1000x256xbf16>
    %get3A_53 = arith.constant 0 : index
    %get3A_54 = arith.constant 0 : index
    %get3A_55 = vector.load %arg8[%get3A_53, %get3A_54] : memref<256x384xbf16, #tpu.memory_space<vmem>>, vector<256x384xbf16>
    %dot_general3A_56 = arith.constant dense<0.000000e+00> : vector<1000x384xf32>
    %dot_general3A_57 = tpu.matmul %convert_element_type3A_52, %get3A_55, %dot_general3A_56 {dimension_numbers = #tpu.dot_dimension_numbers<[1], [0], [0], [1], [0, 0, 1, 1], [], []>, transpose_lhs_hint = false} : vector<1000x256xbf16>, vector<256x384xbf16>, vector<1000x384xf32> -> vector<1000x384xf32>
    %get3A_58 = arith.constant 0 : index
    %get3A_59 = arith.constant 0 : index
    %get3A_60 = vector.load %arg10[%get3A_58, %get3A_59] : memref<1x384xf32, #tpu.memory_space<vmem>>, vector<1x384xf32>
    %add3A_61 = vector.broadcast %get3A_60 : vector<1x384xf32> to vector<1000x384xf32>
    %add3A_62 = arith.addf %dot_general3A_57, %add3A_61 : vector<1000x384xf32>
    %get3A_63 = arith.constant 0 : index
    %get3A_64 = arith.constant 0 : index
    %get3A_65 = vector.load %arg9[%get3A_63, %get3A_64] : memref<128x384xbf16, #tpu.memory_space<vmem>>, vector<128x384xbf16>
    %dot_general3A_66 = arith.constant dense<0.000000e+00> : vector<1000x384xf32>
    %dot_general3A_67 = tpu.matmul %convert_element_type3A, %get3A_65, %dot_general3A_66 {dimension_numbers = #tpu.dot_dimension_numbers<[1], [0], [0], [1], [0, 0, 1, 1], [], []>, transpose_lhs_hint = false} : vector<1000x128xbf16>, vector<128x384xbf16>, vector<1000x384xf32> -> vector<1000x384xf32>
    %get3A_68 = arith.constant 0 : index
    %get3A_69 = arith.constant 0 : index
    %get3A_70 = vector.load %arg11[%get3A_68, %get3A_69] : memref<1x384xf32, #tpu.memory_space<vmem>>, vector<1x384xf32>
    %add3A_71 = vector.broadcast %get3A_70 : vector<1x384xf32> to vector<1000x384xf32>
    %add3A_72 = arith.addf %dot_general3A_67, %add3A_71 : vector<1000x384xf32>
    %slice3A_73 = vector.extract_strided_slice %add3A_62 {offsets = [0, 0], sizes = [1000, 128], strides = [1, 1]} : vector<1000x384xf32> to vector<1000x128xf32>
    %slice3A_74 = vector.extract_strided_slice %add3A_72 {offsets = [0, 0], sizes = [1000, 128], strides = [1, 1]} : vector<1000x384xf32> to vector<1000x128xf32>
    %add3A_75 = arith.addf %slice3A_73, %slice3A_74 : vector<1000x128xf32>
    %logistic3A = arith.negf %add3A_75 : vector<1000x128xf32>
    %logistic3A_76 = math.exp %logistic3A : vector<1000x128xf32>
    %logistic3A_77 = arith.constant 1.000000e+00 : f32
    %logistic3A_78 = vector.broadcast %logistic3A_77 : f32 to vector<1000x128xf32>
    %logistic3A_79 = arith.addf %logistic3A_78, %logistic3A_76 : vector<1000x128xf32>
    %logistic3A_80 = arith.divf %logistic3A_78, %logistic3A_79 : vector<1000x128xf32>
    %slice3A_81 = vector.extract_strided_slice %add3A_62 {offsets = [0, 128], sizes = [1000, 128], strides = [1, 1]} : vector<1000x384xf32> to vector<1000x128xf32>
    %slice3A_82 = vector.extract_strided_slice %add3A_72 {offsets = [0, 128], sizes = [1000, 128], strides = [1, 1]} : vector<1000x384xf32> to vector<1000x128xf32>
    %add3A_83 = arith.addf %slice3A_81, %slice3A_82 : vector<1000x128xf32>
    %logistic3A_84 = arith.negf %add3A_83 : vector<1000x128xf32>
    %logistic3A_85 = math.exp %logistic3A_84 : vector<1000x128xf32>
    %logistic3A_86 = arith.constant 1.000000e+00 : f32
    %logistic3A_87 = vector.broadcast %logistic3A_86 : f32 to vector<1000x128xf32>
    %logistic3A_88 = arith.addf %logistic3A_87, %logistic3A_85 : vector<1000x128xf32>
    %logistic3A_89 = arith.divf %logistic3A_87, %logistic3A_88 : vector<1000x128xf32>
    %slice3A_90 = vector.extract_strided_slice %add3A_62 {offsets = [0, 256], sizes = [1000, 128], strides = [1, 1]} : vector<1000x384xf32> to vector<1000x128xf32>
    %slice3A_91 = vector.extract_strided_slice %add3A_72 {offsets = [0, 256], sizes = [1000, 128], strides = [1, 1]} : vector<1000x384xf32> to vector<1000x128xf32>
    %mul3A_92 = arith.mulf %logistic3A_80, %slice3A_91 : vector<1000x128xf32>
    %add3A_93 = arith.addf %slice3A_90, %mul3A_92 : vector<1000x128xf32>
    %tanh3A = math.tanh %add3A_93 : vector<1000x128xf32>
    %sub3A = arith.constant 1.000000e+00 : f32
    %sub3A_94 = vector.broadcast %sub3A : f32 to vector<1000x128xf32>
    %sub3A_95 = arith.subf %sub3A_94, %logistic3A_89 : vector<1000x128xf32>
    %mul3A_96 = arith.mulf %sub3A_95, %tanh3A : vector<1000x128xf32>
    %mul3A_97 = arith.mulf %logistic3A_89, %get3A_1 : vector<1000x128xf32>
    %add3A_98 = arith.addf %mul3A_96, %mul3A_97 : vector<1000x128xf32>
    %swap3A = arith.constant 0 : index
    %swap3A_99 = arith.constant 0 : index
    %swap3A_100 = vector.load %arg12[%swap3A, %swap3A_99] : memref<1000x128xf32, #tpu.memory_space<vmem>>, vector<1000x128xf32>
    tpu.vector_store %arg12[%swap3A, %swap3A_99], %add3A_98 {strides = array<i32>} : memref<1000x128xf32, #tpu.memory_space<vmem>>, vector<1000x128xf32>,
    %convert_element_type3A_101 = arith.truncf %add3A_98 : vector<1000x128xf32> to vector<1000x128xbf16>
    %convert_element_type3A_102 = arith.extf %convert_element_type3A_101 : vector<1000x128xbf16> to vector<1000x128xf32>
    %slice3A_103 = vector.extract_strided_slice %convert_element_type3A_102 {offsets = [0, 0], sizes = [1000, 64], strides = [1, 1]} : vector<1000x128xf32> to vector<1000x64xf32>
    %swap3A_104 = arith.constant 0 : index
    %swap3A_105 = arith.constant 0 : index
    %swap3A_106 = arith.constant 0 : index
    %swap3A_107 = vector.load %arg13[%swap3A_104, %swap3A_105, %swap3A_106] : memref<2x1000x64xf32, #tpu.memory_space<vmem>>, vector<1x1000x64xf32>
    %swap3A_108 = vector.shape_cast %swap3A_107 : vector<1x1000x64xf32> to vector<1000x64xf32>
    %swap3A_109 = vector.shape_cast %slice3A_103 : vector<1000x64xf32> to vector<1x1000x64xf32>
    tpu.vector_store %arg13[%swap3A_104, %swap3A_105, %swap3A_106], %swap3A_109 {strides = array<i32>} : memref<2x1000x64xf32, #tpu.memory_space<vmem>>, vector<1x1000x64xf32>,
    %slice3A_110 = vector.extract_strided_slice %convert_element_type3A_102 {offsets = [0, 64], sizes = [1000, 64], strides = [1, 1]} : vector<1000x128xf32> to vector<1000x64xf32>
    %swap3A_111 = arith.constant 1 : index
    %swap3A_112 = arith.constant 0 : index
    %swap3A_113 = arith.constant 0 : index
    %swap3A_114 = vector.load %arg13[%swap3A_111, %swap3A_112, %swap3A_113] : memref<2x1000x64xf32, #tpu.memory_space<vmem>>, vector<1x1000x64xf32>
    %swap3A_115 = vector.shape_cast %swap3A_114 : vector<1x1000x64xf32> to vector<1000x64xf32>
    %swap3A_116 = vector.shape_cast %slice3A_110 : vector<1000x64xf32> to vector<1x1000x64xf32>
    tpu.vector_store %arg13[%swap3A_111, %swap3A_112, %swap3A_113], %swap3A_116 {strides = array<i32>} : memref<2x1000x64xf32, #tpu.memory_space<vmem>>, vector<1x1000x64xf32>,
    return
  }
  func.func @transform_0(%arg0: i32) -> (i32, i32) {
    %c0_i32 = arith.constant 0 : i32
    %c0_i32_0 = arith.constant 0 : i32
    return %arg0, %c0_i32 : i32, i32
  }
  func.func @transform_1(%arg0: i32) -> (i32, i32, i32) {
    %c0_i32 = arith.constant 0 : i32
    %c0_i32_0 = arith.constant 0 : i32
    %c0_i32_1 = arith.constant 0 : i32
    return %c0_i32, %arg0, %c0_i32_0 : i32, i32, i32
  }
  func.func @transform_2(%arg0: i32) -> (i32, i32, i32) {
    %c0_i32 = arith.constant 0 : i32
    %c0_i32_0 = arith.constant 0 : i32
    %c0_i32_1 = arith.constant 0 : i32
    return %c0_i32, %arg0, %c0_i32_0 : i32, i32, i32
  }
  func.func @transform_3(%arg0: i32) -> (i32, i32) {
    %c0_i32 = arith.constant 0 : i32
    %c0_i32_0 = arith.constant 0 : i32
    %c0_i32_1 = arith.constant 0 : i32
    return %c0_i32, %c0_i32_0 : i32, i32
  }
  func.func @transform_4(%arg0: i32) -> (i32, i32) {
    %c0_i32 = arith.constant 0 : i32
    %c0_i32_0 = arith.constant 0 : i32
    %c0_i32_1 = arith.constant 0 : i32
    return %c0_i32, %c0_i32_0 : i32, i32
  }
  func.func @transform_5(%arg0: i32) -> (i32, i32) {
    %c0_i32 = arith.constant 0 : i32
    %c0_i32_0 = arith.constant 0 : i32
    %c0_i32_1 = arith.constant 0 : i32
    return %c0_i32, %c0_i32_0 : i32, i32
  }
  func.func @transform_6(%arg0: i32) -> (i32, i32) {
    %c0_i32 = arith.constant 0 : i32
    %c0_i32_0 = arith.constant 0 : i32
    %c0_i32_1 = arith.constant 0 : i32
    return %c0_i32, %c0_i32_0 : i32, i32
  }
  func.func @transform_7(%arg0: i32) -> (i32, i32) {
    %c0_i32 = arith.constant 0 : i32
    %c0_i32_0 = arith.constant 0 : i32
    %c0_i32_1 = arith.constant 0 : i32
    return %c0_i32, %c0_i32_0 : i32, i32
  }
  func.func @transform_8(%arg0: i32) -> (i32, i32) {
    %c0_i32 = arith.constant 0 : i32
    %c0_i32_0 = arith.constant 0 : i32
    %c0_i32_1 = arith.constant 0 : i32
    return %c0_i32, %c0_i32_0 : i32, i32
  }
  func.func @transform_9(%arg0: i32) -> (i32, i32) {
    %c0_i32 = arith.constant 0 : i32
    %c0_i32_0 = arith.constant 0 : i32
    %c0_i32_1 = arith.constant 0 : i32
    return %c0_i32, %c0_i32_0 : i32, i32
  }
  func.func @transform_10(%arg0: i32) -> (i32, i32) {
    %c0_i32 = arith.constant 0 : i32
    %c0_i32_0 = arith.constant 0 : i32
    %c0_i32_1 = arith.constant 0 : i32
    return %c0_i32, %c0_i32_0 : i32, i32
  }
  func.func @transform_11(%arg0: i32) -> (i32, i32) {
    %c0_i32 = arith.constant 0 : i32
    %c0_i32_0 = arith.constant 0 : i32
    return %arg0, %c0_i32 : i32, i32
  }
  func.func @transform_12(%arg0: i32) -> (i32, i32, i32) {
    %c0_i32 = arith.constant 0 : i32
    %c0_i32_0 = arith.constant 0 : i32
    %c0_i32_1 = arith.constant 0 : i32
    return %c0_i32, %arg0, %c0_i32_0 : i32, i32, i32
  }
}

</mosaic_0001>

<sc_bundles>
// kernel: kernel.10.cloned.1.call-start
scs
__scs_entry_jumppad:
0x0: {  	(pc) =	sbr.rel $0x88, $3  }
0x1: {  	(tag) =	ssettag $0x0;
	lr =	simm.s32 $0x1  }
0x2: {  	[smem:$0x3F92] =	sst lr;
	_ =	strace $0xD0000000  }
0x3: {  	_ = 	snop  }
0x4: {  	_ = 	snop  }
0x5: {  	_ = 	snop  }
0x6: {  	_ = 	snop  }
0x7: {  	_ = 	snop  }
__scs_overlays_trampoline_lowered:
0x8: {  	[smem:$0x3FA1] =	sst s0  }
0x9: {  	[smem:$0x3FA2] =	sst s1  }
0xa: {  	[smem:$0x3FA3] =	sst s2  }
0xb: {  	[smem:$0x3FA4] =	sst s3  }
0xc: {  	[smem:$0x3FA5] =	sst s4  }
0xd: {  	[smem:$0x3FA6] =	sst s5  }
0xe: {  	[smem:$0x3FA7] =	sst s6  }
0xf: {  	[smem:$0x3FA8] =	sst s7  }
0x10: {  	[smem:$0x3FA9] =	sst s8  }
0x11: {  	[smem:$0x3FAA] =	sst s9;
	s0 =	simm.s32 @!p0 $0x0  }
0x12: {  	s1 =	sld [smem:$0x3F90];
	s0 =	simm.s32 @p0 $0x1  }
0x13: {  	[smem:$0x3FAB] =	sst s0;
	s0 =	simm.s32 @!p1 $0x0  }
0x14: {  	s2 =	sld [smem:$0x3F8F];
	s0 =	simm.s32 @p1 $0x1  }
0x15: {  	[smem:$0x3FAC] =	sst s0;
	s0 =	simm.s32 @!p2 $0x0  }
0x16: {  	s3 =	sld [smem:$0x3FDB];
	s0 =	simm.s32 @p2 $0x1  }
0x17: {  	s4 =	simm.s32 $0x1BF5;
	[smem:$0x3FAE] =	sst s0  }
0x18: {  	s0 =	sld [smem:$0x3F91];
	_ =	swait.ge [sflag:s4], $0x0  }
0x19: {  	s7 =	sld [smem:$0x3F92]  }
0x1a: {  	s8 =	sadd.s32 $0xFFFFE003, lr  }
0x1b: {  	s9 =	sadd.s32 $0xFFFFFEF7, lr;
	s5 =	simm.s32 $0xFFFFFFFF;
	p2 =	slt.u32 s8, $0xFFFFF086  }
0x1c: {  	p1 =	slt.u32 s9, $0xF7A;
	s5 =	simm.s32 @!p2 $0x0  }
0x1d: {  	s5 =	simm.s32 @p1 $0x1;
	p0 =	seq.s32 s7, s2  }
0x1e: {  	s7 =	smul.u32 @!p0 $0xF7A, s2;
	p2 =	seq.s32 @!p0 s5, $0x0  }
0x1f: {  	s9 =	smul.u32 $0xF7A, s1;
	s8 =	simm.s32 @!p0 $0x1BF5;
	p2 =	por !p2, p0  }
0x20: {  	[sflag:s8] =	ssyncset.s32 @!p0 $0xFFFFF086;
	s6 =	sadd.s32 @!p0 s3, s7;
	s7 =	simm.s32 @!p0 $0x108  }
0x21: {  	s3 =	sadd.s32 s3, s9;
	s6 =	sadd.s32 @!p0 $0x88, s6;
	s7 =	simm.s32 @p2 $0x1082  }
0x22: {  	[simem:s7], [sflag:s8] =	dma.local @!p0 [hbm:s6], $0xF7A  }
0x23: {  	s9 =	sor.u32 $0xD0000000, s2;
	s6 =	simm.s32 $0x108;
	_ =	swait.ge @!p0 [sflag:s8], $0x0  }
0x24: {  	s3 =	sadd.s32 $0x88, s3;
	s6 =	simm.s32 @!p1 $0x1082;
	[sflag:s4] =	ssyncset.s32 $0xFFFFF086  }
0x25: {  	[simem:s6], [sflag:s4] =	dma.local [hbm:s3], $0xF7A  }
0x26: {  	[smem:$0x3F92] =	sst s1;
	(tag) =	ssettag s2;
	_ =	strace s9  }
0x27: {  	s1 =	sld [smem:$0x3FA2]  }
0x28: {  	s2 =	sld [smem:$0x3FA3]  }
0x29: {  	s4 =	sld [smem:$0x3FA5]  }
0x2a: {  	p0 =	seq.s32 s5, $0x0;
	s5 =	sld [smem:$0x3FA6]  }
0x2b: {  	s6 =	sld [smem:$0x3FA7]  }
0x2c: {  	s7 =	sld [smem:$0x3FA8]  }
0x2d: {  	s3 =	simm.s32 $0x108;
	s8 =	sld [smem:$0x3FA9]  }
0x2e: {  	s3 =	simm.s32 @!p0 $0x1082;
	s9 =	sld [smem:$0x3FAA]  }
0x2f: {  	lr =	sadd.s32 s0, s3;
	s0 =	sld [smem:$0x3FA1]  }
0x30: {  	s3 =	sld [smem:$0x3FA4]  }
0x31: {  	[smem:$0x3FAD] =	sst s10  }
0x32: {  	s10 =	sld [smem:$0x3FAB];
	_ =	sdelay $0x3  }
0x33: {  	p0 =	seq.s32 s10, $0x1;
	s10 =	sld [smem:$0x3FAD];
	_ =	sdelay $0x3  }
0x34: {  	[smem:$0x3FAD] =	sst s10  }
0x35: {  	s10 =	sld [smem:$0x3FAC];
	_ =	sdelay $0x3  }
0x36: {  	p1 =	seq.s32 s10, $0x1;
	s10 =	sld [smem:$0x3FAD];
	_ =	sdelay $0x3  }
0x37: {  	[smem:$0x3FAD] =	sst s10  }
0x38: {  	s10 =	sld [smem:$0x3FAE]  }
0x39: {  	_ = 	snop;
	(pc) =	sbr.ind lr, $3  }
0x3a: {  	_ = 	snop  }
0x3b: {  	_ = 	snop  }
0x3c: {  	p2 =	seq.s32 s10, $0x1;
	s10 =	sld [smem:$0x3FAD]  }
0x3d: {  	_ =	shalt  }
0x3e: {  	_ =	shalt  }
0x3f: {  	_ =	shalt  }
0x40: {  	_ =	shalt  }
0x41: {  	_ =	shalt  }
0x42: {  	_ =	shalt  }
0x43: {  	_ =	shalt  }
0x44: {  	_ =	shalt  }
0x45: {  	_ =	shalt  }
0x46: {  	_ =	shalt  }
0x47: {  	_ =	shalt  }
0x48: {  	_ =	shalt  }
0x49: {  	_ =	shalt  }
0x4a: {  	_ =	shalt  }
0x4b: {  	_ =	shalt  }
0x4c: {  	_ =	shalt  }
0x4d: {  	_ =	shalt  }
0x4e: {  	_ =	shalt  }
0x4f: {  	_ =	shalt  }
0x50: {  	_ =	shalt  }
0x51: {  	_ =	shalt  }
0x52: {  	_ =	shalt  }
0x53: {  	_ =	shalt  }
0x54: {  	_ =	shalt  }
0x55: {  	_ =	shalt  }
0x56: {  	_ =	shalt  }
0x57: {  	_ =	shalt  }
0x58: {  	_ =	shalt  }
0x59: {  	_ =	shalt  }
0x5a: {  	_ =	shalt  }
0x5b: {  	_ =	shalt  }
0x5c: {  	_ =	shalt  }
0x5d: {  	_ =	shalt  }
0x5e: {  	_ =	shalt  }
0x5f: {  	_ =	shalt  }
0x60: {  	_ =	shalt  }
0x61: {  	_ =	shalt  }
0x62: {  	_ =	shalt  }
0x63: {  	_ =	shalt  }
0x64: {  	_ =	shalt  }
0x65: {  	_ =	shalt  }
0x66: {  	_ =	shalt  }
0x67: {  	_ =	shalt  }
0x68: {  	_ =	shalt  }
0x69: {  	_ =	shalt  }
0x6a: {  	_ =	shalt  }
0x6b: {  	_ =	shalt  }
0x6c: {  	_ =	shalt  }
0x6d: {  	_ =	shalt  }
0x6e: {  	_ =	shalt  }
0x6f: {  	_ =	shalt  }
0x70: {  	_ =	shalt  }
0x71: {  	_ =	shalt  }
0x72: {  	_ =	shalt  }
0x73: {  	_ =	shalt  }
0x74: {  	_ =	shalt  }
0x75: {  	_ =	shalt  }
0x76: {  	_ =	shalt  }
0x77: {  	_ =	shalt  }
0x78: {  	_ =	shalt  }
0x79: {  	_ =	shalt  }
0x7a: {  	_ =	shalt  }
0x7b: {  	_ =	shalt  }
0x7c: {  	_ =	shalt  }
0x7d: {  	_ =	shalt  }
0x7e: {  	_ =	shalt  }
0x7f: {  	_ =	shalt  }
0x80: {  	_ =	shalt  }
0x81: {  	_ =	shalt  }
0x82: {  	_ =	shalt  }
0x83: {  	_ =	shalt  }
0x84: {  	_ =	shalt  }
0x85: {  	_ =	shalt  }
0x86: {  	_ =	shalt  }
0x87: {  	_ =	shalt  }
.Lfunc_end0:
.L_simem_size_0:
called_computation.1_lowered:
.L_overlay_start_0:
0x88: {  	s2 =	sld [smem:$0x3FD9]  }
0x89: {  	s3 =	sld [smem:$0x3FFE];
	_ =	sdelay $0x1  }
0x8a: {  	s1 =	srdreg.scid  }
0x8b: {  	s0 =	sand.u32 $0x1, s1  }
0x8c: {  	s17 =	sshll.u32 s0, $0xA;
	s2 =	sadd.s32 s3, s2  }
0x8d: {  	s2 =	sadd.s32 s2, s17  }
0x8e: {  	[smem:$0x3FB9] =	sst s2  }
0x8f: {  	_ = 	snop  }
0x90: {  	s2 =	sld [smem:$0x3FD0];
	(tm) =	ssettm $0x1  }
0x91: {  	s18 =	sld [smem:$0x3FFB];
	_ =	sdelay $0x3  }
0x92: {  	_ =	strace s18  }
0x93: {  	s3 =	sld [smem:$0x3FFC];
	_ =	sdelay $0x3  }
0x94: {  	_ =	strace s3  }
0x95: {  	s3 =	sld [smem:$0x3FFD];
	_ =	sdelay $0x3  }
0x96: {  	_ =	strace s3  }
0x97: {  	_ =	strace $0x8FFFFFFF  }
0x98: {  	s19 =	sld [smem:$0x3FDB];
	_ =	sdelay $0x1  }
0x99: {  	s4 =	simm.s32 $_scs_section_size  }
0x9a: {  	s5 =	simm.s32 $_size__tile_overlayer_lowered;
	s6 =	simm.s32 $_tile_overlayer_lowered  }
0x9b: {  	s22 =	simm.s32 $0x1BFF;
	s21 =	sshll.u32 s6, $0x1;
	s3 =	sadd.s32 s4, s19  }
0x9c: {  	s7 =	simm.s32 $0x0;
	s20 =	sshll.u32 s5, $0x1;
	s5 =	sadd.s32 s21, s3  }
0x9d: {  	[timem:s7], [sflag:s22] =	dma.local [hbm:s5], s20  }
0x9e: {  	_ =	swait.ge [sflag:s22], s20  }
0x9f: {  	s4 =	ssub.s32 $0x0, s20;
	[sflag:s22] =	ssyncset.done $0x0  }
0xa0: {  	[sflag:s22] =	ssyncadd.s32 s4;
	_ =	sdelay $0x1  }
0xa1: {  	s23 =	simm.s32 $0x1B8B  }
0xa2: {  	_ =	swait.ge [sflag:s23], $0x1  }
0xa3: {  	[sflag:s23] =	ssyncset.done $0x0  }
0xa4: {  	s25 =	simm.s32 $0x1B8E;
	s24 =	sld [smem:$0x3FFE];
	[sflag:s23] =	ssyncadd.s32 $0xFFFFFFFF  }
0xa5: {  	s26 =	simm.s32 $execute0_lowered;
	[smem:$0x3FD2] =	sst s25  }
0xa6: {  	s5 =	sshll.u32 s26, $0x1;
	_ =	strace $0x80000046;
	[dreg:$0x1] =	wrdreg $0xFFFFFFFF  }
0xa7: {  	s28 =	simm.s32 $_size_execute0_lowered;
	s3 =	sadd.s32 s3, s5;
	[dreg:$0x0] =	wrdreg $0x0  }
0xa8: {  	s5 =	sshll.u32 s28, $0x1;
	[dreg:$0x2] =	wrdreg s3  }
0xa9: {  	[dreg:$0x3] =	wrdreg s5  }
0xaa: {  	[dreg:$0x4] =	wrdreg $0xC0  }
0xab: {  	_ =	task [dreg:s7], $0x5FFFF  }
0xac: {  	[dreg:$0x1] =	wrdreg $0xFFFFFFFF  }
0xad: {  	[dreg:$0x0] =	wrdreg $0x60  }
0xae: {  	[dreg:$0x2] =	wrdreg s2  }
0xaf: {  	[dreg:$0x3] =	wrdreg s24  }
0xb0: {  	[dreg:$0x4] =	wrdreg $0x11D000  }
0xb1: {  	[dreg:$0x5] =	wrdreg $0xA  }
0xb2: {  	_ =	task.clear_ibuf [dreg:s7], $0x6FFFF;
	_ =	strace $0x90000046  }
0xb3: {  	s29 =	simm.s32 $0xA;
	_ =	strace $0x80000048  }
0xb4: {  	_ =	swait.ge [sflag:s29], $0x1  }
0xb5: {  	[sflag:s29] =	ssyncadd.s32 $0xFFFFFFFF  }
0xb6: {  	_ =	strace $0x90000048  }
0xb7: {  	_ =	sfence  }
0xb8: {  	s30 =	sld [smem:$0x0];
	_ =	sdelay $0x2  }
0xb9: {  	s31 =	sshll.u32 s1, $0xD;
	s1 =	sshrl.u32 s1, $0x2  }
0xba: {  	s3 =	sand.u32 $0x4000, s31;
	s1 =	sadd.s32 s1, s30  }
0xbb: {  	s0 =	sor.u32 s3, s0;
	s1 =	sshll.u32 s1, $0x11  }
0xbc: {  	s0 =	sor.u32 s1, s0  }
0xbd: {  	s0 =	sadd.s32 $0x8F2B, s0  }
0xbe: {  	[sflag:s0] =	ssyncadd.remote.s32 $0x1  }
0xbf: {  	_ =	sfence.sel $0xFFFF  }
0xc0: {  	[dreg:$0x0] =	wrdreg $0xFFFFFFFF;
	(pc) =	sbr.abs _section_cstart, $3  }
0xc1: {  	[dreg:$0x1] =	wrdreg $0xFFFFFFFF  }
0xc2: {  	_ =	task.clear_ibuf [dreg:s7], $0x2FFFF;
	_ =	strace $0x9FFFFFFF  }
0xc3: {  	(tm) =	ssettm $0x7FFFFFFF  }
tec
execute0_lowered:
.L_overlay_start_1:
0x0: {  	(tag) =	ssettag $0x1  }
0x1: {  	s0 =	rddreg [dreg:$0x0]  }
0x2: {  	s1 =	rddreg [dreg:$0x1];
	s12 =	stileid.u32  }
0x3: {  	s3 =	srdreg.scid;
	s2 =	rddreg [dreg:$0x2];
	s14 =	simm.s32 $0x7D  }
0x4: {  	s15 =	simm.s32 $0xA000;
	s17 =	simm.s32 $0xBF40;
	s19 =	simm.s32 $0xDE80  }
0x5: {  	s21 =	simm.s32 $0xFDC0;
	s22 =	simm.s32 $0x1;
	s23 =	simm.s32 $0x2  }
0x6: {  	s24 =	simm.s32 $0x3;
	s25 =	simm.s32 $0x4;
	s28 =	simm.s32 $0x6  }
0x7: {  	s29 =	simm.s32 $0x7;
	s30 =	simm.s32 $0x8;
	s13 =	simm.s32 $0x9F80  }
0x8: {  	s16 =	simm.s32 $0x0;
	s5 =	sand.u32 $0x1, s3;
	s6 =	smul.u32 $0xA000, s12  }
0x9: {  	s3 =	simm.s32 $0x0;
	s7 =	smul.u32 $0xA00, s12;
	s26 =	sshll.u32 s12, $0x6  }
0xa: {  	s12 =	simm.s32 $0x9;
	s4 =	smul.u32 $0xA0000, s5;
	[smem:$0x7FF] =	sst s3  }
0xb: {  	s8 =	ssub.s32 $0x2, s5;
	s31 =	smul.u32 $0x13880, s5;
	s5 =	sor.u32 $0x1C09, s26  }
0xc: {  	s26 =	simm.s32 $0x5;
	_ =	strace $0x80000047;
	s7 =	sadd.s32 s7, s1  }
0xd: {  	s10 =	sshrl.u32 s8, $0x1;
	s11 =	sadd.s32 s6, s2;
	s4 =	sadd.s32 s6, s4  }
0xe: {  	s10 =	ssub.s32 s8, s10;
	s6 =	sadd.s32 $0xD200, s7;
	s7 =	sadd.s32 $0x3200, s7  }
0xf: {  	s8 =	sadd.s32 s0, s31;
	s11 =	sshrl.u32 s11, $0x3;
	s9 =	sshrl.u32 s4, $0x3  }
0x10: {  	s0 =	simm.s32 $0x9F00;
	s4 =	sadd.s32 $0x17200, s1;
	s1 =	sadd.s32 s9, s1  }
0x11: {  	s10 =	smax.u32 s10, $0x1;
	s9 =	sadd.s32 $0x18600, s1;
	s1 =	simm.s32 $0x9E80  }
.LBB2_1:
0x12: {  	[spmem:s11], [sflag:s5] =	dma.local [hbm:s4], $0x1400  }
0x13: {  	_ =	swait.ge [sflag:s12], $0x1400  }
0x14: {  	[sflag:s12] =	ssyncset.done $0x0  }
0x15: {  	[sflag:s12] =	ssyncadd.s32 $0xFFFFEC00  }
0x16: {  	[tilespmem:s3], [sflag:$0x9] =	stream.linear.gather [hbm4b:s6+s3], $0x5000, $0x38;
	[tilespmem:$0x1BD00] =	vst v63  }
0x17: {  	_ =	swait.ge [sflag:s12], $0x5000  }
0x18: {  	[sflag:s12] =	ssyncset.done $0x0  }
0x19: {  	s18 =	simm.s32 $0x5000;
	[sflag:s12] =	ssyncadd.s32 $0xFFFFB000  }
0x1a: {  	[tilespmem:s18], [sflag:$0x9] =	stream.linear.gather [hbm4b:s7+s3], $0x5000, $0x38;
	[tilespmem:$0x1BD00] =	vst v63  }
0x1b: {  	_ =	swait.ge [sflag:s12], $0x5000  }
0x1c: {  	[sflag:s12] =	ssyncset.done $0x0  }
0x1d: {  	[sflag:s12] =	ssyncadd.s32 $0xFFFFB000  }
0x1e: {  	[bflag:$0x0] =	sbarrier.arrive $0xFFFF  }
0x1f: {  	[tilespmem:s15], [sflag:$0x1] =	stream.indirect.gather [hbm4b:s8+s14], $0x40, s3, s14, $0xb8;
	[tilespmem:$0x1BD00] =	vst v63  }
0x20: {  	s20 =	simm.s32 $0x80  }
0x21: {  	[tilespmem:s17], [sflag:$0x2] =	stream.indirect.gather [hbm4b:s8+s14], $0x40, s20, s14, $0xb8;
	[tilespmem:$0x1BD00] =	vst v63  }
0x22: {  	s31 =	simm.s32 $0x100  }
0x23: {  	[tilespmem:s19], [sflag:$0x3] =	stream.indirect.gather [hbm4b:s8+s14], $0x40, s31, s14, $0xb8;
	[tilespmem:$0x1BD00] =	vst v63  }
0x24: {  	s20 =	simm.s32 $0x180  }
0x25: {  	[tilespmem:s21], [sflag:$0x4] =	stream.indirect.gather [hbm4b:s8+s14], $0x40, s20, s14, $0xb8;
	[tilespmem:$0x1BD00] =	vst v63  }
0x26: {  	_ =	swait.ge [sflag:s22], $0x1F40  }
0x27: {  	[sflag:s22] =	ssyncset.done $0x0  }
0x28: {  	s31 =	simm.s32 $0x5000;
	[sflag:s22] =	ssyncadd.s32 $0xFFFFE0C0  }
0x29: {  	[spmem:s2] =	stream.indirect.scatter.add.f32 [tilespmem:s15], [sflag:$0x5], $0x40, s31, s14, $0xb8;
	[tilespmem:$0x1BD00] =	vst v63  }
0x2a: {  	_ =	swait.ge [sflag:s23], $0x1F40  }
0x2b: {  	[sflag:s23] =	ssyncset.done $0x0  }
0x2c: {  	s20 =	simm.s32 $0x5080;
	[sflag:s23] =	ssyncadd.s32 $0xFFFFE0C0  }
0x2d: {  	[spmem:s2] =	stream.indirect.scatter.add.f32 [tilespmem:s17], [sflag:$0x6], $0x40, s20, s14, $0xb8;
	[tilespmem:$0x1BD00] =	vst v63  }
0x2e: {  	_ =	swait.ge [sflag:s24], $0x1F40  }
0x2f: {  	[sflag:s24] =	ssyncset.done $0x0  }
0x30: {  	s31 =	simm.s32 $0x5100;
	[sflag:s24] =	ssyncadd.s32 $0xFFFFE0C0  }
0x31: {  	[spmem:s2] =	stream.indirect.scatter.add.f32 [tilespmem:s19], [sflag:$0x7], $0x40, s31, s14, $0xb8;
	[tilespmem:$0x1BD00] =	vst v63  }
0x32: {  	_ =	swait.ge [sflag:s25], $0x1F40  }
0x33: {  	[sflag:s25] =	ssyncset.done $0x0  }
0x34: {  	s20 =	simm.s32 $0x5180;
	[sflag:s25] =	ssyncadd.s32 $0xFFFFE0C0  }
0x35: {  	[spmem:s2] =	stream.indirect.scatter.add.f32 [tilespmem:s21], [sflag:$0x8], $0x40, s20, s14, $0xb8;
	[tilespmem:$0x1BD00] =	vst v63  }
0x36: {  	_ =	swait.ge [sflag:s26], $0x1F40  }
0x37: {  	[sflag:s26] =	ssyncset.done $0x0  }
0x38: {  	s31 =	simm.s32 $0x200;
	[sflag:s26] =	ssyncadd.s32 $0xFFFFE0C0  }
0x39: {  	[tilespmem:s15], [sflag:$0x1] =	stream.indirect.gather [hbm4b:s8+s14], $0x40, s31, s14, $0xb8;
	[tilespmem:$0x1BD00] =	vst v63  }
0x3a: {  	_ =	swait.ge [sflag:s28], $0x1F40  }
0x3b: {  	[sflag:s28] =	ssyncset.done $0x0  }
0x3c: {  	s20 =	simm.s32 $0x280;
	[sflag:s28] =	ssyncadd.s32 $0xFFFFE0C0  }
0x3d: {  	[tilespmem:s17], [sflag:$0x2] =	stream.indirect.gather [hbm4b:s8+s14], $0x40, s20, s14, $0xb8;
	[tilespmem:$0x1BD00] =	vst v63  }
0x3e: {  	_ =	swait.ge [sflag:s29], $0x1F40  }
0x3f: {  	[sflag:s29] =	ssyncset.done $0x0  }
0x40: {  	s31 =	simm.s32 $0x300;
	[sflag:s29] =	ssyncadd.s32 $0xFFFFE0C0  }
0x41: {  	[tilespmem:s19], [sflag:$0x3] =	stream.indirect.gather [hbm4b:s8+s14], $0x40, s31, s14, $0xb8;
	[tilespmem:$0x1BD00] =	vst v63  }
0x42: {  	_ =	swait.ge [sflag:s30], $0x1F40  }
0x43: {  	[sflag:s30] =	ssyncset.done $0x0  }
0x44: {  	s18 =	simm.s32 $0x800;
	s20 =	simm.s32 $0x380;
	[sflag:s30] =	ssyncadd.s32 $0xFFFFE0C0  }
.LBB2_2:
0x45: {  	[tilespmem:s21], [sflag:$0x4] =	stream.indirect.gather [hbm4b:s8+s14], $0x40, s20, s14, $0xb8;
	[tilespmem:$0x1BD00] =	vst v63  }
0x46: {  	s20 =	smov.u32 s18  }
0x47: {  	p0 =	sne.s32 s18, $0x13000;
	s18 =	sadd.s32 $0x800, s18;
	_ =	swait.ge [sflag:s22], $0x1F40  }
0x48: {  	s20 =	sshra.s32 s20, $0x2;
	[sflag:s22] =	ssyncset.done $0x0  }
0x49: {  	s31 =	sadd.s32 $0x5000, s20;
	[sflag:s22] =	ssyncadd.s32 $0xFFFFE0C0  }
0x4a: {  	[spmem:s2] =	stream.indirect.scatter.add.f32 [tilespmem:s15], [sflag:$0x5], $0x40, s31, s14, $0xb8;
	[tilespmem:$0x1BD00] =	vst v63  }
0x4b: {  	_ =	swait.ge [sflag:s23], $0x1F40  }
0x4c: {  	[sflag:s23] =	ssyncset.done $0x0  }
0x4d: {  	s31 =	sadd.s32 $0x5080, s20;
	[sflag:s23] =	ssyncadd.s32 $0xFFFFE0C0  }
0x4e: {  	[spmem:s2] =	stream.indirect.scatter.add.f32 [tilespmem:s17], [sflag:$0x6], $0x40, s31, s14, $0xb8;
	[tilespmem:$0x1BD00] =	vst v63  }
0x4f: {  	_ =	swait.ge [sflag:s24], $0x1F40  }
0x50: {  	[sflag:s24] =	ssyncset.done $0x0  }
0x51: {  	s31 =	sadd.s32 $0x5100, s20;
	[sflag:s24] =	ssyncadd.s32 $0xFFFFE0C0  }
0x52: {  	[spmem:s2] =	stream.indirect.scatter.add.f32 [tilespmem:s19], [sflag:$0x7], $0x40, s31, s14, $0xb8;
	[tilespmem:$0x1BD00] =	vst v63  }
0x53: {  	_ =	swait.ge [sflag:s25], $0x1F40  }
0x54: {  	[sflag:s25] =	ssyncset.done $0x0  }
0x55: {  	s31 =	sadd.s32 $0x5180, s20;
	[sflag:s25] =	ssyncadd.s32 $0xFFFFE0C0  }
0x56: {  	[spmem:s2] =	stream.indirect.scatter.add.f32 [tilespmem:s21], [sflag:$0x8], $0x40, s31, s14, $0xb8;
	[tilespmem:$0x1BD00] =	vst v63  }
0x57: {  	_ =	swait.ge [sflag:s26], $0x1F40  }
0x58: {  	[sflag:s26] =	ssyncset.done $0x0  }
0x59: {  	s31 =	sadd.s32 $0x200, s20;
	[sflag:s26] =	ssyncadd.s32 $0xFFFFE0C0  }
0x5a: {  	[tilespmem:s15], [sflag:$0x1] =	stream.indirect.gather [hbm4b:s8+s14], $0x40, s31, s14, $0xb8;
	[tilespmem:$0x1BD00] =	vst v63  }
0x5b: {  	_ =	swait.ge [sflag:s28], $0x1F40  }
0x5c: {  	[sflag:s28] =	ssyncset.done $0x0  }
0x5d: {  	s31 =	sadd.s32 $0x280, s20;
	[sflag:s28] =	ssyncadd.s32 $0xFFFFE0C0  }
0x5e: {  	[tilespmem:s17], [sflag:$0x2] =	stream.indirect.gather [hbm4b:s8+s14], $0x40, s31, s14, $0xb8;
	[tilespmem:$0x1BD00] =	vst v63  }
0x5f: {  	_ =	swait.ge [sflag:s29], $0x1F40  }
0x60: {  	[sflag:s29] =	ssyncset.done $0x0  }
.Ltmp0:
0x61: {  	s31 =	sadd.s32 $0x300, s20;
	[sflag:s29] =	ssyncadd.s32 $0xFFFFE0C0;
	(pc) =	sbr.rel @p0 .LBB2_2-.Ltmp0, $4  }
0x62: {  	[tilespmem:s19], [sflag:$0x3] =	stream.indirect.gather [hbm4b:s8+s14], $0x40, s31, s14, $0xb8;
	[tilespmem:$0x1BD00] =	vst v63  }
0x63: {  	_ =	swait.ge [sflag:s30], $0x1F40  }
0x64: {  	[sflag:s30] =	ssyncset.done $0x0  }
0x65: {  	s20 =	sadd.s32 $0x380, s20;
	[sflag:s30] =	ssyncadd.s32 $0xFFFFE0C0  }
0x66: {  	[tilespmem:s21], [sflag:$0x4] =	stream.indirect.gather [hbm4b:s8+s14], $0x40, s20, s14, $0xb8;
	[tilespmem:$0x1BD00] =	vst v63  }
0x67: {  	_ =	swait.ge [sflag:s22], $0x1F40  }
0x68: {  	[sflag:s22] =	ssyncset.done $0x0  }
0x69: {  	s18 =	simm.s32 $0x9E00;
	[sflag:s22] =	ssyncadd.s32 $0xFFFFE0C0  }
0x6a: {  	[spmem:s2] =	stream.indirect.scatter.add.f32 [tilespmem:s15], [sflag:$0x5], $0x40, s18, s14, $0xb8;
	[tilespmem:$0x1BD00] =	vst v63  }
0x6b: {  	_ =	swait.ge [sflag:s23], $0x1F40  }
0x6c: {  	[sflag:s23] =	ssyncset.done $0x0  }
0x6d: {  	[sflag:s23] =	ssyncadd.s32 $0xFFFFE0C0  }
0x6e: {  	[spmem:s2] =	stream.indirect.scatter.add.f32 [tilespmem:s17], [sflag:$0x6], $0x40, s1, s14, $0xb8;
	[tilespmem:$0x1BD00] =	vst v63  }
0x6f: {  	_ =	swait.ge [sflag:s24], $0x1F40  }
0x70: {  	[sflag:s24] =	ssyncset.done $0x0  }
0x71: {  	[sflag:s24] =	ssyncadd.s32 $0xFFFFE0C0  }
0x72: {  	[spmem:s2] =	stream.indirect.scatter.add.f32 [tilespmem:s19], [sflag:$0x7], $0x40, s0, s14, $0xb8;
	[tilespmem:$0x1BD00] =	vst v63  }
0x73: {  	_ =	swait.ge [sflag:s25], $0x1F40  }
0x74: {  	[sflag:s25] =	ssyncset.done $0x0  }
0x75: {  	[sflag:s25] =	ssyncadd.s32 $0xFFFFE0C0  }
0x76: {  	[spmem:s2] =	stream.indirect.scatter.add.f32 [tilespmem:s21], [sflag:$0x8], $0x40, s13, s14, $0xb8;
	[tilespmem:$0x1BD00] =	vst v63  }
0x77: {  	_ =	swait.ge [sflag:s26], $0x1F40  }
0x78: {  	[sflag:s26] =	ssyncset.done $0x0  }
0x79: {  	[sflag:s26] =	ssyncadd.s32 $0xFFFFE0C0  }
0x7a: {  	_ =	swait.ge [sflag:s28], $0x1F40  }
0x7b: {  	[sflag:s28] =	ssyncset.done $0x0  }
0x7c: {  	[sflag:s28] =	ssyncadd.s32 $0xFFFFE0C0  }
0x7d: {  	_ =	swait.ge [sflag:s29], $0x1F40  }
0x7e: {  	[sflag:s29] =	ssyncset.done $0x0  }
0x7f: {  	[sflag:s29] =	ssyncadd.s32 $0xFFFFE0C0  }
0x80: {  	_ =	swait.ge [sflag:s30], $0x1F40  }
0x81: {  	s16 =	sadd.s32 $0x1, s16;
	[sflag:s30] =	ssyncset.done $0x0  }
0x82: {  	p0 =	sne.s32 s16, s10;
	[sflag:s30] =	ssyncadd.s32 $0xFFFFE0C0  }
.Ltmp1:
0x83: {  	[bflag:$0x0] =	sbarrier.arrive $0xFFFF;
	(pc) =	sbr.rel @p0 .LBB2_1-.Ltmp1, $4  }
0x84: {  	[hbm:s9], [sflag:s5] =	dma.local [spmem:s11], $0x1400  }
0x85: {  	_ =	swait.ge [sflag:s12], $0x1400  }
0x86: {  	[sflag:s12] =	ssyncset.done $0x0  }
0x87: {  	[sflag:s12] =	ssyncadd.s32 $0xFFFFEC00  }
0x88: {  	_ =	sfence.sel $0x180000  }
0x89: {  	[bflag:$0x0] =	sbarrier.arrive $0xFFFF  }
0x8a: {  	_ =	strace $0x90000047  }
0x8b: {  	s0 =	stileid.u32;
	[bflag:$0x2] =	sbarrier.arrive $0xFFFF  }
0x8c: {  	p0 =	sne.s32 s0, $0x0;
	s0 =	rddreg [dreg:$0x3]  }
0x8d: {  	s0 =	sadd.s32 @!p0 $0x100000, s0  }
0x8e: {  	[sflag:s0] =	ssyncadd.tile.s32 @!p0 $0x1;
	_ =	shalt  }
.Lfunc_end2:
_tile_overlayer_lowered:
.L_overlay_start_2:
0x8f: {  	(tag) =	ssettag $0x2  }
0x90: {  	s0 =	rddreg [dreg:$0x0];
	s2 =	stileid.u32  }
0x91: {  	s1 =	rddreg [dreg:$0x1];
	p0 =	sne.s32 s2, $0x0  }
0x92: {  	s3 =	rddreg [dreg:$0x2];
	[bflag:$0x3] =	sbarrier.arrive $0xFFFF;
	s2 =	simm.s32 @!p0 $0x1C09  }
0x93: {  	[timem:s3], [sflag:s2] =	dma.local @!p0 [hbm:s0], s1  }
0x94: {  	s0 =	simm.s32 @!p0 $0x9  }
0x95: {  	_ =	swait.ge @!p0 [sflag:s0], s1  }
0x96: {  	s1 =	ssub.s32 @!p0 $0x0, s1;
	[sflag:s0] =	ssyncset.done @!p0 $0x0  }
0x97: {  	[sflag:s0] =	ssyncadd.s32 @!p0 s1  }
0x98: {  	[bflag:$0x3] =	sbarrier.arrive $0xFFFF  }
0x99: {  	_ =	shalt  }

// kernel: kernel.13.cloned.1.call-start
scs
__scs_entry_jumppad:
0x0: {  	(pc) =	sbr.rel $0x88, $3  }
0x1: {  	(tag) =	ssettag $0x0;
	lr =	simm.s32 $0x1  }
0x2: {  	[smem:$0x3F92] =	sst lr;
	_ =	strace $0xD0000000  }
0x3: {  	_ = 	snop  }
0x4: {  	_ = 	snop  }
0x5: {  	_ = 	snop  }
0x6: {  	_ = 	snop  }
0x7: {  	_ = 	snop  }
__scs_overlays_trampoline_lowered:
0x8: {  	[smem:$0x3FA1] =	sst s0  }
0x9: {  	[smem:$0x3FA2] =	sst s1  }
0xa: {  	[smem:$0x3FA3] =	sst s2  }
0xb: {  	[smem:$0x3FA4] =	sst s3  }
0xc: {  	[smem:$0x3FA5] =	sst s4  }
0xd: {  	[smem:$0x3FA6] =	sst s5  }
0xe: {  	[smem:$0x3FA7] =	sst s6  }
0xf: {  	[smem:$0x3FA8] =	sst s7  }
0x10: {  	[smem:$0x3FA9] =	sst s8  }
0x11: {  	[smem:$0x3FAA] =	sst s9;
	s0 =	simm.s32 @!p0 $0x0  }
0x12: {  	s1 =	sld [smem:$0x3F90];
	s0 =	simm.s32 @p0 $0x1  }
0x13: {  	[smem:$0x3FAB] =	sst s0;
	s0 =	simm.s32 @!p1 $0x0  }
0x14: {  	s2 =	sld [smem:$0x3F8F];
	s0 =	simm.s32 @p1 $0x1  }
0x15: {  	[smem:$0x3FAC] =	sst s0;
	s0 =	simm.s32 @!p2 $0x0  }
0x16: {  	s3 =	sld [smem:$0x3FDB];
	s0 =	simm.s32 @p2 $0x1  }
0x17: {  	s4 =	simm.s32 $0x1BF5;
	[smem:$0x3FAE] =	sst s0  }
0x18: {  	s0 =	sld [smem:$0x3F91];
	_ =	swait.ge [sflag:s4], $0x0  }
0x19: {  	s7 =	sld [smem:$0x3F92]  }
0x1a: {  	s8 =	sadd.s32 $0xFFFFE003, lr  }
0x1b: {  	s9 =	sadd.s32 $0xFFFFFEF7, lr;
	s5 =	simm.s32 $0xFFFFFFFF;
	p2 =	slt.u32 s8, $0xFFFFF086  }
0x1c: {  	p1 =	slt.u32 s9, $0xF7A;
	s5 =	simm.s32 @!p2 $0x0  }
0x1d: {  	s5 =	simm.s32 @p1 $0x1;
	p0 =	seq.s32 s7, s2  }
0x1e: {  	s7 =	smul.u32 @!p0 $0xF7A, s2;
	p2 =	seq.s32 @!p0 s5, $0x0  }
0x1f: {  	s9 =	smul.u32 $0xF7A, s1;
	s8 =	simm.s32 @!p0 $0x1BF5;
	p2 =	por !p2, p0  }
0x20: {  	[sflag:s8] =	ssyncset.s32 @!p0 $0xFFFFF086;
	s6 =	sadd.s32 @!p0 s3, s7;
	s7 =	simm.s32 @!p0 $0x108  }
0x21: {  	s3 =	sadd.s32 s3, s9;
	s6 =	sadd.s32 @!p0 $0x88, s6;
	s7 =	simm.s32 @p2 $0x1082  }
0x22: {  	[simem:s7], [sflag:s8] =	dma.local @!p0 [hbm:s6], $0xF7A  }
0x23: {  	s9 =	sor.u32 $0xD0000000, s2;
	s6 =	simm.s32 $0x108;
	_ =	swait.ge @!p0 [sflag:s8], $0x0  }
0x24: {  	s3 =	sadd.s32 $0x88, s3;
	s6 =	simm.s32 @!p1 $0x1082;
	[sflag:s4] =	ssyncset.s32 $0xFFFFF086  }
0x25: {  	[simem:s6], [sflag:s4] =	dma.local [hbm:s3], $0xF7A  }
0x26: {  	[smem:$0x3F92] =	sst s1;
	(tag) =	ssettag s2;
	_ =	strace s9  }
0x27: {  	s1 =	sld [smem:$0x3FA2]  }
0x28: {  	s2 =	sld [smem:$0x3FA3]  }
0x29: {  	s4 =	sld [smem:$0x3FA5]  }
0x2a: {  	p0 =	seq.s32 s5, $0x0;
	s5 =	sld [smem:$0x3FA6]  }
0x2b: {  	s6 =	sld [smem:$0x3FA7]  }
0x2c: {  	s7 =	sld [smem:$0x3FA8]  }
0x2d: {  	s3 =	simm.s32 $0x108;
	s8 =	sld [smem:$0x3FA9]  }
0x2e: {  	s3 =	simm.s32 @!p0 $0x1082;
	s9 =	sld [smem:$0x3FAA]  }
0x2f: {  	lr =	sadd.s32 s0, s3;
	s0 =	sld [smem:$0x3FA1]  }
0x30: {  	s3 =	sld [smem:$0x3FA4]  }
0x31: {  	[smem:$0x3FAD] =	sst s10  }
0x32: {  	s10 =	sld [smem:$0x3FAB];
	_ =	sdelay $0x3  }
0x33: {  	p0 =	seq.s32 s10, $0x1;
	s10 =	sld [smem:$0x3FAD];
	_ =	sdelay $0x3  }
0x34: {  	[smem:$0x3FAD] =	sst s10  }
0x35: {  	s10 =	sld [smem:$0x3FAC];
	_ =	sdelay $0x3  }
0x36: {  	p1 =	seq.s32 s10, $0x1;
	s10 =	sld [smem:$0x3FAD];
	_ =	sdelay $0x3  }
0x37: {  	[smem:$0x3FAD] =	sst s10  }
0x38: {  	s10 =	sld [smem:$0x3FAE]  }
0x39: {  	_ = 	snop;
	(pc) =	sbr.ind lr, $3  }
0x3a: {  	_ = 	snop  }
0x3b: {  	_ = 	snop  }
0x3c: {  	p2 =	seq.s32 s10, $0x1;
	s10 =	sld [smem:$0x3FAD]  }
0x3d: {  	_ =	shalt  }
0x3e: {  	_ =	shalt  }
0x3f: {  	_ =	shalt  }
0x40: {  	_ =	shalt  }
0x41: {  	_ =	shalt  }
0x42: {  	_ =	shalt  }
0x43: {  	_ =	shalt  }
0x44: {  	_ =	shalt  }
0x45: {  	_ =	shalt  }
0x46: {  	_ =	shalt  }
0x47: {  	_ =	shalt  }
0x48: {  	_ =	shalt  }
0x49: {  	_ =	shalt  }
0x4a: {  	_ =	shalt  }
0x4b: {  	_ =	shalt  }
0x4c: {  	_ =	shalt  }
0x4d: {  	_ =	shalt  }
0x4e: {  	_ =	shalt  }
0x4f: {  	_ =	shalt  }
0x50: {  	_ =	shalt  }
0x51: {  	_ =	shalt  }
0x52: {  	_ =	shalt  }
0x53: {  	_ =	shalt  }
0x54: {  	_ =	shalt  }
0x55: {  	_ =	shalt  }
0x56: {  	_ =	shalt  }
0x57: {  	_ =	shalt  }
0x58: {  	_ =	shalt  }
0x59: {  	_ =	shalt  }
0x5a: {  	_ =	shalt  }
0x5b: {  	_ =	shalt  }
0x5c: {  	_ =	shalt  }
0x5d: {  	_ =	shalt  }
0x5e: {  	_ =	shalt  }
0x5f: {  	_ =	shalt  }
0x60: {  	_ =	shalt  }
0x61: {  	_ =	shalt  }
0x62: {  	_ =	shalt  }
0x63: {  	_ =	shalt  }
0x64: {  	_ =	shalt  }
0x65: {  	_ =	shalt  }
0x66: {  	_ =	shalt  }
0x67: {  	_ =	shalt  }
0x68: {  	_ =	shalt  }
0x69: {  	_ =	shalt  }
0x6a: {  	_ =	shalt  }
0x6b: {  	_ =	shalt  }
0x6c: {  	_ =	shalt  }
0x6d: {  	_ =	shalt  }
0x6e: {  	_ =	shalt  }
0x6f: {  	_ =	shalt  }
0x70: {  	_ =	shalt  }
0x71: {  	_ =	shalt  }
0x72: {  	_ =	shalt  }
0x73: {  	_ =	shalt  }
0x74: {  	_ =	shalt  }
0x75: {  	_ =	shalt  }
0x76: {  	_ =	shalt  }
0x77: {  	_ =	shalt  }
0x78: {  	_ =	shalt  }
0x79: {  	_ =	shalt  }
0x7a: {  	_ =	shalt  }
0x7b: {  	_ =	shalt  }
0x7c: {  	_ =	shalt  }
0x7d: {  	_ =	shalt  }
0x7e: {  	_ =	shalt  }
0x7f: {  	_ =	shalt  }
0x80: {  	_ =	shalt  }
0x81: {  	_ =	shalt  }
0x82: {  	_ =	shalt  }
0x83: {  	_ =	shalt  }
0x84: {  	_ =	shalt  }
0x85: {  	_ =	shalt  }
0x86: {  	_ =	shalt  }
0x87: {  	_ =	shalt  }
.Lfunc_end0:
.L_simem_size_0:
called_computation.2_lowered:
.L_overlay_start_0:
0x88: {  	s2 =	sld [smem:$0x3FD9]  }
0x89: {  	s3 =	sld [smem:$0x3FFE];
	_ =	sdelay $0x1  }
0x8a: {  	s1 =	srdreg.scid  }
0x8b: {  	s0 =	sand.u32 $0x1, s1  }
0x8c: {  	s17 =	sshll.u32 s0, $0xA;
	s2 =	sadd.s32 s3, s2  }
0x8d: {  	s2 =	sadd.s32 s2, s17  }
0x8e: {  	[smem:$0x3FB9] =	sst s2  }
0x8f: {  	_ = 	snop  }
0x90: {  	s2 =	sld [smem:$0x3FD0];
	(tm) =	ssettm $0x1  }
0x91: {  	s18 =	sld [smem:$0x3FFB];
	_ =	sdelay $0x3  }
0x92: {  	_ =	strace s18  }
0x93: {  	s3 =	sld [smem:$0x3FFC];
	_ =	sdelay $0x3  }
0x94: {  	_ =	strace s3  }
0x95: {  	s3 =	sld [smem:$0x3FFD];
	_ =	sdelay $0x3  }
0x96: {  	_ =	strace s3  }
0x97: {  	_ =	strace $0x8FFFFFFF  }
0x98: {  	s19 =	sld [smem:$0x3FDB];
	_ =	sdelay $0x1  }
0x99: {  	s4 =	simm.s32 $_scs_section_size  }
0x9a: {  	s5 =	simm.s32 $_size__tile_overlayer_lowered;
	s6 =	simm.s32 $_tile_overlayer_lowered  }
0x9b: {  	s22 =	simm.s32 $0x1BFF;
	s21 =	sshll.u32 s6, $0x1;
	s3 =	sadd.s32 s4, s19  }
0x9c: {  	s7 =	simm.s32 $0x0;
	s20 =	sshll.u32 s5, $0x1;
	s5 =	sadd.s32 s21, s3  }
0x9d: {  	[timem:s7], [sflag:s22] =	dma.local [hbm:s5], s20  }
0x9e: {  	_ =	swait.ge [sflag:s22], s20  }
0x9f: {  	s4 =	ssub.s32 $0x0, s20;
	[sflag:s22] =	ssyncset.done $0x0  }
0xa0: {  	[sflag:s22] =	ssyncadd.s32 s4;
	_ =	sdelay $0x1  }
0xa1: {  	s23 =	simm.s32 $0x1B8B  }
0xa2: {  	_ =	swait.ge [sflag:s23], $0x1  }
0xa3: {  	[sflag:s23] =	ssyncset.done $0x0  }
0xa4: {  	s25 =	simm.s32 $0x1B8E;
	s24 =	sld [smem:$0x3FFE];
	[sflag:s23] =	ssyncadd.s32 $0xFFFFFFFF  }
0xa5: {  	s26 =	simm.s32 $execute0_lowered;
	[smem:$0x3FD2] =	sst s25  }
0xa6: {  	s5 =	sshll.u32 s26, $0x1;
	_ =	strace $0x8000004C;
	[dreg:$0x1] =	wrdreg $0xFFFFFFFF  }
0xa7: {  	s28 =	simm.s32 $_size_execute0_lowered;
	s3 =	sadd.s32 s3, s5;
	[dreg:$0x0] =	wrdreg $0x0  }
0xa8: {  	s5 =	sshll.u32 s28, $0x1;
	[dreg:$0x2] =	wrdreg s3  }
0xa9: {  	[dreg:$0x3] =	wrdreg s5  }
0xaa: {  	[dreg:$0x4] =	wrdreg $0xC0  }
0xab: {  	_ =	task [dreg:s7], $0x5FFFF  }
0xac: {  	[dreg:$0x1] =	wrdreg $0xFFFFFFFF  }
0xad: {  	[dreg:$0x0] =	wrdreg $0x60  }
0xae: {  	[dreg:$0x2] =	wrdreg s2  }
0xaf: {  	[dreg:$0x3] =	wrdreg s24  }
0xb0: {  	[dreg:$0x4] =	wrdreg $0x11D000  }
0xb1: {  	[dreg:$0x5] =	wrdreg $0x9  }
0xb2: {  	_ =	task.clear_ibuf [dreg:s7], $0x6FFFF;
	_ =	strace $0x9000004C  }
0xb3: {  	s29 =	simm.s32 $0x9;
	_ =	strace $0x8000004E  }
0xb4: {  	_ =	swait.ge [sflag:s29], $0x1  }
0xb5: {  	[sflag:s29] =	ssyncadd.s32 $0xFFFFFFFF  }
0xb6: {  	_ =	strace $0x9000004E  }
0xb7: {  	_ =	sfence  }
0xb8: {  	s30 =	sld [smem:$0x0];
	_ =	sdelay $0x2  }
0xb9: {  	s31 =	sshll.u32 s1, $0xD;
	s1 =	sshrl.u32 s1, $0x2  }
0xba: {  	s3 =	sand.u32 $0x4000, s31;
	s1 =	sadd.s32 s1, s30  }
0xbb: {  	s0 =	sor.u32 s3, s0;
	s1 =	sshll.u32 s1, $0x11  }
0xbc: {  	s0 =	sor.u32 s1, s0  }
0xbd: {  	s0 =	sadd.s32 $0x8F2B, s0  }
0xbe: {  	[sflag:s0] =	ssyncadd.remote.s32 $0x1  }
0xbf: {  	_ =	sfence.sel $0xFFFF  }
0xc0: {  	[dreg:$0x0] =	wrdreg $0xFFFFFFFF;
	(pc) =	sbr.abs _section_cstart, $3  }
0xc1: {  	[dreg:$0x1] =	wrdreg $0xFFFFFFFF  }
0xc2: {  	_ =	task.clear_ibuf [dreg:s7], $0x2FFFF;
	_ =	strace $0x9FFFFFFF  }
0xc3: {  	(tm) =	ssettm $0x7FFFFFFF  }
tec
execute0_lowered:
.L_overlay_start_1:
0x0: {  	(tag) =	ssettag $0x1  }
0x1: {  	s0 =	rddreg [dreg:$0x0]  }
0x2: {  	s1 =	rddreg [dreg:$0x1];
	s12 =	stileid.u32  }
0x3: {  	s3 =	srdreg.scid;
	s2 =	rddreg [dreg:$0x2];
	s14 =	simm.s32 $0x7D  }
0x4: {  	s15 =	simm.s32 $0xA000;
	s17 =	simm.s32 $0xBF40;
	s19 =	simm.s32 $0xDE80  }
0x5: {  	s21 =	simm.s32 $0xFDC0;
	s22 =	simm.s32 $0x1;
	s23 =	simm.s32 $0x2  }
0x6: {  	s24 =	simm.s32 $0x3;
	s25 =	simm.s32 $0x4;
	s28 =	simm.s32 $0x6  }
0x7: {  	s29 =	simm.s32 $0x7;
	s30 =	simm.s32 $0x8;
	s13 =	simm.s32 $0x9F80  }
0x8: {  	s16 =	simm.s32 $0x0;
	s5 =	sand.u32 $0x1, s3;
	s6 =	smul.u32 $0xA000, s12  }
0x9: {  	s3 =	simm.s32 $0x0;
	s7 =	smul.u32 $0xA00, s12;
	s26 =	sshll.u32 s12, $0x6  }
0xa: {  	s12 =	simm.s32 $0x9;
	s4 =	smul.u32 $0xA0000, s5;
	[smem:$0x7FF] =	sst s3  }
0xb: {  	s8 =	ssub.s32 $0x2, s5;
	s31 =	smul.u32 $0x13880, s5;
	s5 =	sor.u32 $0x1C09, s26  }
0xc: {  	s26 =	simm.s32 $0x5;
	_ =	strace $0x8000004D;
	s7 =	sadd.s32 s7, s1  }
0xd: {  	s10 =	sshrl.u32 s8, $0x1;
	s11 =	sadd.s32 s6, s2;
	s4 =	sadd.s32 s6, s4  }
0xe: {  	s10 =	ssub.s32 s8, s10;
	s6 =	sadd.s32 $0xD200, s7;
	s7 =	sadd.s32 $0x3200, s7  }
0xf: {  	s8 =	sadd.s32 s0, s31;
	s11 =	sshrl.u32 s11, $0x3;
	s9 =	sshrl.u32 s4, $0x3  }
0x10: {  	s0 =	simm.s32 $0x9F00;
	s4 =	sadd.s32 $0x17200, s1;
	s1 =	sadd.s32 s9, s1  }
0x11: {  	s10 =	smax.u32 s10, $0x1;
	s9 =	sadd.s32 $0x18600, s1;
	s1 =	simm.s32 $0x9E80  }
.LBB2_1:
0x12: {  	[spmem:s11], [sflag:s5] =	dma.local [hbm:s4], $0x1400  }
0x13: {  	_ =	swait.ge [sflag:s12], $0x1400  }
0x14: {  	[sflag:s12] =	ssyncset.done $0x0  }
0x15: {  	[sflag:s12] =	ssyncadd.s32 $0xFFFFEC00  }
0x16: {  	[tilespmem:s3], [sflag:$0x9] =	stream.linear.gather [hbm4b:s6+s3], $0x5000, $0x38;
	[tilespmem:$0x1BD00] =	vst v63  }
0x17: {  	_ =	swait.ge [sflag:s12], $0x5000  }
0x18: {  	[sflag:s12] =	ssyncset.done $0x0  }
0x19: {  	s18 =	simm.s32 $0x5000;
	[sflag:s12] =	ssyncadd.s32 $0xFFFFB000  }
0x1a: {  	[tilespmem:s18], [sflag:$0x9] =	stream.linear.gather [hbm4b:s7+s3], $0x5000, $0x38;
	[tilespmem:$0x1BD00] =	vst v63  }
0x1b: {  	_ =	swait.ge [sflag:s12], $0x5000  }
0x1c: {  	[sflag:s12] =	ssyncset.done $0x0  }
0x1d: {  	[sflag:s12] =	ssyncadd.s32 $0xFFFFB000  }
0x1e: {  	[bflag:$0x0] =	sbarrier.arrive $0xFFFF  }
0x1f: {  	[tilespmem:s15], [sflag:$0x1] =	stream.indirect.gather [hbm4b:s8+s14], $0x40, s3, s14, $0xb8;
	[tilespmem:$0x1BD00] =	vst v63  }
0x20: {  	s20 =	simm.s32 $0x80  }
0x21: {  	[tilespmem:s17], [sflag:$0x2] =	stream.indirect.gather [hbm4b:s8+s14], $0x40, s20, s14, $0xb8;
	[tilespmem:$0x1BD00] =	vst v63  }
0x22: {  	s31 =	simm.s32 $0x100  }
0x23: {  	[tilespmem:s19], [sflag:$0x3] =	stream.indirect.gather [hbm4b:s8+s14], $0x40, s31, s14, $0xb8;
	[tilespmem:$0x1BD00] =	vst v63  }
0x24: {  	s20 =	simm.s32 $0x180  }
0x25: {  	[tilespmem:s21], [sflag:$0x4] =	stream.indirect.gather [hbm4b:s8+s14], $0x40, s20, s14, $0xb8;
	[tilespmem:$0x1BD00] =	vst v63  }
0x26: {  	_ =	swait.ge [sflag:s22], $0x1F40  }
0x27: {  	[sflag:s22] =	ssyncset.done $0x0  }
0x28: {  	s31 =	simm.s32 $0x5000;
	[sflag:s22] =	ssyncadd.s32 $0xFFFFE0C0  }
0x29: {  	[spmem:s2] =	stream.indirect.scatter.add.f32 [tilespmem:s15], [sflag:$0x5], $0x40, s31, s14, $0xb8;
	[tilespmem:$0x1BD00] =	vst v63  }
0x2a: {  	_ =	swait.ge [sflag:s23], $0x1F40  }
0x2b: {  	[sflag:s23] =	ssyncset.done $0x0  }
0x2c: {  	s20 =	simm.s32 $0x5080;
	[sflag:s23] =	ssyncadd.s32 $0xFFFFE0C0  }
0x2d: {  	[spmem:s2] =	stream.indirect.scatter.add.f32 [tilespmem:s17], [sflag:$0x6], $0x40, s20, s14, $0xb8;
	[tilespmem:$0x1BD00] =	vst v63  }
0x2e: {  	_ =	swait.ge [sflag:s24], $0x1F40  }
0x2f: {  	[sflag:s24] =	ssyncset.done $0x0  }
0x30: {  	s31 =	simm.s32 $0x5100;
	[sflag:s24] =	ssyncadd.s32 $0xFFFFE0C0  }
0x31: {  	[spmem:s2] =	stream.indirect.scatter.add.f32 [tilespmem:s19], [sflag:$0x7], $0x40, s31, s14, $0xb8;
	[tilespmem:$0x1BD00] =	vst v63  }
0x32: {  	_ =	swait.ge [sflag:s25], $0x1F40  }
0x33: {  	[sflag:s25] =	ssyncset.done $0x0  }
0x34: {  	s20 =	simm.s32 $0x5180;
	[sflag:s25] =	ssyncadd.s32 $0xFFFFE0C0  }
0x35: {  	[spmem:s2] =	stream.indirect.scatter.add.f32 [tilespmem:s21], [sflag:$0x8], $0x40, s20, s14, $0xb8;
	[tilespmem:$0x1BD00] =	vst v63  }
0x36: {  	_ =	swait.ge [sflag:s26], $0x1F40  }
0x37: {  	[sflag:s26] =	ssyncset.done $0x0  }
0x38: {  	s31 =	simm.s32 $0x200;
	[sflag:s26] =	ssyncadd.s32 $0xFFFFE0C0  }
0x39: {  	[tilespmem:s15], [sflag:$0x1] =	stream.indirect.gather [hbm4b:s8+s14], $0x40, s31, s14, $0xb8;
	[tilespmem:$0x1BD00] =	vst v63  }
0x3a: {  	_ =	swait.ge [sflag:s28], $0x1F40  }
0x3b: {  	[sflag:s28] =	ssyncset.done $0x0  }
0x3c: {  	s20 =	simm.s32 $0x280;
	[sflag:s28] =	ssyncadd.s32 $0xFFFFE0C0  }
0x3d: {  	[tilespmem:s17], [sflag:$0x2] =	stream.indirect.gather [hbm4b:s8+s14], $0x40, s20, s14, $0xb8;
	[tilespmem:$0x1BD00] =	vst v63  }
0x3e: {  	_ =	swait.ge [sflag:s29], $0x1F40  }
0x3f: {  	[sflag:s29] =	ssyncset.done $0x0  }
0x40: {  	s31 =	simm.s32 $0x300;
	[sflag:s29] =	ssyncadd.s32 $0xFFFFE0C0  }
0x41: {  	[tilespmem:s19], [sflag:$0x3] =	stream.indirect.gather [hbm4b:s8+s14], $0x40, s31, s14, $0xb8;
	[tilespmem:$0x1BD00] =	vst v63  }
0x42: {  	_ =	swait.ge [sflag:s30], $0x1F40  }
0x43: {  	[sflag:s30] =	ssyncset.done $0x0  }
0x44: {  	s18 =	simm.s32 $0x800;
	s20 =	simm.s32 $0x380;
	[sflag:s30] =	ssyncadd.s32 $0xFFFFE0C0  }
.LBB2_2:
0x45: {  	[tilespmem:s21], [sflag:$0x4] =	stream.indirect.gather [hbm4b:s8+s14], $0x40, s20, s14, $0xb8;
	[tilespmem:$0x1BD00] =	vst v63  }
0x46: {  	s20 =	smov.u32 s18  }
0x47: {  	p0 =	sne.s32 s18, $0x13000;
	s18 =	sadd.s32 $0x800, s18;
	_ =	swait.ge [sflag:s22], $0x1F40  }
0x48: {  	s20 =	sshra.s32 s20, $0x2;
	[sflag:s22] =	ssyncset.done $0x0  }
0x49: {  	s31 =	sadd.s32 $0x5000, s20;
	[sflag:s22] =	ssyncadd.s32 $0xFFFFE0C0  }
0x4a: {  	[spmem:s2] =	stream.indirect.scatter.add.f32 [tilespmem:s15], [sflag:$0x5], $0x40, s31, s14, $0xb8;
	[tilespmem:$0x1BD00] =	vst v63  }
0x4b: {  	_ =	swait.ge [sflag:s23], $0x1F40  }
0x4c: {  	[sflag:s23] =	ssyncset.done $0x0  }
0x4d: {  	s31 =	sadd.s32 $0x5080, s20;
	[sflag:s23] =	ssyncadd.s32 $0xFFFFE0C0  }
0x4e: {  	[spmem:s2] =	stream.indirect.scatter.add.f32 [tilespmem:s17], [sflag:$0x6], $0x40, s31, s14, $0xb8;
	[tilespmem:$0x1BD00] =	vst v63  }
0x4f: {  	_ =	swait.ge [sflag:s24], $0x1F40  }
0x50: {  	[sflag:s24] =	ssyncset.done $0x0  }
0x51: {  	s31 =	sadd.s32 $0x5100, s20;
	[sflag:s24] =	ssyncadd.s32 $0xFFFFE0C0  }
0x52: {  	[spmem:s2] =	stream.indirect.scatter.add.f32 [tilespmem:s19], [sflag:$0x7], $0x40, s31, s14, $0xb8;
	[tilespmem:$0x1BD00] =	vst v63  }
0x53: {  	_ =	swait.ge [sflag:s25], $0x1F40  }
0x54: {  	[sflag:s25] =	ssyncset.done $0x0  }
0x55: {  	s31 =	sadd.s32 $0x5180, s20;
	[sflag:s25] =	ssyncadd.s32 $0xFFFFE0C0  }
0x56: {  	[spmem:s2] =	stream.indirect.scatter.add.f32 [tilespmem:s21], [sflag:$0x8], $0x40, s31, s14, $0xb8;
	[tilespmem:$0x1BD00] =	vst v63  }
0x57: {  	_ =	swait.ge [sflag:s26], $0x1F40  }
0x58: {  	[sflag:s26] =	ssyncset.done $0x0  }
0x59: {  	s31 =	sadd.s32 $0x200, s20;
	[sflag:s26] =	ssyncadd.s32 $0xFFFFE0C0  }
0x5a: {  	[tilespmem:s15], [sflag:$0x1] =	stream.indirect.gather [hbm4b:s8+s14], $0x40, s31, s14, $0xb8;
	[tilespmem:$0x1BD00] =	vst v63  }
0x5b: {  	_ =	swait.ge [sflag:s28], $0x1F40  }
0x5c: {  	[sflag:s28] =	ssyncset.done $0x0  }
0x5d: {  	s31 =	sadd.s32 $0x280, s20;
	[sflag:s28] =	ssyncadd.s32 $0xFFFFE0C0  }
0x5e: {  	[tilespmem:s17], [sflag:$0x2] =	stream.indirect.gather [hbm4b:s8+s14], $0x40, s31, s14, $0xb8;
	[tilespmem:$0x1BD00] =	vst v63  }
0x5f: {  	_ =	swait.ge [sflag:s29], $0x1F40  }
0x60: {  	[sflag:s29] =	ssyncset.done $0x0  }
.Ltmp0:
0x61: {  	s31 =	sadd.s32 $0x300, s20;
	[sflag:s29] =	ssyncadd.s32 $0xFFFFE0C0;
	(pc) =	sbr.rel @p0 .LBB2_2-.Ltmp0, $4  }
0x62: {  	[tilespmem:s19], [sflag:$0x3] =	stream.indirect.gather [hbm4b:s8+s14], $0x40, s31, s14, $0xb8;
	[tilespmem:$0x1BD00] =	vst v63  }
0x63: {  	_ =	swait.ge [sflag:s30], $0x1F40  }
0x64: {  	[sflag:s30] =	ssyncset.done $0x0  }
0x65: {  	s20 =	sadd.s32 $0x380, s20;
	[sflag:s30] =	ssyncadd.s32 $0xFFFFE0C0  }
0x66: {  	[tilespmem:s21], [sflag:$0x4] =	stream.indirect.gather [hbm4b:s8+s14], $0x40, s20, s14, $0xb8;
	[tilespmem:$0x1BD00] =	vst v63  }
0x67: {  	_ =	swait.ge [sflag:s22], $0x1F40  }
0x68: {  	[sflag:s22] =	ssyncset.done $0x0  }
0x69: {  	s18 =	simm.s32 $0x9E00;
	[sflag:s22] =	ssyncadd.s32 $0xFFFFE0C0  }
0x6a: {  	[spmem:s2] =	stream.indirect.scatter.add.f32 [tilespmem:s15], [sflag:$0x5], $0x40, s18, s14, $0xb8;
	[tilespmem:$0x1BD00] =	vst v63  }
0x6b: {  	_ =	swait.ge [sflag:s23], $0x1F40  }
0x6c: {  	[sflag:s23] =	ssyncset.done $0x0  }
0x6d: {  	[sflag:s23] =	ssyncadd.s32 $0xFFFFE0C0  }
0x6e: {  	[spmem:s2] =	stream.indirect.scatter.add.f32 [tilespmem:s17], [sflag:$0x6], $0x40, s1, s14, $0xb8;
	[tilespmem:$0x1BD00] =	vst v63  }
0x6f: {  	_ =	swait.ge [sflag:s24], $0x1F40  }
0x70: {  	[sflag:s24] =	ssyncset.done $0x0  }
0x71: {  	[sflag:s24] =	ssyncadd.s32 $0xFFFFE0C0  }
0x72: {  	[spmem:s2] =	stream.indirect.scatter.add.f32 [tilespmem:s19], [sflag:$0x7], $0x40, s0, s14, $0xb8;
	[tilespmem:$0x1BD00] =	vst v63  }
0x73: {  	_ =	swait.ge [sflag:s25], $0x1F40  }
0x74: {  	[sflag:s25] =	ssyncset.done $0x0  }
0x75: {  	[sflag:s25] =	ssyncadd.s32 $0xFFFFE0C0  }
0x76: {  	[spmem:s2] =	stream.indirect.scatter.add.f32 [tilespmem:s21], [sflag:$0x8], $0x40, s13, s14, $0xb8;
	[tilespmem:$0x1BD00] =	vst v63  }
0x77: {  	_ =	swait.ge [sflag:s26], $0x1F40  }
0x78: {  	[sflag:s26] =	ssyncset.done $0x0  }
0x79: {  	[sflag:s26] =	ssyncadd.s32 $0xFFFFE0C0  }
0x7a: {  	_ =	swait.ge [sflag:s28], $0x1F40  }
0x7b: {  	[sflag:s28] =	ssyncset.done $0x0  }
0x7c: {  	[sflag:s28] =	ssyncadd.s32 $0xFFFFE0C0  }
0x7d: {  	_ =	swait.ge [sflag:s29], $0x1F40  }
0x7e: {  	[sflag:s29] =	ssyncset.done $0x0  }
0x7f: {  	[sflag:s29] =	ssyncadd.s32 $0xFFFFE0C0  }
0x80: {  	_ =	swait.ge [sflag:s30], $0x1F40  }
0x81: {  	s16 =	sadd.s32 $0x1, s16;
	[sflag:s30] =	ssyncset.done $0x0  }
0x82: {  	p0 =	sne.s32 s16, s10;
	[sflag:s30] =	ssyncadd.s32 $0xFFFFE0C0  }
.Ltmp1:
0x83: {  	[bflag:$0x0] =	sbarrier.arrive $0xFFFF;
	(pc) =	sbr.rel @p0 .LBB2_1-.Ltmp1, $4  }
0x84: {  	[hbm:s9], [sflag:s5] =	dma.local [spmem:s11], $0x1400  }
0x85: {  	_ =	swait.ge [sflag:s12], $0x1400  }
0x86: {  	[sflag:s12] =	ssyncset.done $0x0  }
0x87: {  	[sflag:s12] =	ssyncadd.s32 $0xFFFFEC00  }
0x88: {  	_ =	sfence.sel $0x180000  }
0x89: {  	[bflag:$0x0] =	sbarrier.arrive $0xFFFF  }
0x8a: {  	_ =	strace $0x9000004D  }
0x8b: {  	s0 =	stileid.u32;
	[bflag:$0x2] =	sbarrier.arrive $0xFFFF  }
0x8c: {  	p0 =	sne.s32 s0, $0x0;
	s0 =	rddreg [dreg:$0x3]  }
0x8d: {  	s0 =	sadd.s32 @!p0 $0x100000, s0  }
0x8e: {  	[sflag:s0] =	ssyncadd.tile.s32 @!p0 $0x1;
	_ =	shalt  }
.Lfunc_end2:
_tile_overlayer_lowered:
.L_overlay_start_2:
0x8f: {  	(tag) =	ssettag $0x2  }
0x90: {  	s0 =	rddreg [dreg:$0x0];
	s2 =	stileid.u32  }
0x91: {  	s1 =	rddreg [dreg:$0x1];
	p0 =	sne.s32 s2, $0x0  }
0x92: {  	s3 =	rddreg [dreg:$0x2];
	[bflag:$0x3] =	sbarrier.arrive $0xFFFF;
	s2 =	simm.s32 @!p0 $0x1C09  }
0x93: {  	[timem:s3], [sflag:s2] =	dma.local @!p0 [hbm:s0], s1  }
0x94: {  	s0 =	simm.s32 @!p0 $0x9  }
0x95: {  	_ =	swait.ge @!p0 [sflag:s0], s1  }
0x96: {  	s1 =	ssub.s32 @!p0 $0x0, s1;
	[sflag:s0] =	ssyncset.done @!p0 $0x0  }
0x97: {  	[sflag:s0] =	ssyncadd.s32 @!p0 s1  }
0x98: {  	[bflag:$0x3] =	sbarrier.arrive $0xFFFF  }
0x99: {  	_ =	shalt  }

// kernel: kernel.7.cloned.1.call-start
scs
__scs_entry_jumppad:
0x0: {  	(pc) =	sbr.rel $0x88, $3  }
0x1: {  	(tag) =	ssettag $0x0;
	lr =	simm.s32 $0x1  }
0x2: {  	[smem:$0x3F92] =	sst lr;
	_ =	strace $0xD0000000  }
0x3: {  	_ = 	snop  }
0x4: {  	_ = 	snop  }
0x5: {  	_ = 	snop  }
0x6: {  	_ = 	snop  }
0x7: {  	_ = 	snop  }
__scs_overlays_trampoline_lowered:
0x8: {  	[smem:$0x3FA1] =	sst s0  }
0x9: {  	[smem:$0x3FA2] =	sst s1  }
0xa: {  	[smem:$0x3FA3] =	sst s2  }
0xb: {  	[smem:$0x3FA4] =	sst s3  }
0xc: {  	[smem:$0x3FA5] =	sst s4  }
0xd: {  	[smem:$0x3FA6] =	sst s5  }
0xe: {  	[smem:$0x3FA7] =	sst s6  }
0xf: {  	[smem:$0x3FA8] =	sst s7  }
0x10: {  	[smem:$0x3FA9] =	sst s8  }
0x11: {  	[smem:$0x3FAA] =	sst s9;
	s0 =	simm.s32 @!p0 $0x0  }
0x12: {  	s1 =	sld [smem:$0x3F90];
	s0 =	simm.s32 @p0 $0x1  }
0x13: {  	[smem:$0x3FAB] =	sst s0;
	s0 =	simm.s32 @!p1 $0x0  }
0x14: {  	s2 =	sld [smem:$0x3F8F];
	s0 =	simm.s32 @p1 $0x1  }
0x15: {  	[smem:$0x3FAC] =	sst s0;
	s0 =	simm.s32 @!p2 $0x0  }
0x16: {  	s3 =	sld [smem:$0x3FDB];
	s0 =	simm.s32 @p2 $0x1  }
0x17: {  	s4 =	simm.s32 $0x1BF5;
	[smem:$0x3FAE] =	sst s0  }
0x18: {  	s0 =	sld [smem:$0x3F91];
	_ =	swait.ge [sflag:s4], $0x0  }
0x19: {  	s7 =	sld [smem:$0x3F92]  }
0x1a: {  	s8 =	sadd.s32 $0xFFFFE003, lr  }
0x1b: {  	s9 =	sadd.s32 $0xFFFFFEF7, lr;
	s5 =	simm.s32 $0xFFFFFFFF;
	p2 =	slt.u32 s8, $0xFFFFF086  }
0x1c: {  	p1 =	slt.u32 s9, $0xF7A;
	s5 =	simm.s32 @!p2 $0x0  }
0x1d: {  	s5 =	simm.s32 @p1 $0x1;
	p0 =	seq.s32 s7, s2  }
0x1e: {  	s7 =	smul.u32 @!p0 $0xF7A, s2;
	p2 =	seq.s32 @!p0 s5, $0x0  }
0x1f: {  	s9 =	smul.u32 $0xF7A, s1;
	s8 =	simm.s32 @!p0 $0x1BF5;
	p2 =	por !p2, p0  }
0x20: {  	[sflag:s8] =	ssyncset.s32 @!p0 $0xFFFFF086;
	s6 =	sadd.s32 @!p0 s3, s7;
	s7 =	simm.s32 @!p0 $0x108  }
0x21: {  	s3 =	sadd.s32 s3, s9;
	s6 =	sadd.s32 @!p0 $0x88, s6;
	s7 =	simm.s32 @p2 $0x1082  }
0x22: {  	[simem:s7], [sflag:s8] =	dma.local @!p0 [hbm:s6], $0xF7A  }
0x23: {  	s9 =	sor.u32 $0xD0000000, s2;
	s6 =	simm.s32 $0x108;
	_ =	swait.ge @!p0 [sflag:s8], $0x0  }
0x24: {  	s3 =	sadd.s32 $0x88, s3;
	s6 =	simm.s32 @!p1 $0x1082;
	[sflag:s4] =	ssyncset.s32 $0xFFFFF086  }
0x25: {  	[simem:s6], [sflag:s4] =	dma.local [hbm:s3], $0xF7A  }
0x26: {  	[smem:$0x3F92] =	sst s1;
	(tag) =	ssettag s2;
	_ =	strace s9  }
0x27: {  	s1 =	sld [smem:$0x3FA2]  }
0x28: {  	s2 =	sld [smem:$0x3FA3]  }
0x29: {  	s4 =	sld [smem:$0x3FA5]  }
0x2a: {  	p0 =	seq.s32 s5, $0x0;
	s5 =	sld [smem:$0x3FA6]  }
0x2b: {  	s6 =	sld [smem:$0x3FA7]  }
0x2c: {  	s7 =	sld [smem:$0x3FA8]  }
0x2d: {  	s3 =	simm.s32 $0x108;
	s8 =	sld [smem:$0x3FA9]  }
0x2e: {  	s3 =	simm.s32 @!p0 $0x1082;
	s9 =	sld [smem:$0x3FAA]  }
0x2f: {  	lr =	sadd.s32 s0, s3;
	s0 =	sld [smem:$0x3FA1]  }
0x30: {  	s3 =	sld [smem:$0x3FA4]  }
0x31: {  	[smem:$0x3FAD] =	sst s10  }
0x32: {  	s10 =	sld [smem:$0x3FAB];
	_ =	sdelay $0x3  }
0x33: {  	p0 =	seq.s32 s10, $0x1;
	s10 =	sld [smem:$0x3FAD];
	_ =	sdelay $0x3  }
0x34: {  	[smem:$0x3FAD] =	sst s10  }
0x35: {  	s10 =	sld [smem:$0x3FAC];
	_ =	sdelay $0x3  }
0x36: {  	p1 =	seq.s32 s10, $0x1;
	s10 =	sld [smem:$0x3FAD];
	_ =	sdelay $0x3  }
0x37: {  	[smem:$0x3FAD] =	sst s10  }
0x38: {  	s10 =	sld [smem:$0x3FAE]  }
0x39: {  	_ = 	snop;
	(pc) =	sbr.ind lr, $3  }
0x3a: {  	_ = 	snop  }
0x3b: {  	_ = 	snop  }
0x3c: {  	p2 =	seq.s32 s10, $0x1;
	s10 =	sld [smem:$0x3FAD]  }
0x3d: {  	_ =	shalt  }
0x3e: {  	_ =	shalt  }
0x3f: {  	_ =	shalt  }
0x40: {  	_ =	shalt  }
0x41: {  	_ =	shalt  }
0x42: {  	_ =	shalt  }
0x43: {  	_ =	shalt  }
0x44: {  	_ =	shalt  }
0x45: {  	_ =	shalt  }
0x46: {  	_ =	shalt  }
0x47: {  	_ =	shalt  }
0x48: {  	_ =	shalt  }
0x49: {  	_ =	shalt  }
0x4a: {  	_ =	shalt  }
0x4b: {  	_ =	shalt  }
0x4c: {  	_ =	shalt  }
0x4d: {  	_ =	shalt  }
0x4e: {  	_ =	shalt  }
0x4f: {  	_ =	shalt  }
0x50: {  	_ =	shalt  }
0x51: {  	_ =	shalt  }
0x52: {  	_ =	shalt  }
0x53: {  	_ =	shalt  }
0x54: {  	_ =	shalt  }
0x55: {  	_ =	shalt  }
0x56: {  	_ =	shalt  }
0x57: {  	_ =	shalt  }
0x58: {  	_ =	shalt  }
0x59: {  	_ =	shalt  }
0x5a: {  	_ =	shalt  }
0x5b: {  	_ =	shalt  }
0x5c: {  	_ =	shalt  }
0x5d: {  	_ =	shalt  }
0x5e: {  	_ =	shalt  }
0x5f: {  	_ =	shalt  }
0x60: {  	_ =	shalt  }
0x61: {  	_ =	shalt  }
0x62: {  	_ =	shalt  }
0x63: {  	_ =	shalt  }
0x64: {  	_ =	shalt  }
0x65: {  	_ =	shalt  }
0x66: {  	_ =	shalt  }
0x67: {  	_ =	shalt  }
0x68: {  	_ =	shalt  }
0x69: {  	_ =	shalt  }
0x6a: {  	_ =	shalt  }
0x6b: {  	_ =	shalt  }
0x6c: {  	_ =	shalt  }
0x6d: {  	_ =	shalt  }
0x6e: {  	_ =	shalt  }
0x6f: {  	_ =	shalt  }
0x70: {  	_ =	shalt  }
0x71: {  	_ =	shalt  }
0x72: {  	_ =	shalt  }
0x73: {  	_ =	shalt  }
0x74: {  	_ =	shalt  }
0x75: {  	_ =	shalt  }
0x76: {  	_ =	shalt  }
0x77: {  	_ =	shalt  }
0x78: {  	_ =	shalt  }
0x79: {  	_ =	shalt  }
0x7a: {  	_ =	shalt  }
0x7b: {  	_ =	shalt  }
0x7c: {  	_ =	shalt  }
0x7d: {  	_ =	shalt  }
0x7e: {  	_ =	shalt  }
0x7f: {  	_ =	shalt  }
0x80: {  	_ =	shalt  }
0x81: {  	_ =	shalt  }
0x82: {  	_ =	shalt  }
0x83: {  	_ =	shalt  }
0x84: {  	_ =	shalt  }
0x85: {  	_ =	shalt  }
0x86: {  	_ =	shalt  }
0x87: {  	_ =	shalt  }
.Lfunc_end0:
.L_simem_size_0:
called_computation_lowered:
.L_overlay_start_0:
0x88: {  	s2 =	sld [smem:$0x3FD9]  }
0x89: {  	s3 =	sld [smem:$0x3FFE];
	_ =	sdelay $0x1  }
0x8a: {  	s1 =	srdreg.scid  }
0x8b: {  	s0 =	sand.u32 $0x1, s1  }
0x8c: {  	s17 =	sshll.u32 s0, $0xA;
	s2 =	sadd.s32 s3, s2  }
0x8d: {  	s2 =	sadd.s32 s2, s17  }
0x8e: {  	[smem:$0x3FB9] =	sst s2  }
0x8f: {  	_ = 	snop  }
0x90: {  	(tm) =	ssettm $0x1  }
0x91: {  	s18 =	sld [smem:$0x3FFB];
	_ =	sdelay $0x3  }
0x92: {  	_ =	strace s18  }
0x93: {  	s2 =	sld [smem:$0x3FFC];
	_ =	sdelay $0x3  }
0x94: {  	_ =	strace s2  }
0x95: {  	s2 =	sld [smem:$0x3FFD];
	_ =	sdelay $0x3  }
0x96: {  	_ =	strace s2  }
0x97: {  	_ =	strace $0x8FFFFFFF  }
0x98: {  	s19 =	sld [smem:$0x3FDB];
	_ =	sdelay $0x1  }
0x99: {  	s20 =	simm.s32 $_scs_section_size  }
0x9a: {  	s4 =	simm.s32 $_size__tile_overlayer_lowered;
	s5 =	simm.s32 $_tile_overlayer_lowered  }
0x9b: {  	s6 =	simm.s32 $0x1BFF;
	s21 =	sshll.u32 s5, $0x1;
	s3 =	sadd.s32 s20, s19  }
0x9c: {  	s22 =	simm.s32 $0x0;
	s4 =	sshll.u32 s4, $0x1;
	s5 =	sadd.s32 s21, s3  }
0x9d: {  	[timem:s22], [sflag:s6] =	dma.local [hbm:s5], s4  }
0x9e: {  	_ =	swait.ge [sflag:s6], s4  }
0x9f: {  	s4 =	ssub.s32 $0x0, s4;
	[sflag:s6] =	ssyncset.done $0x0  }
0xa0: {  	[sflag:s6] =	ssyncadd.s32 s4;
	_ =	sdelay $0x1  }
0xa1: {  	s23 =	simm.s32 $0x1B8B  }
0xa2: {  	_ =	swait.ge [sflag:s23], $0x1  }
0xa3: {  	[sflag:s23] =	ssyncset.done $0x0  }
0xa4: {  	[sflag:s23] =	ssyncadd.s32 $0xFFFFFFFF  }
0xa5: {  	s4 =	sld [smem:$0x0]  }
0xa6: {  	s5 =	sand.u32 $0xFFFFFFFE, s1  }
0xa7: {  	p0 =	sne.s32 s1, s5  }
0xa8: {  	s5 =	sshll.u32 @p0 s5, $0xE  }
0xa9: {  	s5 =	sadd.s32 @p0 $0x11B8D, s5;
	s6 =	sshll.u32 @p0 s4, $0x11  }
0xaa: {  	s5 =	sor.u32 @p0 s6, s5  }
0xab: {  	[sflag:s5] =	ssyncadd.remote.s32 @p0 $0x1;
	_ =	sdelay $0x1  }
0xac: {  	s5 =	simm.s32 @p0 $0x1B8D  }
0xad: {  	_ =	swait.eq @p0 [sflag:s5], $0x1  }
0xae: {  	[sflag:s5] =	ssyncadd.s32 @p0 $0xFFFFFFFF  }
0xaf: {  	s6 =	sshll.u32 @!p0 s1, $0xE  }
0xb0: {  	s6 =	sor.u32 @!p0 $0x4000, s6;
	s5 =	simm.s32 @!p0 $0x1B8D  }
0xb1: {  	s4 =	sshll.u32 @!p0 s4, $0x11;
	s6 =	sadd.s32 @!p0 $0x11B8D, s6;
	_ =	swait.eq @!p0 [sflag:s5], $0x1  }
0xb2: {  	s4 =	sor.u32 @!p0 s4, s6;
	[sflag:s5] =	ssyncadd.s32 @!p0 $0xFFFFFFFF  }
0xb3: {  	s25 =	simm.s32 $0x1B8E;
	s24 =	sld [smem:$0x3FFE];
	[sflag:s4] =	ssyncadd.remote.s32 @!p0 $0x1  }
0xb4: {  	s26 =	simm.s32 $execute0_lowered;
	[smem:$0x3FD2] =	sst s25  }
0xb5: {  	s5 =	sshll.u32 s26, $0x1;
	_ =	strace $0x80000049;
	[dreg:$0x1] =	wrdreg $0xFFFFFFFF  }
0xb6: {  	s28 =	simm.s32 $_size_execute0_lowered;
	s3 =	sadd.s32 s3, s5;
	[dreg:$0x0] =	wrdreg $0x0  }
0xb7: {  	s5 =	sshll.u32 s28, $0x1;
	[dreg:$0x2] =	wrdreg s3  }
0xb8: {  	[dreg:$0x3] =	wrdreg s5  }
0xb9: {  	[dreg:$0x4] =	wrdreg $0xC0  }
0xba: {  	_ =	task [dreg:s22], $0x5FFFF  }
0xbb: {  	[dreg:$0x1] =	wrdreg $0xFFFFFFFF  }
0xbc: {  	[dreg:$0x0] =	wrdreg $0x60  }
0xbd: {  	[dreg:$0x2] =	wrdreg s24  }
0xbe: {  	[dreg:$0x3] =	wrdreg $0x3F100  }
0xbf: {  	[dreg:$0x4] =	wrdreg $0x9  }
0xc0: {  	_ =	task.clear_ibuf [dreg:s22], $0x5FFFF;
	_ =	strace $0x90000049  }
0xc1: {  	s29 =	simm.s32 $0x9;
	_ =	strace $0x8000004B  }
0xc2: {  	_ =	swait.ge [sflag:s29], $0x1  }
0xc3: {  	[sflag:s29] =	ssyncadd.s32 $0xFFFFFFFF  }
0xc4: {  	_ =	strace $0x9000004B  }
0xc5: {  	_ =	sfence  }
0xc6: {  	s30 =	sld [smem:$0x0];
	_ =	sdelay $0x2  }
0xc7: {  	s31 =	sshll.u32 s1, $0xD;
	s1 =	sshrl.u32 s1, $0x2  }
0xc8: {  	s4 =	sand.u32 $0x4000, s31;
	s1 =	sadd.s32 s1, s30  }
0xc9: {  	s0 =	sor.u32 s4, s0;
	s1 =	sshll.u32 s1, $0x11  }
0xca: {  	s0 =	sor.u32 s1, s0  }
0xcb: {  	s0 =	sadd.s32 $0x8F2B, s0  }
0xcc: {  	[sflag:s0] =	ssyncadd.remote.s32 $0x1  }
0xcd: {  	_ =	sfence.sel $0xFFFF  }
0xce: {  	[dreg:$0x0] =	wrdreg $0xFFFFFFFF;
	(pc) =	sbr.abs _section_cstart, $3  }
0xcf: {  	[dreg:$0x1] =	wrdreg $0xFFFFFFFF  }
0xd0: {  	_ =	task.clear_ibuf [dreg:s22], $0x2FFFF;
	_ =	strace $0x9FFFFFFF  }
0xd1: {  	(tm) =	ssettm $0x7FFFFFFF  }
tec
execute0_lowered:
.L_overlay_start_1:
0x0: {  	(tag) =	ssettag $0x1  }
0x1: {  	s0 =	srdreg.scid;
	s1 =	rddreg [dreg:$0x0]  }
0x2: {  	s12 =	stileid.u32;
	s2 =	rddreg [dreg:$0x1];
	s28 =	simm.s32 $0x3  }
0x3: {  	s29 =	simm.s32 $0x4;
	s30 =	simm.s32 $0x5;
	s31 =	simm.s32 $0x6  }
0x4: {  	s0 =	sand.u32 $0x1, s0;
	s7 =	smul.u32 $0x2800, s12;
	s4 =	sadd.s32 $0x52C400, s1  }
0x5: {  	s11 =	sadd.s32 $0x4A400, s1;
	s21 =	sshll.u32 s12, $0x6;
	s8 =	smul.u32 $0x28000, s0  }
0x6: {  	s3 =	sshll.u32 s0, $0x4;
	s19 =	ssub.s32 $0x2, s0;
	s0 =	smul.u32 $0x271000, s0  }
0x7: {  	s5 =	sor.u32 s12, s3;
	s3 =	simm.s32 $0x0;
	s12 =	smul.u32 $0x27100, s12  }
0x8: {  	s20 =	sshrl.u32 s19, $0x1;
	s6 =	smul.u32 $0x4E0, s5;
	[smem:$0x7FF] =	sst s3  }
0x9: {  	s17 =	sshll.u32 s5, $0x1;
	s18 =	sadd.s32 s7, s8;
	s8 =	ssub.s32 s19, s20  }
0xa: {  	s5 =	smul.u32 $0x27100, s5;
	s7 =	sadd.s32 s7, s2;
	s19 =	simm.s32 $0x7  }
0xb: {  	_ =	strace $0x8000004A;
	s10 =	sadd.s32 s17, s1;
	[dreg:$0x3] =	wrdreg s11  }
0xc: {  	s0 =	sadd.s32 s12, s0;
	s9 =	sadd.s32 s6, s1;
	s6 =	sshrl.u32 s18, $0x3  }
0xd: {  	s5 =	sshrl.u32 s5, $0x3;
	s22 =	sadd.s32 $0x4A200, s10;
	s24 =	sadd.s32 $0x2800, s0  }
0xe: {  	s14 =	sadd.s32 $0x2000, s0;
	s17 =	sadd.s32 $0x1800, s0;
	s18 =	sshrl.u32 s7, $0x3  }
0xf: {  	s1 =	sadd.s32 s6, s1;
	s6 =	sor.u32 $0x1C07, s21;
	s9 =	sadd.s32 $0x40600, s9  }
0x10: {  	[dreg:$0x5] =	wrdreg s22;
	s25 =	sshrl.u32 s24, $0x3;
	s26 =	sshrl.u32 s14, $0x3  }
0x11: {  	s14 =	smax.u32 s8, $0x1;
	s21 =	simm.s32 $0x2710;
	s22 =	simm.s32 $0x2F10  }
0x12: {  	s24 =	simm.s32 $0x1;
	[dreg:$0x4] =	wrdreg s9;
	s9 =	sadd.s32 s4, s5  }
0x13: {  	s13 =	sadd.s32 $0x4AA00, s1;
	s8 =	sadd.s32 s25, s4;
	s16 =	sadd.s32 s26, s4  }
0x14: {  	s25 =	simm.s32 $0x80;
	s26 =	simm.s32 $0x2;
	s5 =	sadd.s32 $0x100, s9  }
0x15: {  	s1 =	simm.s32 $0x0;
	s23 =	sadd.s32 $0x200, s9;
	[dreg:$0x6] =	wrdreg s5  }
0x16: {  	vm0 =	vmmov $0xffff;
	s12 =	sadd.s32 $0x4E00, s9;
	[dreg:$0x7] =	wrdreg s23;
	s23 =	simm.s32 $0x3710  }
.LBB2_1:
0x17: {  	s0 =	rddreg [dreg:$0x3]  }
0x18: {  	[spmem:s18], [sflag:s6] =	dma.local [hbm:s0], $0x500  }
0x19: {  	_ =	swait.ge [sflag:s19], $0x500  }
0x1a: {  	[sflag:s19] =	ssyncset.done $0x0  }
0x1b: {  	s15 =	rddreg [dreg:$0x4];
	[sflag:s19] =	ssyncadd.s32 $0xFFFFFB00  }
0x1c: {  	[tilespmem:s3], [sflag:$0x7] =	stream.linear.gather [hbm4b:s15+s3], $0x2700, $0x38;
	[tilespmem:$0x6710] =	vst v63  }
0x1d: {  	_ =	swait.ge [sflag:s19], $0x2700  }
0x1e: {  	[sflag:s19] =	ssyncset.done $0x0  }
0x1f: {  	s5 =	simm.s32 $0x2700;
	s20 =	rddreg [dreg:$0x5];
	[sflag:s19] =	ssyncadd.s32 $0xFFFFD900  }
0x20: {  	[tilespmem:s5], [sflag:$0x7] =	stream.linear.gather [hbm4b:s20+s3], $0x10, $0x38;
	[tilespmem:$0x6710] =	vst v63  }
0x21: {  	_ =	swait.ge [sflag:s19], $0x10  }
0x22: {  	[sflag:s19] =	ssyncset.done $0x0  }
0x23: {  	[sflag:s19] =	ssyncadd.s32 $0xFFFFFFF0  }
0x24: {  	[bflag:$0x0] =	sbarrier.arrive $0xFFFF  }
0x25: {  	[tilespmem:s21], [sflag:$0x1] =	stream.linear.gather [hbm4b:s9+s3], $0x800, $0x38;
	[tilespmem:$0x6710] =	vst v63  }
0x26: {  	s5 =	rddreg [dreg:$0x6]  }
0x27: {  	[tilespmem:s22], [sflag:$0x2] =	stream.linear.gather [hbm4b:s5+s3], $0x800, $0x38;
	[tilespmem:$0x6710] =	vst v63  }
0x28: {  	s7 =	rddreg [dreg:$0x7]  }
0x29: {  	[tilespmem:s23], [sflag:$0x3] =	stream.linear.gather [hbm4b:s7+s3], $0x800, $0x38;
	[tilespmem:$0x6710] =	vst v63  }
0x2a: {  	_ =	swait.ge [sflag:s24], $0x800  }
0x2b: {  	[sflag:s24] =	ssyncset.done $0x0  }
0x2c: {  	s10 =	simm.s32 $0x0;
	[sflag:s24] =	ssyncadd.s32 $0xFFFFF800  }
0x2d: {  	[spmem:s2] =	stream.indirect.scatter.add.f32 [tilespmem:s21], [sflag:$0x4], $0x10, s10, s25, $0xb8;
	[tilespmem:$0x6710] =	vst v63  }
0x2e: {  	_ =	swait.ge [sflag:s26], $0x800  }
0x2f: {  	[sflag:s26] =	ssyncset.done $0x0  }
0x30: {  	s11 =	simm.s32 $0x80;
	[sflag:s26] =	ssyncadd.s32 $0xFFFFF800  }
0x31: {  	[spmem:s2] =	stream.indirect.scatter.add.f32 [tilespmem:s22], [sflag:$0x5], $0x10, s11, s25, $0xb8;
	[tilespmem:$0x6710] =	vst v63  }
0x32: {  	_ =	swait.ge [sflag:s28], $0x800  }
0x33: {  	[sflag:s28] =	ssyncset.done $0x0  }
0x34: {  	s15 =	simm.s32 $0x100;
	[sflag:s28] =	ssyncadd.s32 $0xFFFFF800  }
0x35: {  	[spmem:s2] =	stream.indirect.scatter.add.f32 [tilespmem:s23], [sflag:$0x6], $0x10, s15, s25, $0xb8;
	[tilespmem:$0x6710] =	vst v63  }
0x36: {  	_ =	swait.ge [sflag:s29], $0x800  }
0x37: {  	s20 =	sshrl.u32 s17, $0x3;
	[sflag:s29] =	ssyncset.done $0x0  }
0x38: {  	s0 =	sadd.s32 s4, s20;
	[sflag:s29] =	ssyncadd.s32 $0xFFFFF800  }
0x39: {  	[tilespmem:s21], [sflag:$0x1] =	stream.linear.gather [hbm4b:s0+s3], $0x800, $0x38;
	[tilespmem:$0x6710] =	vst v63  }
0x3a: {  	_ =	swait.ge [sflag:s30], $0x800  }
0x3b: {  	[sflag:s30] =	ssyncset.done $0x0  }
0x3c: {  	[sflag:s30] =	ssyncadd.s32 $0xFFFFF800  }
0x3d: {  	[tilespmem:s22], [sflag:$0x2] =	stream.linear.gather [hbm4b:s16+s3], $0x800, $0x38;
	[tilespmem:$0x6710] =	vst v63  }
0x3e: {  	s20 =	sadd.s32 $0x1800, s17;
	_ =	swait.ge [sflag:s31], $0x800  }
0x3f: {  	s5 =	sadd.s32 $0x300, s8;
	s7 =	sadd.s32 $0x300, s16;
	[sflag:s31] =	ssyncset.done $0x0  }
0x40: {  	s15 =	smov.u32 s8;
	s0 =	simm.s32 $0x600;
	[sflag:s31] =	ssyncadd.s32 $0xFFFFF800  }
.LBB2_2:
0x41: {  	[tilespmem:s23], [sflag:$0x3] =	stream.linear.gather [hbm4b:s15+s3], $0x800, $0x38;
	[tilespmem:$0x6710] =	vst v63  }
0x42: {  	s10 =	smov.u32 s0;
	s15 =	smov.u32 s5  }
0x43: {  	p0 =	sne.s32 s0, $0x9000;
	s0 =	sadd.s32 $0x600, s0;
	_ =	swait.ge [sflag:s24], $0x800  }
0x44: {  	[sflag:s24] =	ssyncset.done $0x0  }
0x45: {  	s10 =	sshra.s32 s10, $0x2;
	[sflag:s24] =	ssyncadd.s32 $0xFFFFF800  }
0x46: {  	[spmem:s2] =	stream.indirect.scatter.add.f32 [tilespmem:s21], [sflag:$0x4], $0x10, s10, s25, $0xb8;
	[tilespmem:$0x6710] =	vst v63  }
0x47: {  	_ =	swait.ge [sflag:s26], $0x800  }
0x48: {  	[sflag:s26] =	ssyncset.done $0x0  }
0x49: {  	s11 =	sadd.s32 $0x80, s10;
	[sflag:s26] =	ssyncadd.s32 $0xFFFFF800  }
0x4a: {  	[spmem:s2] =	stream.indirect.scatter.add.f32 [tilespmem:s22], [sflag:$0x5], $0x10, s11, s25, $0xb8;
	[tilespmem:$0x6710] =	vst v63  }
0x4b: {  	_ =	swait.ge [sflag:s28], $0x800  }
0x4c: {  	[sflag:s28] =	ssyncset.done $0x0  }
0x4d: {  	s10 =	sadd.s32 $0x100, s10;
	[sflag:s28] =	ssyncadd.s32 $0xFFFFF800  }
0x4e: {  	[spmem:s2] =	stream.indirect.scatter.add.f32 [tilespmem:s23], [sflag:$0x6], $0x10, s10, s25, $0xb8;
	[tilespmem:$0x6710] =	vst v63  }
0x4f: {  	_ =	swait.ge [sflag:s29], $0x800  }
0x50: {  	s10 =	sshrl.u32 s20, $0x3;
	[sflag:s29] =	ssyncset.done $0x0  }
0x51: {  	s10 =	sadd.s32 s4, s10;
	[sflag:s29] =	ssyncadd.s32 $0xFFFFF800  }
0x52: {  	[tilespmem:s21], [sflag:$0x1] =	stream.linear.gather [hbm4b:s10+s3], $0x800, $0x38;
	[tilespmem:$0x6710] =	vst v63  }
0x53: {  	_ =	swait.ge [sflag:s30], $0x800  }
0x54: {  	[sflag:s30] =	ssyncset.done $0x0  }
.Ltmp0:
0x55: {  	[sflag:s30] =	ssyncadd.s32 $0xFFFFF800;
	(pc) =	sbr.rel @p0 .LBB2_2-.Ltmp0, $4  }
0x56: {  	[tilespmem:s22], [sflag:$0x2] =	stream.linear.gather [hbm4b:s7+s3], $0x800, $0x38;
	[tilespmem:$0x6710] =	vst v63  }
0x57: {  	_ =	swait.ge [sflag:s31], $0x800  }
0x58: {  	s20 =	sadd.s32 $0x1800, s20;
	[sflag:s31] =	ssyncset.done $0x0  }
0x59: {  	s5 =	sadd.s32 $0x300, s5;
	s7 =	sadd.s32 $0x300, s7;
	[sflag:s31] =	ssyncadd.s32 $0xFFFFF800  }
0x5a: {  	[tilespmem:s23], [sflag:$0x3] =	stream.linear.gather [hbm4b:s15+s3], $0x800, $0x38;
	[tilespmem:$0x6710] =	vst v63  }
0x5b: {  	_ =	swait.ge [sflag:s24], $0x800  }
0x5c: {  	[sflag:s24] =	ssyncset.done $0x0  }
0x5d: {  	s0 =	simm.s32 $0x2580;
	[sflag:s24] =	ssyncadd.s32 $0xFFFFF800  }
0x5e: {  	[spmem:s2] =	stream.indirect.scatter.add.f32 [tilespmem:s21], [sflag:$0x4], $0x10, s0, s25, $0xb8;
	[tilespmem:$0x6710] =	vst v63  }
0x5f: {  	_ =	swait.ge [sflag:s26], $0x800  }
0x60: {  	[sflag:s26] =	ssyncset.done $0x0  }
0x61: {  	s15 =	simm.s32 $0x2600;
	[sflag:s26] =	ssyncadd.s32 $0xFFFFF800  }
0x62: {  	[spmem:s2] =	stream.indirect.scatter.add.f32 [tilespmem:s22], [sflag:$0x5], $0x10, s15, s25, $0xb8;
	[tilespmem:$0x6710] =	vst v63  }
0x63: {  	_ =	swait.ge [sflag:s28], $0x800  }
0x64: {  	[sflag:s28] =	ssyncset.done $0x0  }
0x65: {  	s20 =	simm.s32 $0x2680;
	[sflag:s28] =	ssyncadd.s32 $0xFFFFF800  }
0x66: {  	[spmem:s2] =	stream.indirect.scatter.add.f32 [tilespmem:s23], [sflag:$0x6], $0x10, s20, s25, $0xb8;
	[tilespmem:$0x6710] =	vst v63  }
0x67: {  	_ =	swait.ge [sflag:s29], $0x800  }
0x68: {  	[sflag:s29] =	ssyncset.done $0x0  }
0x69: {  	[sflag:s29] =	ssyncadd.s32 $0xFFFFF800  }
0x6a: {  	_ =	swait.ge [sflag:s30], $0x800  }
0x6b: {  	[sflag:s30] =	ssyncset.done $0x0  }
0x6c: {  	[sflag:s30] =	ssyncadd.s32 $0xFFFFF800  }
0x6d: {  	_ =	swait.ge [sflag:s31], $0x800  }
0x6e: {  	[sflag:s31] =	ssyncset.done $0x0  }
0x6f: {  	[sflag:s31] =	ssyncadd.s32 $0xFFFFF800  }
0x70: {  	[tilespmem:s21], [sflag:$0x7] =	stream.linear.gather [hbm4b:s12+s3], $0x100, $0x38;
	[tilespmem:$0x6710] =	vst v63  }
0x71: {  	_ =	swait.ge [sflag:s19], $0x100  }
0x72: {  	[sflag:s19] =	ssyncset.done $0x0  }
0x73: {  	[sflag:s19] =	ssyncadd.s32 $0xFFFFFF00  }
0x74: {  	v0 =	vld [tilespmem:$0x2700];
	_ =	sdelay $0x7  }
0x75: {  	[spmem:s2] =	stream.indirect_vreg.scatter.add.f32 [tilespmem:s21], [sflag:$0x7], $0x10, v0, vm0, $0xb8;
	[tilespmem:$0x6710] =	vst v63  }
0x76: {  	_ =	swait.ge [sflag:s19], $0x100  }
0x77: {  	s1 =	sadd.s32 $0x1, s1;
	[sflag:s19] =	ssyncset.done $0x0  }
0x78: {  	p0 =	sne.s32 s1, s14;
	[sflag:s19] =	ssyncadd.s32 $0xFFFFFF00  }
.Ltmp1:
0x79: {  	[bflag:$0x0] =	sbarrier.arrive $0xFFFF;
	(pc) =	sbr.rel @p0 .LBB2_1-.Ltmp1, $4  }
0x7a: {  	[hbm:s13], [sflag:s6] =	dma.local [spmem:s18], $0x500  }
0x7b: {  	_ =	swait.ge [sflag:s19], $0x500  }
0x7c: {  	[sflag:s19] =	ssyncset.done $0x0  }
0x7d: {  	[sflag:s19] =	ssyncadd.s32 $0xFFFFFB00  }
0x7e: {  	_ =	sfence.sel $0x180000  }
0x7f: {  	[bflag:$0x0] =	sbarrier.arrive $0xFFFF  }
0x80: {  	_ =	strace $0x9000004A  }
0x81: {  	s0 =	stileid.u32;
	[bflag:$0x2] =	sbarrier.arrive $0xFFFF  }
0x82: {  	p0 =	sne.s32 s0, $0x0;
	s0 =	rddreg [dreg:$0x2]  }
0x83: {  	s0 =	sadd.s32 @!p0 $0x100000, s0  }
0x84: {  	[sflag:s0] =	ssyncadd.tile.s32 @!p0 $0x1;
	_ =	shalt  }
.Lfunc_end2:
_tile_overlayer_lowered:
.L_overlay_start_2:
0x85: {  	(tag) =	ssettag $0x2  }
0x86: {  	s0 =	rddreg [dreg:$0x0];
	s2 =	stileid.u32  }
0x87: {  	s1 =	rddreg [dreg:$0x1];
	p0 =	sne.s32 s2, $0x0  }
0x88: {  	s3 =	rddreg [dreg:$0x2];
	[bflag:$0x3] =	sbarrier.arrive $0xFFFF;
	s2 =	simm.s32 @!p0 $0x1C07  }
0x89: {  	[timem:s3], [sflag:s2] =	dma.local @!p0 [hbm:s0], s1  }
0x8a: {  	s0 =	simm.s32 @!p0 $0x7  }
0x8b: {  	_ =	swait.ge @!p0 [sflag:s0], s1  }
0x8c: {  	s1 =	ssub.s32 @!p0 $0x0, s1;
	[sflag:s0] =	ssyncset.done @!p0 $0x0  }
0x8d: {  	[sflag:s0] =	ssyncadd.s32 @!p0 s1  }
0x8e: {  	[bflag:$0x3] =	sbarrier.arrive $0xFFFF  }
0x8f: {  	_ =	shalt  }

</sc_bundles>
